<compile_context>
chip_gen: v7x
topology: tpu7x:2x2x1
jax: 0.10.2.dev20260603
libtpu: 0.0.44.dev20260713+nightly
codegen_flags: <defaults>
</compile_context>

<pallas_src>
import functools

import jax
import jax.numpy as jnp
from jax import lax
from jax.experimental import pallas as pl
from jax.experimental.pallas import tpu as pltpu
from jax.experimental.pallas import tpu_sc as plsc

D = 128
LANES = 16
NC, NS = 2, 16
NW = NC * NS
E_TOTAL = 320000
N_NODES = 10000
EPW = E_TOTAL // NW
CHUNK = 40
ROW = 2 * CHUNK
NCHUNK = EPW // CHUNK
GRP = 10
NGRP = NCHUNK // GRP
STAGE = 9984 // NS


def _build_kernel():
    mesh = plsc.VectorSubcoreMesh(core_axis_name="c", subcore_axis_name="s")

    @functools.partial(
        pl.kernel,
        mesh=mesh,
        out_type=jax.ShapeDtypeStruct((E_TOTAL, D), jnp.float32),
        scratch_types=[
            pltpu.VMEM((2 * GRP, ROW), jnp.int32),
            pltpu.VMEM((ROW, D), jnp.float32),
            pltpu.VMEM((ROW, D), jnp.float32),
            pltpu.VMEM((ROW, D), jnp.float32),
            pltpu.VMEM((ROW, D), jnp.float32),
            pltpu.VMEM_SHARED((N_NODES, D), jnp.float32),
            pltpu.SemaphoreType.DMA,
            pltpu.SemaphoreType.DMA,
            pltpu.SemaphoreType.DMA,
            pltpu.SemaphoreType.DMA,
            pltpu.SemaphoreType.DMA,
            pltpu.SemaphoreType.DMA,
            pltpu.SemaphoreType.DMA,
            pltpu.SemaphoreType.DMA,
        ],
    )
    def had_kernel(h_hbm, idx_hbm, out_hbm,
                   gidx, gbuf0, gbuf1, gbuf2, gbuf3,
                   h_sp, gsem0, gsem1, gsem2, gsem3,
                   wsem0, wsem1, wsem2, wsem3):
        wid = lax.axis_index("s") * NC + lax.axis_index("c")
        tid = lax.axis_index("s")
        gbuf = (gbuf0, gbuf1, gbuf2, gbuf3)
        gsem = (gsem0, gsem1, gsem2, gsem3)
        wsem = (wsem0, wsem1, wsem2, wsem3)

        pltpu.sync_copy(h_hbm.at[pl.ds(tid * STAGE, STAGE)],
                        h_sp.at[pl.ds(tid * STAGE, STAGE)])

        @pl.when(tid == 0)
        def _tail():
            pltpu.sync_copy(h_hbm.at[pl.ds(NS * STAGE, N_NODES - NS * STAGE)],
                            h_sp.at[pl.ds(NS * STAGE, N_NODES - NS * STAGE)])

        def load_group(g):
            pltpu.sync_copy(idx_hbm.at[wid, g],
                            gidx.at[pl.ds((g % 2) * GRP, GRP)])

        load_group(0)
        plsc.subcore_barrier()

        def table_for(s):
            return h_hbm if s == 3 else h_sp

        def fire_gather(c, s):
            pltpu.async_copy(table_for(s).at[gidx.at[c % (2 * GRP)]],
                             gbuf[s], gsem[s])

        def wait_gather(s):
            pltpu.make_async_copy(table_for(s).at[gidx.at[0]], gbuf[s],
                                  gsem[s]).wait()

        def multiply(s):
            def row_body(e, carry2):
                for d in range(D // LANES):
                    sl = pl.ds(d * LANES, LANES)
                    gbuf[s][e, sl] = gbuf[s][e, sl] * gbuf[s][e + CHUNK, sl]
                return carry2

            lax.fori_loop(0, CHUNK, row_body, 0, unroll=2)

        def fire_wb(c, s):
            off = wid * EPW + c * CHUNK
            pltpu.async_copy(gbuf[s].at[pl.ds(0, CHUNK)],
                             out_hbm.at[pl.ds(off, CHUNK)], wsem[s])

        def wait_wb(c, s):
            off = wid * EPW + c * CHUNK
            pltpu.make_async_copy(gbuf[s].at[pl.ds(0, CHUNK)],
                                  out_hbm.at[pl.ds(off, CHUNK)],
                                  wsem[s]).wait()

        def maybe_load_then_fire(c, s):
            @pl.when(c + 2 < NCHUNK)
            def _():
                @pl.when((c + 2) % GRP == 0)
                def _load():
                    load_group((c + 2) // GRP)

                fire_gather(c + 2, s)

        fire_gather(0, 0)
        fire_gather(1, 1)
        wait_gather(0)
        maybe_load_then_fire(0, 2)
        multiply(0)
        fire_wb(0, 0)
        wait_gather(1)
        maybe_load_then_fire(1, 3)
        multiply(1)
        fire_wb(1, 1)

        def quad_body(i, carry):
            for b in range(4):
                c = 2 + i * 4 + b
                s = (2 + b) % 4
                wait_gather(s)
                wait_wb(c - 2, b)
                maybe_load_then_fire(c, b)
                multiply(s)
                fire_wb(c, s)
            return carry

        lax.fori_loop(0, (NCHUNK - 2) // 4, quad_body, 0, unroll=False)

        wait_wb(NCHUNK - 2, (NCHUNK - 2) % 4)
        wait_wb(NCHUNK - 1, (NCHUNK - 1) % 4)

    return had_kernel


_had_kernel = _build_kernel()


@jax.jit
def kernel(h, edge_label_index):
    ei = edge_label_index.astype(jnp.int32)
    src = ei[0].reshape(NW, NCHUNK, CHUNK)
    dst = ei[1].reshape(NW, NCHUNK, CHUNK)
    comb = jnp.concatenate([src, dst], axis=-1)
    comb = comb.reshape(NW, NGRP, GRP, ROW)
    return _had_kernel(h, comb)

# --- scband reference (transcript-rebuilt; emitter-appended) ---
"""Pipeline reference for scband-edge-encoder-1803886264421 (READ-ONLY COPY).

The authoritative reference and input builder live on the scoring server;
editing this copy changes nothing except your own understanding.
"""

import jax, jax.numpy as jnp
import numpy as np


def setup_inputs(seed: int = 0) -> dict:
    key = jax.random.key(seed)
    k1, k2 = jax.random.split(key)
    h = jax.random.normal(k1, (10000, 128), dtype=jnp.float32)
    edge_label_index = jax.random.randint(k2, (2, 320000), 0, 10000, dtype=jnp.int64)
    return {"h": h, "edge_label_index": edge_label_index}


def reference(h, edge_label_index):
    # operator == 'HAD'
    src_h = jnp.take(h, edge_label_index[0], axis=0)
    dst_h = jnp.take(h, edge_label_index[1], axis=0)
    link_f = src_h * dst_h
    return link_f

if __name__ == "__main__":
    import jax
    _d = setup_inputs()
    print(jax.jit(kernel)(*tuple(_d.values())))

</pallas_src>

<mosaic_0001>
#map = affine_map<(d0, d1) -> (0, 0)>
#map1 = affine_map<(d0, d1) -> (0, 0, 0, 0)>
module attributes {stable_mosaic.version = 14 : i64} {
  func.func @had_kernel(%arg0: i32, %arg1: i32, %arg2: memref<10000x128xf32, #tpu.memory_space<hbm>>, %arg3: memref<32x25x10x80xi32, #tpu.memory_space<hbm>>, %arg4: memref<320000x128xf32, #tpu.memory_space<hbm>>, %arg5: memref<20x80xi32, #tpu.memory_space<vmem>>, %arg6: memref<80x128xf32, #tpu.memory_space<vmem>>, %arg7: memref<80x128xf32, #tpu.memory_space<vmem>>, %arg8: memref<80x128xf32, #tpu.memory_space<vmem>>, %arg9: memref<80x128xf32, #tpu.memory_space<vmem>>, %arg10: memref<10000x128xf32, #tpu.memory_space<vmem_shared>>, %arg11: memref<!tpu.dma_semaphore, #tpu.memory_space<semaphore_mem>>, %arg12: memref<!tpu.dma_semaphore, #tpu.memory_space<semaphore_mem>>, %arg13: memref<!tpu.dma_semaphore, #tpu.memory_space<semaphore_mem>>, %arg14: memref<!tpu.dma_semaphore, #tpu.memory_space<semaphore_mem>>, %arg15: memref<!tpu.dma_semaphore, #tpu.memory_space<semaphore_mem>>, %arg16: memref<!tpu.dma_semaphore, #tpu.memory_space<semaphore_mem>>, %arg17: memref<!tpu.dma_semaphore, #tpu.memory_space<semaphore_mem>>, %arg18: memref<!tpu.dma_semaphore, #tpu.memory_space<semaphore_mem>>) attributes {dimension_semantics = [#tpu.dimension_semantics<core_parallel>, #tpu.dimension_semantics<subcore_parallel>], iteration_bounds = array<i64: 2, 16>, scalar_prefetch = 0 : i64, scratch_operands = 14 : i64, tpu.core_type = #tpu.core_type<sc_vector_subcore>, window_params = [{transform_indices = #map}, {transform_indices = #map1}, {transform_indices = #map}]} {
    %mul3A = arith.constant 2 : i32
    %mul3A_0 = arith.muli %arg1, %mul3A : i32
    %add3A = arith.addi %mul3A_0, %arg0 : i32
    %mul3A_1 = arith.constant 624 : i32
    %mul3A_2 = arith.muli %arg1, %mul3A_1 : i32
    %mul3A_3 = arith.constant 624 : i32
    %mul3A_4 = arith.muli %arg1, %mul3A_3 : i32
    "tpu.region"() ({
      %run_scoped3A_120 = tpu.sem_alloc : memref<!tpu.dma_semaphore, #tpu.memory_space<semaphore_mem>>
      %dma_start3A_121 = arith.constant 0 : i32
      %dma_start3A_122 = tpu.memref_slice %arg10[%mul3A_4, %dma_start3A_121] : memref<10000x128xf32, #tpu.memory_space<vmem_shared>> -> memref<624x128xf32, #tpu.memory_space<vmem_shared>>
      %dma_start3A_123 = arith.constant 0 : i32
      %dma_start3A_124 = tpu.memref_slice %arg2[%mul3A_2, %dma_start3A_123] : memref<10000x128xf32, #tpu.memory_space<hbm>> -> memref<624x128xf32, #tpu.memory_space<hbm>>
      tpu.enqueue_dma source(%dma_start3A_124 : memref<624x128xf32, #tpu.memory_space<hbm>>) target(%dma_start3A_122 : memref<624x128xf32, #tpu.memory_space<vmem_shared>>) target_semaphore(%run_scoped3A_120 : memref<!tpu.dma_semaphore, #tpu.memory_space<semaphore_mem>>)
      %dma_wait3A_125 = arith.constant 0 : i32
      %dma_wait3A_126 = tpu.memref_slice %arg10[%mul3A_4, %dma_wait3A_125] : memref<10000x128xf32, #tpu.memory_space<vmem_shared>> -> memref<624x128xf32, #tpu.memory_space<vmem_shared>>
      %dma_wait3A_127 = arith.constant 0 : i32
      %dma_wait3A_128 = tpu.memref_slice %arg2[%mul3A_2, %dma_wait3A_127] : memref<10000x128xf32, #tpu.memory_space<hbm>> -> memref<624x128xf32, #tpu.memory_space<hbm>>
      tpu.wait_dma2 semaphore(%run_scoped3A_120 : memref<!tpu.dma_semaphore, #tpu.memory_space<semaphore_mem>>) src(%dma_wait3A_128 : memref<624x128xf32, #tpu.memory_space<hbm>>) dst(%dma_wait3A_126 : memref<624x128xf32, #tpu.memory_space<vmem_shared>>)
      tpu.yield
    }) : () -> ()
    %eq3A = arith.constant 0 : i32
    %eq3A_5 = arith.cmpi eq, %arg1, %eq3A : i32
    %convert_element_type3A = arith.extui %eq3A_5 : i1 to i32
    %cond3A = arith.constant 0 : i32
    %cond3A_6 = arith.cmpi ne, %convert_element_type3A, %cond3A : i32
    scf.if %cond3A_6 {
      "tpu.region"() ({
        %run_scoped3A_120 = tpu.sem_alloc : memref<!tpu.dma_semaphore, #tpu.memory_space<semaphore_mem>>
        %dma_start3A_121 = arith.constant 9984 : i32
        %dma_start3A_122 = arith.constant 0 : i32
        %dma_start3A_123 = tpu.memref_slice %arg10[%dma_start3A_121, %dma_start3A_122] : memref<10000x128xf32, #tpu.memory_space<vmem_shared>> -> memref<16x128xf32, #tpu.memory_space<vmem_shared>>
        %dma_start3A_124 = arith.constant 9984 : i32
        %dma_start3A_125 = arith.constant 0 : i32
        %dma_start3A_126 = tpu.memref_slice %arg2[%dma_start3A_124, %dma_start3A_125] : memref<10000x128xf32, #tpu.memory_space<hbm>> -> memref<16x128xf32, #tpu.memory_space<hbm>>
        tpu.enqueue_dma source(%dma_start3A_126 : memref<16x128xf32, #tpu.memory_space<hbm>>) target(%dma_start3A_123 : memref<16x128xf32, #tpu.memory_space<vmem_shared>>) target_semaphore(%run_scoped3A_120 : memref<!tpu.dma_semaphore, #tpu.memory_space<semaphore_mem>>)
        %dma_wait3A_127 = arith.constant 9984 : i32
        %dma_wait3A_128 = arith.constant 0 : i32
        %dma_wait3A_129 = tpu.memref_slice %arg10[%dma_wait3A_127, %dma_wait3A_128] : memref<10000x128xf32, #tpu.memory_space<vmem_shared>> -> memref<16x128xf32, #tpu.memory_space<vmem_shared>>
        %dma_wait3A_130 = arith.constant 9984 : i32
        %dma_wait3A_131 = arith.constant 0 : i32
        %dma_wait3A_132 = tpu.memref_slice %arg2[%dma_wait3A_130, %dma_wait3A_131] : memref<10000x128xf32, #tpu.memory_space<hbm>> -> memref<16x128xf32, #tpu.memory_space<hbm>>
        tpu.wait_dma2 semaphore(%run_scoped3A_120 : memref<!tpu.dma_semaphore, #tpu.memory_space<semaphore_mem>>) src(%dma_wait3A_132 : memref<16x128xf32, #tpu.memory_space<hbm>>) dst(%dma_wait3A_129 : memref<16x128xf32, #tpu.memory_space<vmem_shared>>)
        tpu.yield
      }) : () -> ()
    } else {
    }
    %run_scoped3A = arith.constant 0 : i32
    "tpu.region"() ({
      %run_scoped3A_120 = tpu.sem_alloc : memref<!tpu.dma_semaphore, #tpu.memory_space<semaphore_mem>>
      %dma_start3A_121 = arith.constant 0 : i32
      %dma_start3A_122 = arith.constant 0 : i32
      %dma_start3A_123 = tpu.memref_slice %arg5[%dma_start3A_121, %dma_start3A_122] : memref<20x80xi32, #tpu.memory_space<vmem>> -> memref<10x80xi32, #tpu.memory_space<vmem>>
      %dma_start3A_124 = arith.constant 0 : i32
      %dma_start3A_125 = arith.constant 0 : i32
      %dma_start3A_126 = tpu.memref_slice %arg3[%add3A, %run_scoped3A, %dma_start3A_124, %dma_start3A_125] : memref<32x25x10x80xi32, #tpu.memory_space<hbm>> -> memref<1x1x10x80xi32, #tpu.memory_space<hbm>>
      %dma_start3A_127 = tpu.memref_squeeze %dma_start3A_126 : memref<1x1x10x80xi32, #tpu.memory_space<hbm>> -> memref<10x80xi32, #tpu.memory_space<hbm>>
      %dma_start3A_128 = arith.constant 0 : i32
      %dma_start3A_129 = arith.constant 0 : i32
      %dma_start3A_130 = tpu.memref_slice %arg5[%dma_start3A_128, %dma_start3A_129] : memref<20x80xi32, #tpu.memory_space<vmem>> -> memref<10x80xi32, #tpu.memory_space<vmem>>
      %dma_start3A_131 = arith.constant 0 : i32
      %dma_start3A_132 = arith.constant 0 : i32
      %dma_start3A_133 = tpu.memref_slice %arg3[%add3A, %run_scoped3A, %dma_start3A_131, %dma_start3A_132] : memref<32x25x10x80xi32, #tpu.memory_space<hbm>> -> memref<1x1x10x80xi32, #tpu.memory_space<hbm>>
      %dma_start3A_134 = tpu.memref_squeeze %dma_start3A_133 : memref<1x1x10x80xi32, #tpu.memory_space<hbm>> -> memref<10x80xi32, #tpu.memory_space<hbm>>
      tpu.enqueue_dma source(%dma_start3A_134 : memref<10x80xi32, #tpu.memory_space<hbm>>) target(%dma_start3A_130 : memref<10x80xi32, #tpu.memory_space<vmem>>) target_semaphore(%run_scoped3A_120 : memref<!tpu.dma_semaphore, #tpu.memory_space<semaphore_mem>>)
      %dma_wait3A_135 = arith.constant 0 : i32
      %dma_wait3A_136 = arith.constant 0 : i32
      %dma_wait3A_137 = tpu.memref_slice %arg5[%dma_wait3A_135, %dma_wait3A_136] : memref<20x80xi32, #tpu.memory_space<vmem>> -> memref<10x80xi32, #tpu.memory_space<vmem>>
      %dma_wait3A_138 = arith.constant 0 : i32
      %dma_wait3A_139 = arith.constant 0 : i32
      %dma_wait3A_140 = tpu.memref_slice %arg3[%add3A, %run_scoped3A, %dma_wait3A_138, %dma_wait3A_139] : memref<32x25x10x80xi32, #tpu.memory_space<hbm>> -> memref<1x1x10x80xi32, #tpu.memory_space<hbm>>
      %dma_wait3A_141 = tpu.memref_squeeze %dma_wait3A_140 : memref<1x1x10x80xi32, #tpu.memory_space<hbm>> -> memref<10x80xi32, #tpu.memory_space<hbm>>
      %dma_wait3A_142 = arith.constant 0 : i32
      %dma_wait3A_143 = arith.constant 0 : i32
      %dma_wait3A_144 = tpu.memref_slice %arg5[%dma_wait3A_142, %dma_wait3A_143] : memref<20x80xi32, #tpu.memory_space<vmem>> -> memref<10x80xi32, #tpu.memory_space<vmem>>
      %dma_wait3A_145 = arith.constant 0 : i32
      %dma_wait3A_146 = arith.constant 0 : i32
      %dma_wait3A_147 = tpu.memref_slice %arg3[%add3A, %run_scoped3A, %dma_wait3A_145, %dma_wait3A_146] : memref<32x25x10x80xi32, #tpu.memory_space<hbm>> -> memref<1x1x10x80xi32, #tpu.memory_space<hbm>>
      %dma_wait3A_148 = tpu.memref_squeeze %dma_wait3A_147 : memref<1x1x10x80xi32, #tpu.memory_space<hbm>> -> memref<10x80xi32, #tpu.memory_space<hbm>>
      tpu.wait_dma2 semaphore(%run_scoped3A_120 : memref<!tpu.dma_semaphore, #tpu.memory_space<semaphore_mem>>) src(%dma_wait3A_148 : memref<10x80xi32, #tpu.memory_space<hbm>>) dst(%dma_wait3A_144 : memref<10x80xi32, #tpu.memory_space<vmem>>)
      tpu.yield
    }) : () -> ()
    %barrier3A = arith.constant 0 : index
    tpu.barrier barrier_id(%barrier3A)
    %dma_start3A = arith.constant 0 : i32
    %dma_start3A_7 = arith.constant 0 : i32
    %dma_start3A_8 = tpu.memref_slice %arg5[%dma_start3A, %dma_start3A_7] : memref<20x80xi32, #tpu.memory_space<vmem>> -> memref<1x80xi32, #tpu.memory_space<vmem>>
    %dma_start3A_9 = tpu.memref_squeeze %dma_start3A_8 : memref<1x80xi32, #tpu.memory_space<vmem>> -> memref<80xi32, #tpu.memory_space<vmem>>
    %dma_start3A_10 = arith.constant 0 : i32
    %dma_start3A_11 = arith.constant 0 : i32
    %dma_start3A_12 = tpu.memref_slice %arg10[%dma_start3A_10, %dma_start3A_11] : memref<10000x128xf32, #tpu.memory_space<vmem_shared>> -> memref<10000x128xf32, #tpu.memory_space<vmem_shared>>
    tpu.enqueue_indirect_dma source(%dma_start3A_12 : memref<10000x128xf32, #tpu.memory_space<vmem_shared>>) target(%arg6 : memref<80x128xf32, #tpu.memory_space<vmem>>) offsets(%dma_start3A_9 : memref<80xi32, #tpu.memory_space<vmem>>) semaphore(%arg11 : memref<!tpu.dma_semaphore, #tpu.memory_space<semaphore_mem>>)
    %dma_start3A_13 = arith.constant 1 : i32
    %dma_start3A_14 = arith.constant 0 : i32
    %dma_start3A_15 = tpu.memref_slice %arg5[%dma_start3A_13, %dma_start3A_14] : memref<20x80xi32, #tpu.memory_space<vmem>> -> memref<1x80xi32, #tpu.memory_space<vmem>>
    %dma_start3A_16 = tpu.memref_squeeze %dma_start3A_15 : memref<1x80xi32, #tpu.memory_space<vmem>> -> memref<80xi32, #tpu.memory_space<vmem>>
    %dma_start3A_17 = arith.constant 0 : i32
    %dma_start3A_18 = arith.constant 0 : i32
    %dma_start3A_19 = tpu.memref_slice %arg10[%dma_start3A_17, %dma_start3A_18] : memref<10000x128xf32, #tpu.memory_space<vmem_shared>> -> memref<10000x128xf32, #tpu.memory_space<vmem_shared>>
    tpu.enqueue_indirect_dma source(%dma_start3A_19 : memref<10000x128xf32, #tpu.memory_space<vmem_shared>>) target(%arg7 : memref<80x128xf32, #tpu.memory_space<vmem>>) offsets(%dma_start3A_16 : memref<80xi32, #tpu.memory_space<vmem>>) semaphore(%arg12 : memref<!tpu.dma_semaphore, #tpu.memory_space<semaphore_mem>>)
    %dma_wait3A = arith.constant 0 : i32
    %dma_wait3A_20 = arith.constant 0 : i32
    %dma_wait3A_21 = tpu.memref_slice %arg5[%dma_wait3A, %dma_wait3A_20] : memref<20x80xi32, #tpu.memory_space<vmem>> -> memref<1x80xi32, #tpu.memory_space<vmem>>
    %dma_wait3A_22 = tpu.memref_squeeze %dma_wait3A_21 : memref<1x80xi32, #tpu.memory_space<vmem>> -> memref<80xi32, #tpu.memory_space<vmem>>
    %dma_wait3A_23 = arith.constant 0 : i32
    %dma_wait3A_24 = arith.constant 0 : i32
    %dma_wait3A_25 = tpu.memref_slice %arg10[%dma_wait3A_23, %dma_wait3A_24] : memref<10000x128xf32, #tpu.memory_space<vmem_shared>> -> memref<10000x128xf32, #tpu.memory_space<vmem_shared>>
    tpu.wait_indirect_dma semaphore(%arg11 : memref<!tpu.dma_semaphore, #tpu.memory_space<semaphore_mem>>) src(%dma_wait3A_25 : memref<10000x128xf32, #tpu.memory_space<vmem_shared>>) dst(%arg6 : memref<80x128xf32, #tpu.memory_space<vmem>>)
    %dma_start3A_26 = arith.constant 2 : i32
    %dma_start3A_27 = arith.constant 0 : i32
    %dma_start3A_28 = tpu.memref_slice %arg5[%dma_start3A_26, %dma_start3A_27] : memref<20x80xi32, #tpu.memory_space<vmem>> -> memref<1x80xi32, #tpu.memory_space<vmem>>
    %dma_start3A_29 = tpu.memref_squeeze %dma_start3A_28 : memref<1x80xi32, #tpu.memory_space<vmem>> -> memref<80xi32, #tpu.memory_space<vmem>>
    %dma_start3A_30 = arith.constant 0 : i32
    %dma_start3A_31 = arith.constant 0 : i32
    %dma_start3A_32 = tpu.memref_slice %arg10[%dma_start3A_30, %dma_start3A_31] : memref<10000x128xf32, #tpu.memory_space<vmem_shared>> -> memref<10000x128xf32, #tpu.memory_space<vmem_shared>>
    tpu.enqueue_indirect_dma source(%dma_start3A_32 : memref<10000x128xf32, #tpu.memory_space<vmem_shared>>) target(%arg8 : memref<80x128xf32, #tpu.memory_space<vmem>>) offsets(%dma_start3A_29 : memref<80xi32, #tpu.memory_space<vmem>>) semaphore(%arg13 : memref<!tpu.dma_semaphore, #tpu.memory_space<semaphore_mem>>)
    %scan3A = arith.constant 0 : i32
    %scan3A_33 = arith.constant 0 : i32
    %scan3A_34 = arith.constant 40 : i32
    %scan3A_35 = arith.addi %scan3A_33, %scan3A_34 : i32
    %scan3A_36 = arith.constant 2 : i32
    scf.for %scan3A_120 = %scan3A_33 to %scan3A_35 step %scan3A_36  : i32 {
      %get3A = arith.index_cast %scan3A_120 : i32 to index
      %get3A_121 = arith.constant 0 : index
      %get3A_122 = tpu.vector_load %arg6[%get3A, %get3A_121] {strides = array<i32>} : memref<80x128xf32, #tpu.memory_space<vmem>>, vector<1x16xf32>,
      %get3A_123 = vector.shape_cast %get3A_122 : vector<1x16xf32> to vector<16xf32>
      %add3A_124 = arith.constant 40 : i32
      %add3A_125 = arith.addi %scan3A_120, %add3A_124 : i32
      %get3A_126 = arith.index_cast %add3A_125 : i32 to index
      %get3A_127 = arith.constant 0 : index
      %get3A_128 = tpu.vector_load %arg6[%get3A_126, %get3A_127] {strides = array<i32>} : memref<80x128xf32, #tpu.memory_space<vmem>>, vector<1x16xf32>,
      %get3A_129 = vector.shape_cast %get3A_128 : vector<1x16xf32> to vector<16xf32>
      %mul3A_130 = arith.mulf %get3A_123, %get3A_129 : vector<16xf32>
      %swap3A = arith.index_cast %scan3A_120 : i32 to index
      %swap3A_131 = arith.constant 0 : index
      %swap3A_132 = tpu.vector_load %arg6[%swap3A, %swap3A_131] {strides = array<i32>} : memref<80x128xf32, #tpu.memory_space<vmem>>, vector<1x16xf32>,
      %swap3A_133 = vector.shape_cast %swap3A_132 : vector<1x16xf32> to vector<16xf32>
      %swap3A_134 = vector.shape_cast %mul3A_130 : vector<16xf32> to vector<1x16xf32>
      tpu.vector_store %arg6[%swap3A, %swap3A_131], %swap3A_134 {strides = array<i32>} : memref<80x128xf32, #tpu.memory_space<vmem>>, vector<1x16xf32>,
      %get3A_135 = arith.index_cast %scan3A_120 : i32 to index
      %get3A_136 = arith.constant 16 : index
      %get3A_137 = tpu.vector_load %arg6[%get3A_135, %get3A_136] {strides = array<i32>} : memref<80x128xf32, #tpu.memory_space<vmem>>, vector<1x16xf32>,
      %get3A_138 = vector.shape_cast %get3A_137 : vector<1x16xf32> to vector<16xf32>
      %add3A_139 = arith.constant 40 : i32
      %add3A_140 = arith.addi %scan3A_120, %add3A_139 : i32
      %get3A_141 = arith.index_cast %add3A_140 : i32 to index
      %get3A_142 = arith.constant 16 : index
      %get3A_143 = tpu.vector_load %arg6[%get3A_141, %get3A_142] {strides = array<i32>} : memref<80x128xf32, #tpu.memory_space<vmem>>, vector<1x16xf32>,
      %get3A_144 = vector.shape_cast %get3A_143 : vector<1x16xf32> to vector<16xf32>
      %mul3A_145 = arith.mulf %get3A_138, %get3A_144 : vector<16xf32>
      %swap3A_146 = arith.index_cast %scan3A_120 : i32 to index
      %swap3A_147 = arith.constant 16 : index
      %swap3A_148 = tpu.vector_load %arg6[%swap3A_146, %swap3A_147] {strides = array<i32>} : memref<80x128xf32, #tpu.memory_space<vmem>>, vector<1x16xf32>,
      %swap3A_149 = vector.shape_cast %swap3A_148 : vector<1x16xf32> to vector<16xf32>
      %swap3A_150 = vector.shape_cast %mul3A_145 : vector<16xf32> to vector<1x16xf32>
      tpu.vector_store %arg6[%swap3A_146, %swap3A_147], %swap3A_150 {strides = array<i32>} : memref<80x128xf32, #tpu.memory_space<vmem>>, vector<1x16xf32>,
      %get3A_151 = arith.index_cast %scan3A_120 : i32 to index
      %get3A_152 = arith.constant 32 : index
      %get3A_153 = tpu.vector_load %arg6[%get3A_151, %get3A_152] {strides = array<i32>} : memref<80x128xf32, #tpu.memory_space<vmem>>, vector<1x16xf32>,
      %get3A_154 = vector.shape_cast %get3A_153 : vector<1x16xf32> to vector<16xf32>
      %add3A_155 = arith.constant 40 : i32
      %add3A_156 = arith.addi %scan3A_120, %add3A_155 : i32
      %get3A_157 = arith.index_cast %add3A_156 : i32 to index
      %get3A_158 = arith.constant 32 : index
      %get3A_159 = tpu.vector_load %arg6[%get3A_157, %get3A_158] {strides = array<i32>} : memref<80x128xf32, #tpu.memory_space<vmem>>, vector<1x16xf32>,
      %get3A_160 = vector.shape_cast %get3A_159 : vector<1x16xf32> to vector<16xf32>
      %mul3A_161 = arith.mulf %get3A_154, %get3A_160 : vector<16xf32>
      %swap3A_162 = arith.index_cast %scan3A_120 : i32 to index
      %swap3A_163 = arith.constant 32 : index
      %swap3A_164 = tpu.vector_load %arg6[%swap3A_162, %swap3A_163] {strides = array<i32>} : memref<80x128xf32, #tpu.memory_space<vmem>>, vector<1x16xf32>,
      %swap3A_165 = vector.shape_cast %swap3A_164 : vector<1x16xf32> to vector<16xf32>
      %swap3A_166 = vector.shape_cast %mul3A_161 : vector<16xf32> to vector<1x16xf32>
      tpu.vector_store %arg6[%swap3A_162, %swap3A_163], %swap3A_166 {strides = array<i32>} : memref<80x128xf32, #tpu.memory_space<vmem>>, vector<1x16xf32>,
      %get3A_167 = arith.index_cast %scan3A_120 : i32 to index
      %get3A_168 = arith.constant 48 : index
      %get3A_169 = tpu.vector_load %arg6[%get3A_167, %get3A_168] {strides = array<i32>} : memref<80x128xf32, #tpu.memory_space<vmem>>, vector<1x16xf32>,
      %get3A_170 = vector.shape_cast %get3A_169 : vector<1x16xf32> to vector<16xf32>
      %add3A_171 = arith.constant 40 : i32
      %add3A_172 = arith.addi %scan3A_120, %add3A_171 : i32
      %get3A_173 = arith.index_cast %add3A_172 : i32 to index
      %get3A_174 = arith.constant 48 : index
      %get3A_175 = tpu.vector_load %arg6[%get3A_173, %get3A_174] {strides = array<i32>} : memref<80x128xf32, #tpu.memory_space<vmem>>, vector<1x16xf32>,
      %get3A_176 = vector.shape_cast %get3A_175 : vector<1x16xf32> to vector<16xf32>
      %mul3A_177 = arith.mulf %get3A_170, %get3A_176 : vector<16xf32>
      %swap3A_178 = arith.index_cast %scan3A_120 : i32 to index
      %swap3A_179 = arith.constant 48 : index
      %swap3A_180 = tpu.vector_load %arg6[%swap3A_178, %swap3A_179] {strides = array<i32>} : memref<80x128xf32, #tpu.memory_space<vmem>>, vector<1x16xf32>,
      %swap3A_181 = vector.shape_cast %swap3A_180 : vector<1x16xf32> to vector<16xf32>
      %swap3A_182 = vector.shape_cast %mul3A_177 : vector<16xf32> to vector<1x16xf32>
      tpu.vector_store %arg6[%swap3A_178, %swap3A_179], %swap3A_182 {strides = array<i32>} : memref<80x128xf32, #tpu.memory_space<vmem>>, vector<1x16xf32>,
      %get3A_183 = arith.index_cast %scan3A_120 : i32 to index
      %get3A_184 = arith.constant 64 : index
      %get3A_185 = tpu.vector_load %arg6[%get3A_183, %get3A_184] {strides = array<i32>} : memref<80x128xf32, #tpu.memory_space<vmem>>, vector<1x16xf32>,
      %get3A_186 = vector.shape_cast %get3A_185 : vector<1x16xf32> to vector<16xf32>
      %add3A_187 = arith.constant 40 : i32
      %add3A_188 = arith.addi %scan3A_120, %add3A_187 : i32
      %get3A_189 = arith.index_cast %add3A_188 : i32 to index
      %get3A_190 = arith.constant 64 : index
      %get3A_191 = tpu.vector_load %arg6[%get3A_189, %get3A_190] {strides = array<i32>} : memref<80x128xf32, #tpu.memory_space<vmem>>, vector<1x16xf32>,
      %get3A_192 = vector.shape_cast %get3A_191 : vector<1x16xf32> to vector<16xf32>
      %mul3A_193 = arith.mulf %get3A_186, %get3A_192 : vector<16xf32>
      %swap3A_194 = arith.index_cast %scan3A_120 : i32 to index
      %swap3A_195 = arith.constant 64 : index
      %swap3A_196 = tpu.vector_load %arg6[%swap3A_194, %swap3A_195] {strides = array<i32>} : memref<80x128xf32, #tpu.memory_space<vmem>>, vector<1x16xf32>,
      %swap3A_197 = vector.shape_cast %swap3A_196 : vector<1x16xf32> to vector<16xf32>
      %swap3A_198 = vector.shape_cast %mul3A_193 : vector<16xf32> to vector<1x16xf32>
      tpu.vector_store %arg6[%swap3A_194, %swap3A_195], %swap3A_198 {strides = array<i32>} : memref<80x128xf32, #tpu.memory_space<vmem>>, vector<1x16xf32>,
      %get3A_199 = arith.index_cast %scan3A_120 : i32 to index
      %get3A_200 = arith.constant 80 : index
      %get3A_201 = tpu.vector_load %arg6[%get3A_199, %get3A_200] {strides = array<i32>} : memref<80x128xf32, #tpu.memory_space<vmem>>, vector<1x16xf32>,
      %get3A_202 = vector.shape_cast %get3A_201 : vector<1x16xf32> to vector<16xf32>
      %add3A_203 = arith.constant 40 : i32
      %add3A_204 = arith.addi %scan3A_120, %add3A_203 : i32
      %get3A_205 = arith.index_cast %add3A_204 : i32 to index
      %get3A_206 = arith.constant 80 : index
      %get3A_207 = tpu.vector_load %arg6[%get3A_205, %get3A_206] {strides = array<i32>} : memref<80x128xf32, #tpu.memory_space<vmem>>, vector<1x16xf32>,
      %get3A_208 = vector.shape_cast %get3A_207 : vector<1x16xf32> to vector<16xf32>
      %mul3A_209 = arith.mulf %get3A_202, %get3A_208 : vector<16xf32>
      %swap3A_210 = arith.index_cast %scan3A_120 : i32 to index
      %swap3A_211 = arith.constant 80 : index
      %swap3A_212 = tpu.vector_load %arg6[%swap3A_210, %swap3A_211] {strides = array<i32>} : memref<80x128xf32, #tpu.memory_space<vmem>>, vector<1x16xf32>,
      %swap3A_213 = vector.shape_cast %swap3A_212 : vector<1x16xf32> to vector<16xf32>
      %swap3A_214 = vector.shape_cast %mul3A_209 : vector<16xf32> to vector<1x16xf32>
      tpu.vector_store %arg6[%swap3A_210, %swap3A_211], %swap3A_214 {strides = array<i32>} : memref<80x128xf32, #tpu.memory_space<vmem>>, vector<1x16xf32>,
      %get3A_215 = arith.index_cast %scan3A_120 : i32 to index
      %get3A_216 = arith.constant 96 : index
      %get3A_217 = tpu.vector_load %arg6[%get3A_215, %get3A_216] {strides = array<i32>} : memref<80x128xf32, #tpu.memory_space<vmem>>, vector<1x16xf32>,
      %get3A_218 = vector.shape_cast %get3A_217 : vector<1x16xf32> to vector<16xf32>
      %add3A_219 = arith.constant 40 : i32
      %add3A_220 = arith.addi %scan3A_120, %add3A_219 : i32
      %get3A_221 = arith.index_cast %add3A_220 : i32 to index
      %get3A_222 = arith.constant 96 : index
      %get3A_223 = tpu.vector_load %arg6[%get3A_221, %get3A_222] {strides = array<i32>} : memref<80x128xf32, #tpu.memory_space<vmem>>, vector<1x16xf32>,
      %get3A_224 = vector.shape_cast %get3A_223 : vector<1x16xf32> to vector<16xf32>
      %mul3A_225 = arith.mulf %get3A_218, %get3A_224 : vector<16xf32>
      %swap3A_226 = arith.index_cast %scan3A_120 : i32 to index
      %swap3A_227 = arith.constant 96 : index
      %swap3A_228 = tpu.vector_load %arg6[%swap3A_226, %swap3A_227] {strides = array<i32>} : memref<80x128xf32, #tpu.memory_space<vmem>>, vector<1x16xf32>,
      %swap3A_229 = vector.shape_cast %swap3A_228 : vector<1x16xf32> to vector<16xf32>
      %swap3A_230 = vector.shape_cast %mul3A_225 : vector<16xf32> to vector<1x16xf32>
      tpu.vector_store %arg6[%swap3A_226, %swap3A_227], %swap3A_230 {strides = array<i32>} : memref<80x128xf32, #tpu.memory_space<vmem>>, vector<1x16xf32>,
      %get3A_231 = arith.index_cast %scan3A_120 : i32 to index
      %get3A_232 = arith.constant 112 : index
      %get3A_233 = tpu.vector_load %arg6[%get3A_231, %get3A_232] {strides = array<i32>} : memref<80x128xf32, #tpu.memory_space<vmem>>, vector<1x16xf32>,
      %get3A_234 = vector.shape_cast %get3A_233 : vector<1x16xf32> to vector<16xf32>
      %add3A_235 = arith.constant 40 : i32
      %add3A_236 = arith.addi %scan3A_120, %add3A_235 : i32
      %get3A_237 = arith.index_cast %add3A_236 : i32 to index
      %get3A_238 = arith.constant 112 : index
      %get3A_239 = tpu.vector_load %arg6[%get3A_237, %get3A_238] {strides = array<i32>} : memref<80x128xf32, #tpu.memory_space<vmem>>, vector<1x16xf32>,
      %get3A_240 = vector.shape_cast %get3A_239 : vector<1x16xf32> to vector<16xf32>
      %mul3A_241 = arith.mulf %get3A_234, %get3A_240 : vector<16xf32>
      %swap3A_242 = arith.index_cast %scan3A_120 : i32 to index
      %swap3A_243 = arith.constant 112 : index
      %swap3A_244 = tpu.vector_load %arg6[%swap3A_242, %swap3A_243] {strides = array<i32>} : memref<80x128xf32, #tpu.memory_space<vmem>>, vector<1x16xf32>,
      %swap3A_245 = vector.shape_cast %swap3A_244 : vector<1x16xf32> to vector<16xf32>
      %swap3A_246 = vector.shape_cast %mul3A_241 : vector<16xf32> to vector<1x16xf32>
      tpu.vector_store %arg6[%swap3A_242, %swap3A_243], %swap3A_246 {strides = array<i32>} : memref<80x128xf32, #tpu.memory_space<vmem>>, vector<1x16xf32>,
      %scan3A_247 = arith.constant 1 : i32
      %scan3A_248 = arith.addi %scan3A_120, %scan3A_247 : i32
      %get3A_249 = arith.index_cast %scan3A_248 : i32 to index
      %get3A_250 = arith.constant 0 : index
      %get3A_251 = tpu.vector_load %arg6[%get3A_249, %get3A_250] {strides = array<i32>} : memref<80x128xf32, #tpu.memory_space<vmem>>, vector<1x16xf32>,
      %get3A_252 = vector.shape_cast %get3A_251 : vector<1x16xf32> to vector<16xf32>
      %add3A_253 = arith.constant 40 : i32
      %add3A_254 = arith.addi %scan3A_248, %add3A_253 : i32
      %get3A_255 = arith.index_cast %add3A_254 : i32 to index
      %get3A_256 = arith.constant 0 : index
      %get3A_257 = tpu.vector_load %arg6[%get3A_255, %get3A_256] {strides = array<i32>} : memref<80x128xf32, #tpu.memory_space<vmem>>, vector<1x16xf32>,
      %get3A_258 = vector.shape_cast %get3A_257 : vector<1x16xf32> to vector<16xf32>
      %mul3A_259 = arith.mulf %get3A_252, %get3A_258 : vector<16xf32>
      %swap3A_260 = arith.index_cast %scan3A_248 : i32 to index
      %swap3A_261 = arith.constant 0 : index
      %swap3A_262 = tpu.vector_load %arg6[%swap3A_260, %swap3A_261] {strides = array<i32>} : memref<80x128xf32, #tpu.memory_space<vmem>>, vector<1x16xf32>,
      %swap3A_263 = vector.shape_cast %swap3A_262 : vector<1x16xf32> to vector<16xf32>
      %swap3A_264 = vector.shape_cast %mul3A_259 : vector<16xf32> to vector<1x16xf32>
      tpu.vector_store %arg6[%swap3A_260, %swap3A_261], %swap3A_264 {strides = array<i32>} : memref<80x128xf32, #tpu.memory_space<vmem>>, vector<1x16xf32>,
      %get3A_265 = arith.index_cast %scan3A_248 : i32 to index
      %get3A_266 = arith.constant 16 : index
      %get3A_267 = tpu.vector_load %arg6[%get3A_265, %get3A_266] {strides = array<i32>} : memref<80x128xf32, #tpu.memory_space<vmem>>, vector<1x16xf32>,
      %get3A_268 = vector.shape_cast %get3A_267 : vector<1x16xf32> to vector<16xf32>
      %add3A_269 = arith.constant 40 : i32
      %add3A_270 = arith.addi %scan3A_248, %add3A_269 : i32
      %get3A_271 = arith.index_cast %add3A_270 : i32 to index
      %get3A_272 = arith.constant 16 : index
      %get3A_273 = tpu.vector_load %arg6[%get3A_271, %get3A_272] {strides = array<i32>} : memref<80x128xf32, #tpu.memory_space<vmem>>, vector<1x16xf32>,
      %get3A_274 = vector.shape_cast %get3A_273 : vector<1x16xf32> to vector<16xf32>
      %mul3A_275 = arith.mulf %get3A_268, %get3A_274 : vector<16xf32>
      %swap3A_276 = arith.index_cast %scan3A_248 : i32 to index
      %swap3A_277 = arith.constant 16 : index
      %swap3A_278 = tpu.vector_load %arg6[%swap3A_276, %swap3A_277] {strides = array<i32>} : memref<80x128xf32, #tpu.memory_space<vmem>>, vector<1x16xf32>,
      %swap3A_279 = vector.shape_cast %swap3A_278 : vector<1x16xf32> to vector<16xf32>
      %swap3A_280 = vector.shape_cast %mul3A_275 : vector<16xf32> to vector<1x16xf32>
      tpu.vector_store %arg6[%swap3A_276, %swap3A_277], %swap3A_280 {strides = array<i32>} : memref<80x128xf32, #tpu.memory_space<vmem>>, vector<1x16xf32>,
      %get3A_281 = arith.index_cast %scan3A_248 : i32 to index
      %get3A_282 = arith.constant 32 : index
      %get3A_283 = tpu.vector_load %arg6[%get3A_281, %get3A_282] {strides = array<i32>} : memref<80x128xf32, #tpu.memory_space<vmem>>, vector<1x16xf32>,
      %get3A_284 = vector.shape_cast %get3A_283 : vector<1x16xf32> to vector<16xf32>
      %add3A_285 = arith.constant 40 : i32
      %add3A_286 = arith.addi %scan3A_248, %add3A_285 : i32
      %get3A_287 = arith.index_cast %add3A_286 : i32 to index
      %get3A_288 = arith.constant 32 : index
      %get3A_289 = tpu.vector_load %arg6[%get3A_287, %get3A_288] {strides = array<i32>} : memref<80x128xf32, #tpu.memory_space<vmem>>, vector<1x16xf32>,
      %get3A_290 = vector.shape_cast %get3A_289 : vector<1x16xf32> to vector<16xf32>
      %mul3A_291 = arith.mulf %get3A_284, %get3A_290 : vector<16xf32>
      %swap3A_292 = arith.index_cast %scan3A_248 : i32 to index
      %swap3A_293 = arith.constant 32 : index
      %swap3A_294 = tpu.vector_load %arg6[%swap3A_292, %swap3A_293] {strides = array<i32>} : memref<80x128xf32, #tpu.memory_space<vmem>>, vector<1x16xf32>,
      %swap3A_295 = vector.shape_cast %swap3A_294 : vector<1x16xf32> to vector<16xf32>
      %swap3A_296 = vector.shape_cast %mul3A_291 : vector<16xf32> to vector<1x16xf32>
      tpu.vector_store %arg6[%swap3A_292, %swap3A_293], %swap3A_296 {strides = array<i32>} : memref<80x128xf32, #tpu.memory_space<vmem>>, vector<1x16xf32>,
      %get3A_297 = arith.index_cast %scan3A_248 : i32 to index
      %get3A_298 = arith.constant 48 : index
      %get3A_299 = tpu.vector_load %arg6[%get3A_297, %get3A_298] {strides = array<i32>} : memref<80x128xf32, #tpu.memory_space<vmem>>, vector<1x16xf32>,
      %get3A_300 = vector.shape_cast %get3A_299 : vector<1x16xf32> to vector<16xf32>
      %add3A_301 = arith.constant 40 : i32
      %add3A_302 = arith.addi %scan3A_248, %add3A_301 : i32
      %get3A_303 = arith.index_cast %add3A_302 : i32 to index
      %get3A_304 = arith.constant 48 : index
      %get3A_305 = tpu.vector_load %arg6[%get3A_303, %get3A_304] {strides = array<i32>} : memref<80x128xf32, #tpu.memory_space<vmem>>, vector<1x16xf32>,
      %get3A_306 = vector.shape_cast %get3A_305 : vector<1x16xf32> to vector<16xf32>
      %mul3A_307 = arith.mulf %get3A_300, %get3A_306 : vector<16xf32>
      %swap3A_308 = arith.index_cast %scan3A_248 : i32 to index
      %swap3A_309 = arith.constant 48 : index
      %swap3A_310 = tpu.vector_load %arg6[%swap3A_308, %swap3A_309] {strides = array<i32>} : memref<80x128xf32, #tpu.memory_space<vmem>>, vector<1x16xf32>,
      %swap3A_311 = vector.shape_cast %swap3A_310 : vector<1x16xf32> to vector<16xf32>
      %swap3A_312 = vector.shape_cast %mul3A_307 : vector<16xf32> to vector<1x16xf32>
      tpu.vector_store %arg6[%swap3A_308, %swap3A_309], %swap3A_312 {strides = array<i32>} : memref<80x128xf32, #tpu.memory_space<vmem>>, vector<1x16xf32>,
      %get3A_313 = arith.index_cast %scan3A_248 : i32 to index
      %get3A_314 = arith.constant 64 : index
      %get3A_315 = tpu.vector_load %arg6[%get3A_313, %get3A_314] {strides = array<i32>} : memref<80x128xf32, #tpu.memory_space<vmem>>, vector<1x16xf32>,
      %get3A_316 = vector.shape_cast %get3A_315 : vector<1x16xf32> to vector<16xf32>
      %add3A_317 = arith.constant 40 : i32
      %add3A_318 = arith.addi %scan3A_248, %add3A_317 : i32
      %get3A_319 = arith.index_cast %add3A_318 : i32 to index
      %get3A_320 = arith.constant 64 : index
      %get3A_321 = tpu.vector_load %arg6[%get3A_319, %get3A_320] {strides = array<i32>} : memref<80x128xf32, #tpu.memory_space<vmem>>, vector<1x16xf32>,
      %get3A_322 = vector.shape_cast %get3A_321 : vector<1x16xf32> to vector<16xf32>
      %mul3A_323 = arith.mulf %get3A_316, %get3A_322 : vector<16xf32>
      %swap3A_324 = arith.index_cast %scan3A_248 : i32 to index
      %swap3A_325 = arith.constant 64 : index
      %swap3A_326 = tpu.vector_load %arg6[%swap3A_324, %swap3A_325] {strides = array<i32>} : memref<80x128xf32, #tpu.memory_space<vmem>>, vector<1x16xf32>,
      %swap3A_327 = vector.shape_cast %swap3A_326 : vector<1x16xf32> to vector<16xf32>
      %swap3A_328 = vector.shape_cast %mul3A_323 : vector<16xf32> to vector<1x16xf32>
      tpu.vector_store %arg6[%swap3A_324, %swap3A_325], %swap3A_328 {strides = array<i32>} : memref<80x128xf32, #tpu.memory_space<vmem>>, vector<1x16xf32>,
      %get3A_329 = arith.index_cast %scan3A_248 : i32 to index
      %get3A_330 = arith.constant 80 : index
      %get3A_331 = tpu.vector_load %arg6[%get3A_329, %get3A_330] {strides = array<i32>} : memref<80x128xf32, #tpu.memory_space<vmem>>, vector<1x16xf32>,
      %get3A_332 = vector.shape_cast %get3A_331 : vector<1x16xf32> to vector<16xf32>
      %add3A_333 = arith.constant 40 : i32
      %add3A_334 = arith.addi %scan3A_248, %add3A_333 : i32
      %get3A_335 = arith.index_cast %add3A_334 : i32 to index
      %get3A_336 = arith.constant 80 : index
      %get3A_337 = tpu.vector_load %arg6[%get3A_335, %get3A_336] {strides = array<i32>} : memref<80x128xf32, #tpu.memory_space<vmem>>, vector<1x16xf32>,
      %get3A_338 = vector.shape_cast %get3A_337 : vector<1x16xf32> to vector<16xf32>
      %mul3A_339 = arith.mulf %get3A_332, %get3A_338 : vector<16xf32>
      %swap3A_340 = arith.index_cast %scan3A_248 : i32 to index
      %swap3A_341 = arith.constant 80 : index
      %swap3A_342 = tpu.vector_load %arg6[%swap3A_340, %swap3A_341] {strides = array<i32>} : memref<80x128xf32, #tpu.memory_space<vmem>>, vector<1x16xf32>,
      %swap3A_343 = vector.shape_cast %swap3A_342 : vector<1x16xf32> to vector<16xf32>
      %swap3A_344 = vector.shape_cast %mul3A_339 : vector<16xf32> to vector<1x16xf32>
      tpu.vector_store %arg6[%swap3A_340, %swap3A_341], %swap3A_344 {strides = array<i32>} : memref<80x128xf32, #tpu.memory_space<vmem>>, vector<1x16xf32>,
      %get3A_345 = arith.index_cast %scan3A_248 : i32 to index
      %get3A_346 = arith.constant 96 : index
      %get3A_347 = tpu.vector_load %arg6[%get3A_345, %get3A_346] {strides = array<i32>} : memref<80x128xf32, #tpu.memory_space<vmem>>, vector<1x16xf32>,
      %get3A_348 = vector.shape_cast %get3A_347 : vector<1x16xf32> to vector<16xf32>
      %add3A_349 = arith.constant 40 : i32
      %add3A_350 = arith.addi %scan3A_248, %add3A_349 : i32
      %get3A_351 = arith.index_cast %add3A_350 : i32 to index
      %get3A_352 = arith.constant 96 : index
      %get3A_353 = tpu.vector_load %arg6[%get3A_351, %get3A_352] {strides = array<i32>} : memref<80x128xf32, #tpu.memory_space<vmem>>, vector<1x16xf32>,
      %get3A_354 = vector.shape_cast %get3A_353 : vector<1x16xf32> to vector<16xf32>
      %mul3A_355 = arith.mulf %get3A_348, %get3A_354 : vector<16xf32>
      %swap3A_356 = arith.index_cast %scan3A_248 : i32 to index
      %swap3A_357 = arith.constant 96 : index
      %swap3A_358 = tpu.vector_load %arg6[%swap3A_356, %swap3A_357] {strides = array<i32>} : memref<80x128xf32, #tpu.memory_space<vmem>>, vector<1x16xf32>,
      %swap3A_359 = vector.shape_cast %swap3A_358 : vector<1x16xf32> to vector<16xf32>
      %swap3A_360 = vector.shape_cast %mul3A_355 : vector<16xf32> to vector<1x16xf32>
      tpu.vector_store %arg6[%swap3A_356, %swap3A_357], %swap3A_360 {strides = array<i32>} : memref<80x128xf32, #tpu.memory_space<vmem>>, vector<1x16xf32>,
      %get3A_361 = arith.index_cast %scan3A_248 : i32 to index
      %get3A_362 = arith.constant 112 : index
      %get3A_363 = tpu.vector_load %arg6[%get3A_361, %get3A_362] {strides = array<i32>} : memref<80x128xf32, #tpu.memory_space<vmem>>, vector<1x16xf32>,
      %get3A_364 = vector.shape_cast %get3A_363 : vector<1x16xf32> to vector<16xf32>
      %add3A_365 = arith.constant 40 : i32
      %add3A_366 = arith.addi %scan3A_248, %add3A_365 : i32
      %get3A_367 = arith.index_cast %add3A_366 : i32 to index
      %get3A_368 = arith.constant 112 : index
      %get3A_369 = tpu.vector_load %arg6[%get3A_367, %get3A_368] {strides = array<i32>} : memref<80x128xf32, #tpu.memory_space<vmem>>, vector<1x16xf32>,
      %get3A_370 = vector.shape_cast %get3A_369 : vector<1x16xf32> to vector<16xf32>
      %mul3A_371 = arith.mulf %get3A_364, %get3A_370 : vector<16xf32>
      %swap3A_372 = arith.index_cast %scan3A_248 : i32 to index
      %swap3A_373 = arith.constant 112 : index
      %swap3A_374 = tpu.vector_load %arg6[%swap3A_372, %swap3A_373] {strides = array<i32>} : memref<80x128xf32, #tpu.memory_space<vmem>>, vector<1x16xf32>,
      %swap3A_375 = vector.shape_cast %swap3A_374 : vector<1x16xf32> to vector<16xf32>
      %swap3A_376 = vector.shape_cast %mul3A_371 : vector<16xf32> to vector<1x16xf32>
      tpu.vector_store %arg6[%swap3A_372, %swap3A_373], %swap3A_376 {strides = array<i32>} : memref<80x128xf32, #tpu.memory_space<vmem>>, vector<1x16xf32>,
    }
    %scan3A_37 = arith.constant 40 : i32
    %mul3A_38 = arith.constant 10000 : i32
    %mul3A_39 = arith.muli %add3A, %mul3A_38 : i32
    %add3A_40 = arith.constant 0 : i32
    %add3A_41 = arith.addi %mul3A_39, %add3A_40 : i32
    %dma_start3A_42 = arith.constant 0 : i32
    %dma_start3A_43 = arith.constant 0 : i32
    %dma_start3A_44 = tpu.memref_slice %arg6[%dma_start3A_42, %dma_start3A_43] : memref<80x128xf32, #tpu.memory_space<vmem>> -> memref<40x128xf32, #tpu.memory_space<vmem>>
    %dma_start3A_45 = arith.constant 0 : i32
    %dma_start3A_46 = tpu.memref_slice %arg4[%add3A_41, %dma_start3A_45] : memref<320000x128xf32, #tpu.memory_space<hbm>> -> memref<40x128xf32, #tpu.memory_space<hbm>>
    %dma_start3A_47 = arith.constant 0 : i32
    %dma_start3A_48 = tpu.memref_slice %arg4[%add3A_41, %dma_start3A_47] : memref<320000x128xf32, #tpu.memory_space<hbm>> -> memref<40x128xf32, #tpu.memory_space<hbm>>
    %dma_start3A_49 = arith.constant 0 : i32
    %dma_start3A_50 = arith.constant 0 : i32
    %dma_start3A_51 = tpu.memref_slice %arg6[%dma_start3A_49, %dma_start3A_50] : memref<80x128xf32, #tpu.memory_space<vmem>> -> memref<40x128xf32, #tpu.memory_space<vmem>>
    tpu.enqueue_dma source(%dma_start3A_51 : memref<40x128xf32, #tpu.memory_space<vmem>>) target(%dma_start3A_48 : memref<40x128xf32, #tpu.memory_space<hbm>>) target_semaphore(%arg15 : memref<!tpu.dma_semaphore, #tpu.memory_space<semaphore_mem>>)
    %dma_wait3A_52 = arith.constant 0 : i32
    %dma_wait3A_53 = arith.constant 0 : i32
    %dma_wait3A_54 = tpu.memref_slice %arg5[%dma_wait3A_52, %dma_wait3A_53] : memref<20x80xi32, #tpu.memory_space<vmem>> -> memref<1x80xi32, #tpu.memory_space<vmem>>
    %dma_wait3A_55 = tpu.memref_squeeze %dma_wait3A_54 : memref<1x80xi32, #tpu.memory_space<vmem>> -> memref<80xi32, #tpu.memory_space<vmem>>
    %dma_wait3A_56 = arith.constant 0 : i32
    %dma_wait3A_57 = arith.constant 0 : i32
    %dma_wait3A_58 = tpu.memref_slice %arg10[%dma_wait3A_56, %dma_wait3A_57] : memref<10000x128xf32, #tpu.memory_space<vmem_shared>> -> memref<10000x128xf32, #tpu.memory_space<vmem_shared>>
    tpu.wait_indirect_dma semaphore(%arg12 : memref<!tpu.dma_semaphore, #tpu.memory_space<semaphore_mem>>) src(%dma_wait3A_58 : memref<10000x128xf32, #tpu.memory_space<vmem_shared>>) dst(%arg7 : memref<80x128xf32, #tpu.memory_space<vmem>>)
    %dma_start3A_59 = arith.constant 3 : i32
    %dma_start3A_60 = arith.constant 0 : i32
    %dma_start3A_61 = tpu.memref_slice %arg5[%dma_start3A_59, %dma_start3A_60] : memref<20x80xi32, #tpu.memory_space<vmem>> -> memref<1x80xi32, #tpu.memory_space<vmem>>
    %dma_start3A_62 = tpu.memref_squeeze %dma_start3A_61 : memref<1x80xi32, #tpu.memory_space<vmem>> -> memref<80xi32, #tpu.memory_space<vmem>>
    %dma_start3A_63 = arith.constant 0 : i32
    %dma_start3A_64 = arith.constant 0 : i32
    %dma_start3A_65 = tpu.memref_slice %arg2[%dma_start3A_63, %dma_start3A_64] : memref<10000x128xf32, #tpu.memory_space<hbm>> -> memref<10000x128xf32, #tpu.memory_space<hbm>>
    tpu.enqueue_indirect_dma source(%dma_start3A_65 : memref<10000x128xf32, #tpu.memory_space<hbm>>) target(%arg9 : memref<80x128xf32, #tpu.memory_space<vmem>>) offsets(%dma_start3A_62 : memref<80xi32, #tpu.memory_space<vmem>>) semaphore(%arg14 : memref<!tpu.dma_semaphore, #tpu.memory_space<semaphore_mem>>)
    %scan3A_66 = arith.constant 0 : i32
    %scan3A_67 = arith.constant 0 : i32
    %scan3A_68 = arith.constant 40 : i32
    %scan3A_69 = arith.addi %scan3A_67, %scan3A_68 : i32
    %scan3A_70 = arith.constant 2 : i32
    scf.for %scan3A_120 = %scan3A_67 to %scan3A_69 step %scan3A_70  : i32 {
      %get3A = arith.index_cast %scan3A_120 : i32 to index
      %get3A_121 = arith.constant 0 : index
      %get3A_122 = tpu.vector_load %arg7[%get3A, %get3A_121] {strides = array<i32>} : memref<80x128xf32, #tpu.memory_space<vmem>>, vector<1x16xf32>,
      %get3A_123 = vector.shape_cast %get3A_122 : vector<1x16xf32> to vector<16xf32>
      %add3A_124 = arith.constant 40 : i32
      %add3A_125 = arith.addi %scan3A_120, %add3A_124 : i32
      %get3A_126 = arith.index_cast %add3A_125 : i32 to index
      %get3A_127 = arith.constant 0 : index
      %get3A_128 = tpu.vector_load %arg7[%get3A_126, %get3A_127] {strides = array<i32>} : memref<80x128xf32, #tpu.memory_space<vmem>>, vector<1x16xf32>,
      %get3A_129 = vector.shape_cast %get3A_128 : vector<1x16xf32> to vector<16xf32>
      %mul3A_130 = arith.mulf %get3A_123, %get3A_129 : vector<16xf32>
      %swap3A = arith.index_cast %scan3A_120 : i32 to index
      %swap3A_131 = arith.constant 0 : index
      %swap3A_132 = tpu.vector_load %arg7[%swap3A, %swap3A_131] {strides = array<i32>} : memref<80x128xf32, #tpu.memory_space<vmem>>, vector<1x16xf32>,
      %swap3A_133 = vector.shape_cast %swap3A_132 : vector<1x16xf32> to vector<16xf32>
      %swap3A_134 = vector.shape_cast %mul3A_130 : vector<16xf32> to vector<1x16xf32>
      tpu.vector_store %arg7[%swap3A, %swap3A_131], %swap3A_134 {strides = array<i32>} : memref<80x128xf32, #tpu.memory_space<vmem>>, vector<1x16xf32>,
      %get3A_135 = arith.index_cast %scan3A_120 : i32 to index
      %get3A_136 = arith.constant 16 : index
      %get3A_137 = tpu.vector_load %arg7[%get3A_135, %get3A_136] {strides = array<i32>} : memref<80x128xf32, #tpu.memory_space<vmem>>, vector<1x16xf32>,
      %get3A_138 = vector.shape_cast %get3A_137 : vector<1x16xf32> to vector<16xf32>
      %add3A_139 = arith.constant 40 : i32
      %add3A_140 = arith.addi %scan3A_120, %add3A_139 : i32
      %get3A_141 = arith.index_cast %add3A_140 : i32 to index
      %get3A_142 = arith.constant 16 : index
      %get3A_143 = tpu.vector_load %arg7[%get3A_141, %get3A_142] {strides = array<i32>} : memref<80x128xf32, #tpu.memory_space<vmem>>, vector<1x16xf32>,
      %get3A_144 = vector.shape_cast %get3A_143 : vector<1x16xf32> to vector<16xf32>
      %mul3A_145 = arith.mulf %get3A_138, %get3A_144 : vector<16xf32>
      %swap3A_146 = arith.index_cast %scan3A_120 : i32 to index
      %swap3A_147 = arith.constant 16 : index
      %swap3A_148 = tpu.vector_load %arg7[%swap3A_146, %swap3A_147] {strides = array<i32>} : memref<80x128xf32, #tpu.memory_space<vmem>>, vector<1x16xf32>,
      %swap3A_149 = vector.shape_cast %swap3A_148 : vector<1x16xf32> to vector<16xf32>
      %swap3A_150 = vector.shape_cast %mul3A_145 : vector<16xf32> to vector<1x16xf32>
      tpu.vector_store %arg7[%swap3A_146, %swap3A_147], %swap3A_150 {strides = array<i32>} : memref<80x128xf32, #tpu.memory_space<vmem>>, vector<1x16xf32>,
      %get3A_151 = arith.index_cast %scan3A_120 : i32 to index
      %get3A_152 = arith.constant 32 : index
      %get3A_153 = tpu.vector_load %arg7[%get3A_151, %get3A_152] {strides = array<i32>} : memref<80x128xf32, #tpu.memory_space<vmem>>, vector<1x16xf32>,
      %get3A_154 = vector.shape_cast %get3A_153 : vector<1x16xf32> to vector<16xf32>
      %add3A_155 = arith.constant 40 : i32
      %add3A_156 = arith.addi %scan3A_120, %add3A_155 : i32
      %get3A_157 = arith.index_cast %add3A_156 : i32 to index
      %get3A_158 = arith.constant 32 : index
      %get3A_159 = tpu.vector_load %arg7[%get3A_157, %get3A_158] {strides = array<i32>} : memref<80x128xf32, #tpu.memory_space<vmem>>, vector<1x16xf32>,
      %get3A_160 = vector.shape_cast %get3A_159 : vector<1x16xf32> to vector<16xf32>
      %mul3A_161 = arith.mulf %get3A_154, %get3A_160 : vector<16xf32>
      %swap3A_162 = arith.index_cast %scan3A_120 : i32 to index
      %swap3A_163 = arith.constant 32 : index
      %swap3A_164 = tpu.vector_load %arg7[%swap3A_162, %swap3A_163] {strides = array<i32>} : memref<80x128xf32, #tpu.memory_space<vmem>>, vector<1x16xf32>,
      %swap3A_165 = vector.shape_cast %swap3A_164 : vector<1x16xf32> to vector<16xf32>
      %swap3A_166 = vector.shape_cast %mul3A_161 : vector<16xf32> to vector<1x16xf32>
      tpu.vector_store %arg7[%swap3A_162, %swap3A_163], %swap3A_166 {strides = array<i32>} : memref<80x128xf32, #tpu.memory_space<vmem>>, vector<1x16xf32>,
      %get3A_167 = arith.index_cast %scan3A_120 : i32 to index
      %get3A_168 = arith.constant 48 : index
      %get3A_169 = tpu.vector_load %arg7[%get3A_167, %get3A_168] {strides = array<i32>} : memref<80x128xf32, #tpu.memory_space<vmem>>, vector<1x16xf32>,
      %get3A_170 = vector.shape_cast %get3A_169 : vector<1x16xf32> to vector<16xf32>
      %add3A_171 = arith.constant 40 : i32
      %add3A_172 = arith.addi %scan3A_120, %add3A_171 : i32
      %get3A_173 = arith.index_cast %add3A_172 : i32 to index
      %get3A_174 = arith.constant 48 : index
      %get3A_175 = tpu.vector_load %arg7[%get3A_173, %get3A_174] {strides = array<i32>} : memref<80x128xf32, #tpu.memory_space<vmem>>, vector<1x16xf32>,
      %get3A_176 = vector.shape_cast %get3A_175 : vector<1x16xf32> to vector<16xf32>
      %mul3A_177 = arith.mulf %get3A_170, %get3A_176 : vector<16xf32>
      %swap3A_178 = arith.index_cast %scan3A_120 : i32 to index
      %swap3A_179 = arith.constant 48 : index
      %swap3A_180 = tpu.vector_load %arg7[%swap3A_178, %swap3A_179] {strides = array<i32>} : memref<80x128xf32, #tpu.memory_space<vmem>>, vector<1x16xf32>,
      %swap3A_181 = vector.shape_cast %swap3A_180 : vector<1x16xf32> to vector<16xf32>
      %swap3A_182 = vector.shape_cast %mul3A_177 : vector<16xf32> to vector<1x16xf32>
      tpu.vector_store %arg7[%swap3A_178, %swap3A_179], %swap3A_182 {strides = array<i32>} : memref<80x128xf32, #tpu.memory_space<vmem>>, vector<1x16xf32>,
      %get3A_183 = arith.index_cast %scan3A_120 : i32 to index
      %get3A_184 = arith.constant 64 : index
      %get3A_185 = tpu.vector_load %arg7[%get3A_183, %get3A_184] {strides = array<i32>} : memref<80x128xf32, #tpu.memory_space<vmem>>, vector<1x16xf32>,
      %get3A_186 = vector.shape_cast %get3A_185 : vector<1x16xf32> to vector<16xf32>
      %add3A_187 = arith.constant 40 : i32
      %add3A_188 = arith.addi %scan3A_120, %add3A_187 : i32
      %get3A_189 = arith.index_cast %add3A_188 : i32 to index
      %get3A_190 = arith.constant 64 : index
      %get3A_191 = tpu.vector_load %arg7[%get3A_189, %get3A_190] {strides = array<i32>} : memref<80x128xf32, #tpu.memory_space<vmem>>, vector<1x16xf32>,
      %get3A_192 = vector.shape_cast %get3A_191 : vector<1x16xf32> to vector<16xf32>
      %mul3A_193 = arith.mulf %get3A_186, %get3A_192 : vector<16xf32>
      %swap3A_194 = arith.index_cast %scan3A_120 : i32 to index
      %swap3A_195 = arith.constant 64 : index
      %swap3A_196 = tpu.vector_load %arg7[%swap3A_194, %swap3A_195] {strides = array<i32>} : memref<80x128xf32, #tpu.memory_space<vmem>>, vector<1x16xf32>,
      %swap3A_197 = vector.shape_cast %swap3A_196 : vector<1x16xf32> to vector<16xf32>
      %swap3A_198 = vector.shape_cast %mul3A_193 : vector<16xf32> to vector<1x16xf32>
      tpu.vector_store %arg7[%swap3A_194, %swap3A_195], %swap3A_198 {strides = array<i32>} : memref<80x128xf32, #tpu.memory_space<vmem>>, vector<1x16xf32>,
      %get3A_199 = arith.index_cast %scan3A_120 : i32 to index
      %get3A_200 = arith.constant 80 : index
      %get3A_201 = tpu.vector_load %arg7[%get3A_199, %get3A_200] {strides = array<i32>} : memref<80x128xf32, #tpu.memory_space<vmem>>, vector<1x16xf32>,
      %get3A_202 = vector.shape_cast %get3A_201 : vector<1x16xf32> to vector<16xf32>
      %add3A_203 = arith.constant 40 : i32
      %add3A_204 = arith.addi %scan3A_120, %add3A_203 : i32
      %get3A_205 = arith.index_cast %add3A_204 : i32 to index
      %get3A_206 = arith.constant 80 : index
      %get3A_207 = tpu.vector_load %arg7[%get3A_205, %get3A_206] {strides = array<i32>} : memref<80x128xf32, #tpu.memory_space<vmem>>, vector<1x16xf32>,
      %get3A_208 = vector.shape_cast %get3A_207 : vector<1x16xf32> to vector<16xf32>
      %mul3A_209 = arith.mulf %get3A_202, %get3A_208 : vector<16xf32>
      %swap3A_210 = arith.index_cast %scan3A_120 : i32 to index
      %swap3A_211 = arith.constant 80 : index
      %swap3A_212 = tpu.vector_load %arg7[%swap3A_210, %swap3A_211] {strides = array<i32>} : memref<80x128xf32, #tpu.memory_space<vmem>>, vector<1x16xf32>,
      %swap3A_213 = vector.shape_cast %swap3A_212 : vector<1x16xf32> to vector<16xf32>
      %swap3A_214 = vector.shape_cast %mul3A_209 : vector<16xf32> to vector<1x16xf32>
      tpu.vector_store %arg7[%swap3A_210, %swap3A_211], %swap3A_214 {strides = array<i32>} : memref<80x128xf32, #tpu.memory_space<vmem>>, vector<1x16xf32>,
      %get3A_215 = arith.index_cast %scan3A_120 : i32 to index
      %get3A_216 = arith.constant 96 : index
      %get3A_217 = tpu.vector_load %arg7[%get3A_215, %get3A_216] {strides = array<i32>} : memref<80x128xf32, #tpu.memory_space<vmem>>, vector<1x16xf32>,
      %get3A_218 = vector.shape_cast %get3A_217 : vector<1x16xf32> to vector<16xf32>
      %add3A_219 = arith.constant 40 : i32
      %add3A_220 = arith.addi %scan3A_120, %add3A_219 : i32
      %get3A_221 = arith.index_cast %add3A_220 : i32 to index
      %get3A_222 = arith.constant 96 : index
      %get3A_223 = tpu.vector_load %arg7[%get3A_221, %get3A_222] {strides = array<i32>} : memref<80x128xf32, #tpu.memory_space<vmem>>, vector<1x16xf32>,
      %get3A_224 = vector.shape_cast %get3A_223 : vector<1x16xf32> to vector<16xf32>
      %mul3A_225 = arith.mulf %get3A_218, %get3A_224 : vector<16xf32>
      %swap3A_226 = arith.index_cast %scan3A_120 : i32 to index
      %swap3A_227 = arith.constant 96 : index
      %swap3A_228 = tpu.vector_load %arg7[%swap3A_226, %swap3A_227] {strides = array<i32>} : memref<80x128xf32, #tpu.memory_space<vmem>>, vector<1x16xf32>,
      %swap3A_229 = vector.shape_cast %swap3A_228 : vector<1x16xf32> to vector<16xf32>
      %swap3A_230 = vector.shape_cast %mul3A_225 : vector<16xf32> to vector<1x16xf32>
      tpu.vector_store %arg7[%swap3A_226, %swap3A_227], %swap3A_230 {strides = array<i32>} : memref<80x128xf32, #tpu.memory_space<vmem>>, vector<1x16xf32>,
      %get3A_231 = arith.index_cast %scan3A_120 : i32 to index
      %get3A_232 = arith.constant 112 : index
      %get3A_233 = tpu.vector_load %arg7[%get3A_231, %get3A_232] {strides = array<i32>} : memref<80x128xf32, #tpu.memory_space<vmem>>, vector<1x16xf32>,
      %get3A_234 = vector.shape_cast %get3A_233 : vector<1x16xf32> to vector<16xf32>
      %add3A_235 = arith.constant 40 : i32
      %add3A_236 = arith.addi %scan3A_120, %add3A_235 : i32
      %get3A_237 = arith.index_cast %add3A_236 : i32 to index
      %get3A_238 = arith.constant 112 : index
      %get3A_239 = tpu.vector_load %arg7[%get3A_237, %get3A_238] {strides = array<i32>} : memref<80x128xf32, #tpu.memory_space<vmem>>, vector<1x16xf32>,
      %get3A_240 = vector.shape_cast %get3A_239 : vector<1x16xf32> to vector<16xf32>
      %mul3A_241 = arith.mulf %get3A_234, %get3A_240 : vector<16xf32>
      %swap3A_242 = arith.index_cast %scan3A_120 : i32 to index
      %swap3A_243 = arith.constant 112 : index
      %swap3A_244 = tpu.vector_load %arg7[%swap3A_242, %swap3A_243] {strides = array<i32>} : memref<80x128xf32, #tpu.memory_space<vmem>>, vector<1x16xf32>,
      %swap3A_245 = vector.shape_cast %swap3A_244 : vector<1x16xf32> to vector<16xf32>
      %swap3A_246 = vector.shape_cast %mul3A_241 : vector<16xf32> to vector<1x16xf32>
      tpu.vector_store %arg7[%swap3A_242, %swap3A_243], %swap3A_246 {strides = array<i32>} : memref<80x128xf32, #tpu.memory_space<vmem>>, vector<1x16xf32>,
      %scan3A_247 = arith.constant 1 : i32
      %scan3A_248 = arith.addi %scan3A_120, %scan3A_247 : i32
      %get3A_249 = arith.index_cast %scan3A_248 : i32 to index
      %get3A_250 = arith.constant 0 : index
      %get3A_251 = tpu.vector_load %arg7[%get3A_249, %get3A_250] {strides = array<i32>} : memref<80x128xf32, #tpu.memory_space<vmem>>, vector<1x16xf32>,
      %get3A_252 = vector.shape_cast %get3A_251 : vector<1x16xf32> to vector<16xf32>
      %add3A_253 = arith.constant 40 : i32
      %add3A_254 = arith.addi %scan3A_248, %add3A_253 : i32
      %get3A_255 = arith.index_cast %add3A_254 : i32 to index
      %get3A_256 = arith.constant 0 : index
      %get3A_257 = tpu.vector_load %arg7[%get3A_255, %get3A_256] {strides = array<i32>} : memref<80x128xf32, #tpu.memory_space<vmem>>, vector<1x16xf32>,
      %get3A_258 = vector.shape_cast %get3A_257 : vector<1x16xf32> to vector<16xf32>
      %mul3A_259 = arith.mulf %get3A_252, %get3A_258 : vector<16xf32>
      %swap3A_260 = arith.index_cast %scan3A_248 : i32 to index
      %swap3A_261 = arith.constant 0 : index
      %swap3A_262 = tpu.vector_load %arg7[%swap3A_260, %swap3A_261] {strides = array<i32>} : memref<80x128xf32, #tpu.memory_space<vmem>>, vector<1x16xf32>,
      %swap3A_263 = vector.shape_cast %swap3A_262 : vector<1x16xf32> to vector<16xf32>
      %swap3A_264 = vector.shape_cast %mul3A_259 : vector<16xf32> to vector<1x16xf32>
      tpu.vector_store %arg7[%swap3A_260, %swap3A_261], %swap3A_264 {strides = array<i32>} : memref<80x128xf32, #tpu.memory_space<vmem>>, vector<1x16xf32>,
      %get3A_265 = arith.index_cast %scan3A_248 : i32 to index
      %get3A_266 = arith.constant 16 : index
      %get3A_267 = tpu.vector_load %arg7[%get3A_265, %get3A_266] {strides = array<i32>} : memref<80x128xf32, #tpu.memory_space<vmem>>, vector<1x16xf32>,
      %get3A_268 = vector.shape_cast %get3A_267 : vector<1x16xf32> to vector<16xf32>
      %add3A_269 = arith.constant 40 : i32
      %add3A_270 = arith.addi %scan3A_248, %add3A_269 : i32
      %get3A_271 = arith.index_cast %add3A_270 : i32 to index
      %get3A_272 = arith.constant 16 : index
      %get3A_273 = tpu.vector_load %arg7[%get3A_271, %get3A_272] {strides = array<i32>} : memref<80x128xf32, #tpu.memory_space<vmem>>, vector<1x16xf32>,
      %get3A_274 = vector.shape_cast %get3A_273 : vector<1x16xf32> to vector<16xf32>
      %mul3A_275 = arith.mulf %get3A_268, %get3A_274 : vector<16xf32>
      %swap3A_276 = arith.index_cast %scan3A_248 : i32 to index
      %swap3A_277 = arith.constant 16 : index
      %swap3A_278 = tpu.vector_load %arg7[%swap3A_276, %swap3A_277] {strides = array<i32>} : memref<80x128xf32, #tpu.memory_space<vmem>>, vector<1x16xf32>,
      %swap3A_279 = vector.shape_cast %swap3A_278 : vector<1x16xf32> to vector<16xf32>
      %swap3A_280 = vector.shape_cast %mul3A_275 : vector<16xf32> to vector<1x16xf32>
      tpu.vector_store %arg7[%swap3A_276, %swap3A_277], %swap3A_280 {strides = array<i32>} : memref<80x128xf32, #tpu.memory_space<vmem>>, vector<1x16xf32>,
      %get3A_281 = arith.index_cast %scan3A_248 : i32 to index
      %get3A_282 = arith.constant 32 : index
      %get3A_283 = tpu.vector_load %arg7[%get3A_281, %get3A_282] {strides = array<i32>} : memref<80x128xf32, #tpu.memory_space<vmem>>, vector<1x16xf32>,
      %get3A_284 = vector.shape_cast %get3A_283 : vector<1x16xf32> to vector<16xf32>
      %add3A_285 = arith.constant 40 : i32
      %add3A_286 = arith.addi %scan3A_248, %add3A_285 : i32
      %get3A_287 = arith.index_cast %add3A_286 : i32 to index
      %get3A_288 = arith.constant 32 : index
      %get3A_289 = tpu.vector_load %arg7[%get3A_287, %get3A_288] {strides = array<i32>} : memref<80x128xf32, #tpu.memory_space<vmem>>, vector<1x16xf32>,
      %get3A_290 = vector.shape_cast %get3A_289 : vector<1x16xf32> to vector<16xf32>
      %mul3A_291 = arith.mulf %get3A_284, %get3A_290 : vector<16xf32>
      %swap3A_292 = arith.index_cast %scan3A_248 : i32 to index
      %swap3A_293 = arith.constant 32 : index
      %swap3A_294 = tpu.vector_load %arg7[%swap3A_292, %swap3A_293] {strides = array<i32>} : memref<80x128xf32, #tpu.memory_space<vmem>>, vector<1x16xf32>,
      %swap3A_295 = vector.shape_cast %swap3A_294 : vector<1x16xf32> to vector<16xf32>
      %swap3A_296 = vector.shape_cast %mul3A_291 : vector<16xf32> to vector<1x16xf32>
      tpu.vector_store %arg7[%swap3A_292, %swap3A_293], %swap3A_296 {strides = array<i32>} : memref<80x128xf32, #tpu.memory_space<vmem>>, vector<1x16xf32>,
      %get3A_297 = arith.index_cast %scan3A_248 : i32 to index
      %get3A_298 = arith.constant 48 : index
      %get3A_299 = tpu.vector_load %arg7[%get3A_297, %get3A_298] {strides = array<i32>} : memref<80x128xf32, #tpu.memory_space<vmem>>, vector<1x16xf32>,
      %get3A_300 = vector.shape_cast %get3A_299 : vector<1x16xf32> to vector<16xf32>
      %add3A_301 = arith.constant 40 : i32
      %add3A_302 = arith.addi %scan3A_248, %add3A_301 : i32
      %get3A_303 = arith.index_cast %add3A_302 : i32 to index
      %get3A_304 = arith.constant 48 : index
      %get3A_305 = tpu.vector_load %arg7[%get3A_303, %get3A_304] {strides = array<i32>} : memref<80x128xf32, #tpu.memory_space<vmem>>, vector<1x16xf32>,
      %get3A_306 = vector.shape_cast %get3A_305 : vector<1x16xf32> to vector<16xf32>
      %mul3A_307 = arith.mulf %get3A_300, %get3A_306 : vector<16xf32>
      %swap3A_308 = arith.index_cast %scan3A_248 : i32 to index
      %swap3A_309 = arith.constant 48 : index
      %swap3A_310 = tpu.vector_load %arg7[%swap3A_308, %swap3A_309] {strides = array<i32>} : memref<80x128xf32, #tpu.memory_space<vmem>>, vector<1x16xf32>,
      %swap3A_311 = vector.shape_cast %swap3A_310 : vector<1x16xf32> to vector<16xf32>
      %swap3A_312 = vector.shape_cast %mul3A_307 : vector<16xf32> to vector<1x16xf32>
      tpu.vector_store %arg7[%swap3A_308, %swap3A_309], %swap3A_312 {strides = array<i32>} : memref<80x128xf32, #tpu.memory_space<vmem>>, vector<1x16xf32>,
      %get3A_313 = arith.index_cast %scan3A_248 : i32 to index
      %get3A_314 = arith.constant 64 : index
      %get3A_315 = tpu.vector_load %arg7[%get3A_313, %get3A_314] {strides = array<i32>} : memref<80x128xf32, #tpu.memory_space<vmem>>, vector<1x16xf32>,
      %get3A_316 = vector.shape_cast %get3A_315 : vector<1x16xf32> to vector<16xf32>
      %add3A_317 = arith.constant 40 : i32
      %add3A_318 = arith.addi %scan3A_248, %add3A_317 : i32
      %get3A_319 = arith.index_cast %add3A_318 : i32 to index
      %get3A_320 = arith.constant 64 : index
      %get3A_321 = tpu.vector_load %arg7[%get3A_319, %get3A_320] {strides = array<i32>} : memref<80x128xf32, #tpu.memory_space<vmem>>, vector<1x16xf32>,
      %get3A_322 = vector.shape_cast %get3A_321 : vector<1x16xf32> to vector<16xf32>
      %mul3A_323 = arith.mulf %get3A_316, %get3A_322 : vector<16xf32>
      %swap3A_324 = arith.index_cast %scan3A_248 : i32 to index
      %swap3A_325 = arith.constant 64 : index
      %swap3A_326 = tpu.vector_load %arg7[%swap3A_324, %swap3A_325] {strides = array<i32>} : memref<80x128xf32, #tpu.memory_space<vmem>>, vector<1x16xf32>,
      %swap3A_327 = vector.shape_cast %swap3A_326 : vector<1x16xf32> to vector<16xf32>
      %swap3A_328 = vector.shape_cast %mul3A_323 : vector<16xf32> to vector<1x16xf32>
      tpu.vector_store %arg7[%swap3A_324, %swap3A_325], %swap3A_328 {strides = array<i32>} : memref<80x128xf32, #tpu.memory_space<vmem>>, vector<1x16xf32>,
      %get3A_329 = arith.index_cast %scan3A_248 : i32 to index
      %get3A_330 = arith.constant 80 : index
      %get3A_331 = tpu.vector_load %arg7[%get3A_329, %get3A_330] {strides = array<i32>} : memref<80x128xf32, #tpu.memory_space<vmem>>, vector<1x16xf32>,
      %get3A_332 = vector.shape_cast %get3A_331 : vector<1x16xf32> to vector<16xf32>
      %add3A_333 = arith.constant 40 : i32
      %add3A_334 = arith.addi %scan3A_248, %add3A_333 : i32
      %get3A_335 = arith.index_cast %add3A_334 : i32 to index
      %get3A_336 = arith.constant 80 : index
      %get3A_337 = tpu.vector_load %arg7[%get3A_335, %get3A_336] {strides = array<i32>} : memref<80x128xf32, #tpu.memory_space<vmem>>, vector<1x16xf32>,
      %get3A_338 = vector.shape_cast %get3A_337 : vector<1x16xf32> to vector<16xf32>
      %mul3A_339 = arith.mulf %get3A_332, %get3A_338 : vector<16xf32>
      %swap3A_340 = arith.index_cast %scan3A_248 : i32 to index
      %swap3A_341 = arith.constant 80 : index
      %swap3A_342 = tpu.vector_load %arg7[%swap3A_340, %swap3A_341] {strides = array<i32>} : memref<80x128xf32, #tpu.memory_space<vmem>>, vector<1x16xf32>,
      %swap3A_343 = vector.shape_cast %swap3A_342 : vector<1x16xf32> to vector<16xf32>
      %swap3A_344 = vector.shape_cast %mul3A_339 : vector<16xf32> to vector<1x16xf32>
      tpu.vector_store %arg7[%swap3A_340, %swap3A_341], %swap3A_344 {strides = array<i32>} : memref<80x128xf32, #tpu.memory_space<vmem>>, vector<1x16xf32>,
      %get3A_345 = arith.index_cast %scan3A_248 : i32 to index
      %get3A_346 = arith.constant 96 : index
      %get3A_347 = tpu.vector_load %arg7[%get3A_345, %get3A_346] {strides = array<i32>} : memref<80x128xf32, #tpu.memory_space<vmem>>, vector<1x16xf32>,
      %get3A_348 = vector.shape_cast %get3A_347 : vector<1x16xf32> to vector<16xf32>
      %add3A_349 = arith.constant 40 : i32
      %add3A_350 = arith.addi %scan3A_248, %add3A_349 : i32
      %get3A_351 = arith.index_cast %add3A_350 : i32 to index
      %get3A_352 = arith.constant 96 : index
      %get3A_353 = tpu.vector_load %arg7[%get3A_351, %get3A_352] {strides = array<i32>} : memref<80x128xf32, #tpu.memory_space<vmem>>, vector<1x16xf32>,
      %get3A_354 = vector.shape_cast %get3A_353 : vector<1x16xf32> to vector<16xf32>
      %mul3A_355 = arith.mulf %get3A_348, %get3A_354 : vector<16xf32>
      %swap3A_356 = arith.index_cast %scan3A_248 : i32 to index
      %swap3A_357 = arith.constant 96 : index
      %swap3A_358 = tpu.vector_load %arg7[%swap3A_356, %swap3A_357] {strides = array<i32>} : memref<80x128xf32, #tpu.memory_space<vmem>>, vector<1x16xf32>,
      %swap3A_359 = vector.shape_cast %swap3A_358 : vector<1x16xf32> to vector<16xf32>
      %swap3A_360 = vector.shape_cast %mul3A_355 : vector<16xf32> to vector<1x16xf32>
      tpu.vector_store %arg7[%swap3A_356, %swap3A_357], %swap3A_360 {strides = array<i32>} : memref<80x128xf32, #tpu.memory_space<vmem>>, vector<1x16xf32>,
      %get3A_361 = arith.index_cast %scan3A_248 : i32 to index
      %get3A_362 = arith.constant 112 : index
      %get3A_363 = tpu.vector_load %arg7[%get3A_361, %get3A_362] {strides = array<i32>} : memref<80x128xf32, #tpu.memory_space<vmem>>, vector<1x16xf32>,
      %get3A_364 = vector.shape_cast %get3A_363 : vector<1x16xf32> to vector<16xf32>
      %add3A_365 = arith.constant 40 : i32
      %add3A_366 = arith.addi %scan3A_248, %add3A_365 : i32
      %get3A_367 = arith.index_cast %add3A_366 : i32 to index
      %get3A_368 = arith.constant 112 : index
      %get3A_369 = tpu.vector_load %arg7[%get3A_367, %get3A_368] {strides = array<i32>} : memref<80x128xf32, #tpu.memory_space<vmem>>, vector<1x16xf32>,
      %get3A_370 = vector.shape_cast %get3A_369 : vector<1x16xf32> to vector<16xf32>
      %mul3A_371 = arith.mulf %get3A_364, %get3A_370 : vector<16xf32>
      %swap3A_372 = arith.index_cast %scan3A_248 : i32 to index
      %swap3A_373 = arith.constant 112 : index
      %swap3A_374 = tpu.vector_load %arg7[%swap3A_372, %swap3A_373] {strides = array<i32>} : memref<80x128xf32, #tpu.memory_space<vmem>>, vector<1x16xf32>,
      %swap3A_375 = vector.shape_cast %swap3A_374 : vector<1x16xf32> to vector<16xf32>
      %swap3A_376 = vector.shape_cast %mul3A_371 : vector<16xf32> to vector<1x16xf32>
      tpu.vector_store %arg7[%swap3A_372, %swap3A_373], %swap3A_376 {strides = array<i32>} : memref<80x128xf32, #tpu.memory_space<vmem>>, vector<1x16xf32>,
    }
    %scan3A_71 = arith.constant 40 : i32
    %mul3A_72 = arith.constant 10000 : i32
    %mul3A_73 = arith.muli %add3A, %mul3A_72 : i32
    %add3A_74 = arith.constant 40 : i32
    %add3A_75 = arith.addi %mul3A_73, %add3A_74 : i32
    %dma_start3A_76 = arith.constant 0 : i32
    %dma_start3A_77 = arith.constant 0 : i32
    %dma_start3A_78 = tpu.memref_slice %arg7[%dma_start3A_76, %dma_start3A_77] : memref<80x128xf32, #tpu.memory_space<vmem>> -> memref<40x128xf32, #tpu.memory_space<vmem>>
    %dma_start3A_79 = arith.constant 0 : i32
    %dma_start3A_80 = tpu.memref_slice %arg4[%add3A_75, %dma_start3A_79] : memref<320000x128xf32, #tpu.memory_space<hbm>> -> memref<40x128xf32, #tpu.memory_space<hbm>>
    %dma_start3A_81 = arith.constant 0 : i32
    %dma_start3A_82 = tpu.memref_slice %arg4[%add3A_75, %dma_start3A_81] : memref<320000x128xf32, #tpu.memory_space<hbm>> -> memref<40x128xf32, #tpu.memory_space<hbm>>
    %dma_start3A_83 = arith.constant 0 : i32
    %dma_start3A_84 = arith.constant 0 : i32
    %dma_start3A_85 = tpu.memref_slice %arg7[%dma_start3A_83, %dma_start3A_84] : memref<80x128xf32, #tpu.memory_space<vmem>> -> memref<40x128xf32, #tpu.memory_space<vmem>>
    tpu.enqueue_dma source(%dma_start3A_85 : memref<40x128xf32, #tpu.memory_space<vmem>>) target(%dma_start3A_82 : memref<40x128xf32, #tpu.memory_space<hbm>>) target_semaphore(%arg16 : memref<!tpu.dma_semaphore, #tpu.memory_space<semaphore_mem>>)
    %scan3A_86 = arith.constant 0 : i32
    %scan3A_87 = arith.constant 0 : i32
    %scan3A_88 = arith.constant 62 : i32
    %scan3A_89 = arith.addi %scan3A_87, %scan3A_88 : i32
    %scan3A_90 = arith.constant 1 : i32
    scf.for %scan3A_120 = %scan3A_87 to %scan3A_89 step %scan3A_90  : i32 {
      %mul3A_121 = arith.constant 4 : i32
      %mul3A_122 = arith.muli %scan3A_120, %mul3A_121 : i32
      %add3A_123 = arith.constant 2 : i32
      %add3A_124 = arith.addi %add3A_123, %mul3A_122 : i32
      %add3A_125 = arith.constant 0 : i32
      %add3A_126 = arith.addi %add3A_124, %add3A_125 : i32
      %dma_wait3A_127 = arith.constant 0 : i32
      %dma_wait3A_128 = arith.constant 0 : i32
      %dma_wait3A_129 = tpu.memref_slice %arg5[%dma_wait3A_127, %dma_wait3A_128] : memref<20x80xi32, #tpu.memory_space<vmem>> -> memref<1x80xi32, #tpu.memory_space<vmem>>
      %dma_wait3A_130 = tpu.memref_squeeze %dma_wait3A_129 : memref<1x80xi32, #tpu.memory_space<vmem>> -> memref<80xi32, #tpu.memory_space<vmem>>
      %dma_wait3A_131 = arith.constant 0 : i32
      %dma_wait3A_132 = arith.constant 0 : i32
      %dma_wait3A_133 = tpu.memref_slice %arg10[%dma_wait3A_131, %dma_wait3A_132] : memref<10000x128xf32, #tpu.memory_space<vmem_shared>> -> memref<10000x128xf32, #tpu.memory_space<vmem_shared>>
      tpu.wait_indirect_dma semaphore(%arg13 : memref<!tpu.dma_semaphore, #tpu.memory_space<semaphore_mem>>) src(%dma_wait3A_133 : memref<10000x128xf32, #tpu.memory_space<vmem_shared>>) dst(%arg8 : memref<80x128xf32, #tpu.memory_space<vmem>>)
      %sub3A = arith.constant 2 : i32
      %sub3A_134 = arith.subi %add3A_126, %sub3A : i32
      %mul3A_135 = arith.constant 10000 : i32
      %mul3A_136 = arith.muli %add3A, %mul3A_135 : i32
      %mul3A_137 = arith.constant 40 : i32
      %mul3A_138 = arith.muli %sub3A_134, %mul3A_137 : i32
      %add3A_139 = arith.addi %mul3A_136, %mul3A_138 : i32
      %dma_wait3A_140 = arith.constant 0 : i32
      %dma_wait3A_141 = arith.constant 0 : i32
      %dma_wait3A_142 = tpu.memref_slice %arg6[%dma_wait3A_140, %dma_wait3A_141] : memref<80x128xf32, #tpu.memory_space<vmem>> -> memref<40x128xf32, #tpu.memory_space<vmem>>
      %dma_wait3A_143 = arith.constant 0 : i32
      %dma_wait3A_144 = tpu.memref_slice %arg4[%add3A_139, %dma_wait3A_143] : memref<320000x128xf32, #tpu.memory_space<hbm>> -> memref<40x128xf32, #tpu.memory_space<hbm>>
      %dma_wait3A_145 = arith.constant 0 : i32
      %dma_wait3A_146 = tpu.memref_slice %arg4[%add3A_139, %dma_wait3A_145] : memref<320000x128xf32, #tpu.memory_space<hbm>> -> memref<40x128xf32, #tpu.memory_space<hbm>>
      %dma_wait3A_147 = arith.constant 0 : i32
      %dma_wait3A_148 = arith.constant 0 : i32
      %dma_wait3A_149 = tpu.memref_slice %arg6[%dma_wait3A_147, %dma_wait3A_148] : memref<80x128xf32, #tpu.memory_space<vmem>> -> memref<40x128xf32, #tpu.memory_space<vmem>>
      tpu.wait_dma2 semaphore(%arg15 : memref<!tpu.dma_semaphore, #tpu.memory_space<semaphore_mem>>) src(%dma_wait3A_149 : memref<40x128xf32, #tpu.memory_space<vmem>>) dst(%dma_wait3A_146 : memref<40x128xf32, #tpu.memory_space<hbm>>)
      %add3A_150 = arith.constant 2 : i32
      %add3A_151 = arith.addi %add3A_126, %add3A_150 : i32
      %lt3A = arith.constant 250 : i32
      %lt3A_152 = arith.cmpi slt, %add3A_151, %lt3A : i32
      %convert_element_type3A_153 = arith.extui %lt3A_152 : i1 to i32
      %cond3A_154 = arith.constant 0 : i32
      %cond3A_155 = arith.cmpi ne, %convert_element_type3A_153, %cond3A_154 : i32
      scf.if %cond3A_155 {
        %add3A_351 = arith.constant 2 : i32
        %add3A_352 = arith.addi %add3A_126, %add3A_351 : i32
        %jit3A = arith.constant 10 : i32
        %eq3A_353 = arith.constant 0 : i32
        %eq3A_354 = arith.cmpi eq, %jit3A, %eq3A_353 : i32
        %jit3A_355 = arith.constant 1 : i32
        %select_n3A = arith.select %eq3A_354, %jit3A_355, %jit3A : i32
        %rem3A = arith.remsi %add3A_352, %select_n3A : i32
        %ne3A = arith.constant 0 : i32
        %ne3A_356 = arith.cmpi ne, %rem3A, %ne3A : i32
        %lt3A_357 = arith.constant 0 : i32
        %lt3A_358 = arith.cmpi slt, %rem3A, %lt3A_357 : i32
        %lt3A_359 = arith.constant 0 : i32
        %lt3A_360 = arith.cmpi slt, %select_n3A, %lt3A_359 : i32
        %ne3A_361 = arith.xori %lt3A_358, %lt3A_360 : i1
        %and3A = arith.andi %ne3A_361, %ne3A_356 : i1
        %add3A_362 = arith.addi %rem3A, %select_n3A : i32
        %select_n3A_363 = arith.select %and3A, %add3A_362, %rem3A : i32
        %eq3A_364 = arith.constant 0 : i32
        %eq3A_365 = arith.cmpi eq, %select_n3A_363, %eq3A_364 : i32
        %convert_element_type3A_366 = arith.extui %eq3A_365 : i1 to i32
        %cond3A_367 = arith.constant 0 : i32
        %cond3A_368 = arith.cmpi ne, %convert_element_type3A_366, %cond3A_367 : i32
        scf.if %cond3A_368 {
          %add3A_393 = arith.constant 2 : i32
          %add3A_394 = arith.addi %add3A_126, %add3A_393 : i32
          %jit3A_395 = arith.constant 10 : i32
          %div3A = arith.divsi %add3A_394, %jit3A_395 : i32
          %sign3A = arith.constant 0 : i32
          %sign3A_396 = arith.cmpi sgt, %add3A_394, %sign3A : i32
          %sign3A_397 = arith.extui %sign3A_396 : i1 to i32
          %sign3A_398 = arith.constant 0 : i32
          %sign3A_399 = arith.cmpi slt, %add3A_394, %sign3A_398 : i32
          %sign3A_400 = arith.extui %sign3A_399 : i1 to i32
          %sign3A_401 = arith.subi %sign3A_397, %sign3A_400 : i32
          %sign3A_402 = arith.constant 0 : i32
          %sign3A_403 = arith.cmpi sgt, %jit3A_395, %sign3A_402 : i32
          %sign3A_404 = arith.extui %sign3A_403 : i1 to i32
          %sign3A_405 = arith.constant 0 : i32
          %sign3A_406 = arith.cmpi slt, %jit3A_395, %sign3A_405 : i32
          %sign3A_407 = arith.extui %sign3A_406 : i1 to i32
          %sign3A_408 = arith.subi %sign3A_404, %sign3A_407 : i32
          %ne3A_409 = arith.cmpi ne, %sign3A_401, %sign3A_408 : i32
          %rem3A_410 = arith.remsi %add3A_394, %jit3A_395 : i32
          %ne3A_411 = arith.constant 0 : i32
          %ne3A_412 = arith.cmpi ne, %rem3A_410, %ne3A_411 : i32
          %and3A_413 = arith.andi %ne3A_409, %ne3A_412 : i1
          %sub3A_414 = arith.constant 1 : i32
          %sub3A_415 = arith.subi %div3A, %sub3A_414 : i32
          %select_n3A_416 = arith.select %and3A_413, %sub3A_415, %div3A : i32
          %jit3A_417 = arith.constant 2 : i32
          %eq3A_418 = arith.constant 0 : i32
          %eq3A_419 = arith.cmpi eq, %jit3A_417, %eq3A_418 : i32
          %jit3A_420 = arith.constant 1 : i32
          %select_n3A_421 = arith.select %eq3A_419, %jit3A_420, %jit3A_417 : i32
          %rem3A_422 = arith.remsi %select_n3A_416, %select_n3A_421 : i32
          %ne3A_423 = arith.constant 0 : i32
          %ne3A_424 = arith.cmpi ne, %rem3A_422, %ne3A_423 : i32
          %lt3A_425 = arith.constant 0 : i32
          %lt3A_426 = arith.cmpi slt, %rem3A_422, %lt3A_425 : i32
          %lt3A_427 = arith.constant 0 : i32
          %lt3A_428 = arith.cmpi slt, %select_n3A_421, %lt3A_427 : i32
          %ne3A_429 = arith.xori %lt3A_426, %lt3A_428 : i1
          %and3A_430 = arith.andi %ne3A_429, %ne3A_424 : i1
          %add3A_431 = arith.addi %rem3A_422, %select_n3A_421 : i32
          %select_n3A_432 = arith.select %and3A_430, %add3A_431, %rem3A_422 : i32
          %mul3A_433 = arith.constant 10 : i32
          %mul3A_434 = arith.muli %select_n3A_432, %mul3A_433 : i32
          "tpu.region"() ({
            %run_scoped3A_435 = tpu.sem_alloc : memref<!tpu.dma_semaphore, #tpu.memory_space<semaphore_mem>>
            %dma_start3A_436 = arith.constant 0 : i32
            %dma_start3A_437 = tpu.memref_slice %arg5[%mul3A_434, %dma_start3A_436] : memref<20x80xi32, #tpu.memory_space<vmem>> -> memref<10x80xi32, #tpu.memory_space<vmem>>
            %dma_start3A_438 = arith.constant 0 : i32
            %dma_start3A_439 = arith.constant 0 : i32
            %dma_start3A_440 = tpu.memref_slice %arg3[%add3A, %select_n3A_416, %dma_start3A_438, %dma_start3A_439] : memref<32x25x10x80xi32, #tpu.memory_space<hbm>> -> memref<1x1x10x80xi32, #tpu.memory_space<hbm>>
            %dma_start3A_441 = tpu.memref_squeeze %dma_start3A_440 : memref<1x1x10x80xi32, #tpu.memory_space<hbm>> -> memref<10x80xi32, #tpu.memory_space<hbm>>
            %dma_start3A_442 = arith.constant 0 : i32
            %dma_start3A_443 = tpu.memref_slice %arg5[%mul3A_434, %dma_start3A_442] : memref<20x80xi32, #tpu.memory_space<vmem>> -> memref<10x80xi32, #tpu.memory_space<vmem>>
            %dma_start3A_444 = arith.constant 0 : i32
            %dma_start3A_445 = arith.constant 0 : i32
            %dma_start3A_446 = tpu.memref_slice %arg3[%add3A, %select_n3A_416, %dma_start3A_444, %dma_start3A_445] : memref<32x25x10x80xi32, #tpu.memory_space<hbm>> -> memref<1x1x10x80xi32, #tpu.memory_space<hbm>>
            %dma_start3A_447 = tpu.memref_squeeze %dma_start3A_446 : memref<1x1x10x80xi32, #tpu.memory_space<hbm>> -> memref<10x80xi32, #tpu.memory_space<hbm>>
            tpu.enqueue_dma source(%dma_start3A_447 : memref<10x80xi32, #tpu.memory_space<hbm>>) target(%dma_start3A_443 : memref<10x80xi32, #tpu.memory_space<vmem>>) target_semaphore(%run_scoped3A_435 : memref<!tpu.dma_semaphore, #tpu.memory_space<semaphore_mem>>)
            %dma_wait3A_448 = arith.constant 0 : i32
            %dma_wait3A_449 = tpu.memref_slice %arg5[%mul3A_434, %dma_wait3A_448] : memref<20x80xi32, #tpu.memory_space<vmem>> -> memref<10x80xi32, #tpu.memory_space<vmem>>
            %dma_wait3A_450 = arith.constant 0 : i32
            %dma_wait3A_451 = arith.constant 0 : i32
            %dma_wait3A_452 = tpu.memref_slice %arg3[%add3A, %select_n3A_416, %dma_wait3A_450, %dma_wait3A_451] : memref<32x25x10x80xi32, #tpu.memory_space<hbm>> -> memref<1x1x10x80xi32, #tpu.memory_space<hbm>>
            %dma_wait3A_453 = tpu.memref_squeeze %dma_wait3A_452 : memref<1x1x10x80xi32, #tpu.memory_space<hbm>> -> memref<10x80xi32, #tpu.memory_space<hbm>>
            %dma_wait3A_454 = arith.constant 0 : i32
            %dma_wait3A_455 = tpu.memref_slice %arg5[%mul3A_434, %dma_wait3A_454] : memref<20x80xi32, #tpu.memory_space<vmem>> -> memref<10x80xi32, #tpu.memory_space<vmem>>
            %dma_wait3A_456 = arith.constant 0 : i32
            %dma_wait3A_457 = arith.constant 0 : i32
            %dma_wait3A_458 = tpu.memref_slice %arg3[%add3A, %select_n3A_416, %dma_wait3A_456, %dma_wait3A_457] : memref<32x25x10x80xi32, #tpu.memory_space<hbm>> -> memref<1x1x10x80xi32, #tpu.memory_space<hbm>>
            %dma_wait3A_459 = tpu.memref_squeeze %dma_wait3A_458 : memref<1x1x10x80xi32, #tpu.memory_space<hbm>> -> memref<10x80xi32, #tpu.memory_space<hbm>>
            tpu.wait_dma2 semaphore(%run_scoped3A_435 : memref<!tpu.dma_semaphore, #tpu.memory_space<semaphore_mem>>) src(%dma_wait3A_459 : memref<10x80xi32, #tpu.memory_space<hbm>>) dst(%dma_wait3A_455 : memref<10x80xi32, #tpu.memory_space<vmem>>)
            tpu.yield
          }) : () -> ()
        } else {
        }
        %add3A_369 = arith.constant 2 : i32
        %add3A_370 = arith.addi %add3A_126, %add3A_369 : i32
        %jit3A_371 = arith.constant 20 : i32
        %eq3A_372 = arith.constant 0 : i32
        %eq3A_373 = arith.cmpi eq, %jit3A_371, %eq3A_372 : i32
        %jit3A_374 = arith.constant 1 : i32
        %select_n3A_375 = arith.select %eq3A_373, %jit3A_374, %jit3A_371 : i32
        %rem3A_376 = arith.remsi %add3A_370, %select_n3A_375 : i32
        %ne3A_377 = arith.constant 0 : i32
        %ne3A_378 = arith.cmpi ne, %rem3A_376, %ne3A_377 : i32
        %lt3A_379 = arith.constant 0 : i32
        %lt3A_380 = arith.cmpi slt, %rem3A_376, %lt3A_379 : i32
        %lt3A_381 = arith.constant 0 : i32
        %lt3A_382 = arith.cmpi slt, %select_n3A_375, %lt3A_381 : i32
        %ne3A_383 = arith.xori %lt3A_380, %lt3A_382 : i1
        %and3A_384 = arith.andi %ne3A_383, %ne3A_378 : i1
        %add3A_385 = arith.addi %rem3A_376, %select_n3A_375 : i32
        %select_n3A_386 = arith.select %and3A_384, %add3A_385, %rem3A_376 : i32
        %dma_start3A_387 = arith.constant 0 : i32
        %dma_start3A_388 = tpu.memref_slice %arg5[%select_n3A_386, %dma_start3A_387] : memref<20x80xi32, #tpu.memory_space<vmem>> -> memref<1x80xi32, #tpu.memory_space<vmem>>
        %dma_start3A_389 = tpu.memref_squeeze %dma_start3A_388 : memref<1x80xi32, #tpu.memory_space<vmem>> -> memref<80xi32, #tpu.memory_space<vmem>>
        %dma_start3A_390 = arith.constant 0 : i32
        %dma_start3A_391 = arith.constant 0 : i32
        %dma_start3A_392 = tpu.memref_slice %arg10[%dma_start3A_390, %dma_start3A_391] : memref<10000x128xf32, #tpu.memory_space<vmem_shared>> -> memref<10000x128xf32, #tpu.memory_space<vmem_shared>>
        tpu.enqueue_indirect_dma source(%dma_start3A_392 : memref<10000x128xf32, #tpu.memory_space<vmem_shared>>) target(%arg6 : memref<80x128xf32, #tpu.memory_space<vmem>>) offsets(%dma_start3A_389 : memref<80xi32, #tpu.memory_space<vmem>>) semaphore(%arg11 : memref<!tpu.dma_semaphore, #tpu.memory_space<semaphore_mem>>)
      } else {
      }
      %scan3A_156 = arith.constant 0 : i32
      %scan3A_157 = arith.constant 0 : i32
      %scan3A_158 = arith.constant 40 : i32
      %scan3A_159 = arith.addi %scan3A_157, %scan3A_158 : i32
      %scan3A_160 = arith.constant 2 : i32
      scf.for %scan3A_351 = %scan3A_157 to %scan3A_159 step %scan3A_160  : i32 {
        %get3A = arith.index_cast %scan3A_351 : i32 to index
        %get3A_352 = arith.constant 0 : index
        %get3A_353 = tpu.vector_load %arg8[%get3A, %get3A_352] {strides = array<i32>} : memref<80x128xf32, #tpu.memory_space<vmem>>, vector<1x16xf32>,
        %get3A_354 = vector.shape_cast %get3A_353 : vector<1x16xf32> to vector<16xf32>
        %add3A_355 = arith.constant 40 : i32
        %add3A_356 = arith.addi %scan3A_351, %add3A_355 : i32
        %get3A_357 = arith.index_cast %add3A_356 : i32 to index
        %get3A_358 = arith.constant 0 : index
        %get3A_359 = tpu.vector_load %arg8[%get3A_357, %get3A_358] {strides = array<i32>} : memref<80x128xf32, #tpu.memory_space<vmem>>, vector<1x16xf32>,
        %get3A_360 = vector.shape_cast %get3A_359 : vector<1x16xf32> to vector<16xf32>
        %mul3A_361 = arith.mulf %get3A_354, %get3A_360 : vector<16xf32>
        %swap3A = arith.index_cast %scan3A_351 : i32 to index
        %swap3A_362 = arith.constant 0 : index
        %swap3A_363 = tpu.vector_load %arg8[%swap3A, %swap3A_362] {strides = array<i32>} : memref<80x128xf32, #tpu.memory_space<vmem>>, vector<1x16xf32>,
        %swap3A_364 = vector.shape_cast %swap3A_363 : vector<1x16xf32> to vector<16xf32>
        %swap3A_365 = vector.shape_cast %mul3A_361 : vector<16xf32> to vector<1x16xf32>
        tpu.vector_store %arg8[%swap3A, %swap3A_362], %swap3A_365 {strides = array<i32>} : memref<80x128xf32, #tpu.memory_space<vmem>>, vector<1x16xf32>,
        %get3A_366 = arith.index_cast %scan3A_351 : i32 to index
        %get3A_367 = arith.constant 16 : index
        %get3A_368 = tpu.vector_load %arg8[%get3A_366, %get3A_367] {strides = array<i32>} : memref<80x128xf32, #tpu.memory_space<vmem>>, vector<1x16xf32>,
        %get3A_369 = vector.shape_cast %get3A_368 : vector<1x16xf32> to vector<16xf32>
        %add3A_370 = arith.constant 40 : i32
        %add3A_371 = arith.addi %scan3A_351, %add3A_370 : i32
        %get3A_372 = arith.index_cast %add3A_371 : i32 to index
        %get3A_373 = arith.constant 16 : index
        %get3A_374 = tpu.vector_load %arg8[%get3A_372, %get3A_373] {strides = array<i32>} : memref<80x128xf32, #tpu.memory_space<vmem>>, vector<1x16xf32>,
        %get3A_375 = vector.shape_cast %get3A_374 : vector<1x16xf32> to vector<16xf32>
        %mul3A_376 = arith.mulf %get3A_369, %get3A_375 : vector<16xf32>
        %swap3A_377 = arith.index_cast %scan3A_351 : i32 to index
        %swap3A_378 = arith.constant 16 : index
        %swap3A_379 = tpu.vector_load %arg8[%swap3A_377, %swap3A_378] {strides = array<i32>} : memref<80x128xf32, #tpu.memory_space<vmem>>, vector<1x16xf32>,
        %swap3A_380 = vector.shape_cast %swap3A_379 : vector<1x16xf32> to vector<16xf32>
        %swap3A_381 = vector.shape_cast %mul3A_376 : vector<16xf32> to vector<1x16xf32>
        tpu.vector_store %arg8[%swap3A_377, %swap3A_378], %swap3A_381 {strides = array<i32>} : memref<80x128xf32, #tpu.memory_space<vmem>>, vector<1x16xf32>,
        %get3A_382 = arith.index_cast %scan3A_351 : i32 to index
        %get3A_383 = arith.constant 32 : index
        %get3A_384 = tpu.vector_load %arg8[%get3A_382, %get3A_383] {strides = array<i32>} : memref<80x128xf32, #tpu.memory_space<vmem>>, vector<1x16xf32>,
        %get3A_385 = vector.shape_cast %get3A_384 : vector<1x16xf32> to vector<16xf32>
        %add3A_386 = arith.constant 40 : i32
        %add3A_387 = arith.addi %scan3A_351, %add3A_386 : i32
        %get3A_388 = arith.index_cast %add3A_387 : i32 to index
        %get3A_389 = arith.constant 32 : index
        %get3A_390 = tpu.vector_load %arg8[%get3A_388, %get3A_389] {strides = array<i32>} : memref<80x128xf32, #tpu.memory_space<vmem>>, vector<1x16xf32>,
        %get3A_391 = vector.shape_cast %get3A_390 : vector<1x16xf32> to vector<16xf32>
        %mul3A_392 = arith.mulf %get3A_385, %get3A_391 : vector<16xf32>
        %swap3A_393 = arith.index_cast %scan3A_351 : i32 to index
        %swap3A_394 = arith.constant 32 : index
        %swap3A_395 = tpu.vector_load %arg8[%swap3A_393, %swap3A_394] {strides = array<i32>} : memref<80x128xf32, #tpu.memory_space<vmem>>, vector<1x16xf32>,
        %swap3A_396 = vector.shape_cast %swap3A_395 : vector<1x16xf32> to vector<16xf32>
        %swap3A_397 = vector.shape_cast %mul3A_392 : vector<16xf32> to vector<1x16xf32>
        tpu.vector_store %arg8[%swap3A_393, %swap3A_394], %swap3A_397 {strides = array<i32>} : memref<80x128xf32, #tpu.memory_space<vmem>>, vector<1x16xf32>,
        %get3A_398 = arith.index_cast %scan3A_351 : i32 to index
        %get3A_399 = arith.constant 48 : index
        %get3A_400 = tpu.vector_load %arg8[%get3A_398, %get3A_399] {strides = array<i32>} : memref<80x128xf32, #tpu.memory_space<vmem>>, vector<1x16xf32>,
        %get3A_401 = vector.shape_cast %get3A_400 : vector<1x16xf32> to vector<16xf32>
        %add3A_402 = arith.constant 40 : i32
        %add3A_403 = arith.addi %scan3A_351, %add3A_402 : i32
        %get3A_404 = arith.index_cast %add3A_403 : i32 to index
        %get3A_405 = arith.constant 48 : index
        %get3A_406 = tpu.vector_load %arg8[%get3A_404, %get3A_405] {strides = array<i32>} : memref<80x128xf32, #tpu.memory_space<vmem>>, vector<1x16xf32>,
        %get3A_407 = vector.shape_cast %get3A_406 : vector<1x16xf32> to vector<16xf32>
        %mul3A_408 = arith.mulf %get3A_401, %get3A_407 : vector<16xf32>
        %swap3A_409 = arith.index_cast %scan3A_351 : i32 to index
        %swap3A_410 = arith.constant 48 : index
        %swap3A_411 = tpu.vector_load %arg8[%swap3A_409, %swap3A_410] {strides = array<i32>} : memref<80x128xf32, #tpu.memory_space<vmem>>, vector<1x16xf32>,
        %swap3A_412 = vector.shape_cast %swap3A_411 : vector<1x16xf32> to vector<16xf32>
        %swap3A_413 = vector.shape_cast %mul3A_408 : vector<16xf32> to vector<1x16xf32>
        tpu.vector_store %arg8[%swap3A_409, %swap3A_410], %swap3A_413 {strides = array<i32>} : memref<80x128xf32, #tpu.memory_space<vmem>>, vector<1x16xf32>,
        %get3A_414 = arith.index_cast %scan3A_351 : i32 to index
        %get3A_415 = arith.constant 64 : index
        %get3A_416 = tpu.vector_load %arg8[%get3A_414, %get3A_415] {strides = array<i32>} : memref<80x128xf32, #tpu.memory_space<vmem>>, vector<1x16xf32>,
        %get3A_417 = vector.shape_cast %get3A_416 : vector<1x16xf32> to vector<16xf32>
        %add3A_418 = arith.constant 40 : i32
        %add3A_419 = arith.addi %scan3A_351, %add3A_418 : i32
        %get3A_420 = arith.index_cast %add3A_419 : i32 to index
        %get3A_421 = arith.constant 64 : index
        %get3A_422 = tpu.vector_load %arg8[%get3A_420, %get3A_421] {strides = array<i32>} : memref<80x128xf32, #tpu.memory_space<vmem>>, vector<1x16xf32>,
        %get3A_423 = vector.shape_cast %get3A_422 : vector<1x16xf32> to vector<16xf32>
        %mul3A_424 = arith.mulf %get3A_417, %get3A_423 : vector<16xf32>
        %swap3A_425 = arith.index_cast %scan3A_351 : i32 to index
        %swap3A_426 = arith.constant 64 : index
        %swap3A_427 = tpu.vector_load %arg8[%swap3A_425, %swap3A_426] {strides = array<i32>} : memref<80x128xf32, #tpu.memory_space<vmem>>, vector<1x16xf32>,
        %swap3A_428 = vector.shape_cast %swap3A_427 : vector<1x16xf32> to vector<16xf32>
        %swap3A_429 = vector.shape_cast %mul3A_424 : vector<16xf32> to vector<1x16xf32>
        tpu.vector_store %arg8[%swap3A_425, %swap3A_426], %swap3A_429 {strides = array<i32>} : memref<80x128xf32, #tpu.memory_space<vmem>>, vector<1x16xf32>,
        %get3A_430 = arith.index_cast %scan3A_351 : i32 to index
        %get3A_431 = arith.constant 80 : index
        %get3A_432 = tpu.vector_load %arg8[%get3A_430, %get3A_431] {strides = array<i32>} : memref<80x128xf32, #tpu.memory_space<vmem>>, vector<1x16xf32>,
        %get3A_433 = vector.shape_cast %get3A_432 : vector<1x16xf32> to vector<16xf32>
        %add3A_434 = arith.constant 40 : i32
        %add3A_435 = arith.addi %scan3A_351, %add3A_434 : i32
        %get3A_436 = arith.index_cast %add3A_435 : i32 to index
        %get3A_437 = arith.constant 80 : index
        %get3A_438 = tpu.vector_load %arg8[%get3A_436, %get3A_437] {strides = array<i32>} : memref<80x128xf32, #tpu.memory_space<vmem>>, vector<1x16xf32>,
        %get3A_439 = vector.shape_cast %get3A_438 : vector<1x16xf32> to vector<16xf32>
        %mul3A_440 = arith.mulf %get3A_433, %get3A_439 : vector<16xf32>
        %swap3A_441 = arith.index_cast %scan3A_351 : i32 to index
        %swap3A_442 = arith.constant 80 : index
        %swap3A_443 = tpu.vector_load %arg8[%swap3A_441, %swap3A_442] {strides = array<i32>} : memref<80x128xf32, #tpu.memory_space<vmem>>, vector<1x16xf32>,
        %swap3A_444 = vector.shape_cast %swap3A_443 : vector<1x16xf32> to vector<16xf32>
        %swap3A_445 = vector.shape_cast %mul3A_440 : vector<16xf32> to vector<1x16xf32>
        tpu.vector_store %arg8[%swap3A_441, %swap3A_442], %swap3A_445 {strides = array<i32>} : memref<80x128xf32, #tpu.memory_space<vmem>>, vector<1x16xf32>,
        %get3A_446 = arith.index_cast %scan3A_351 : i32 to index
        %get3A_447 = arith.constant 96 : index
        %get3A_448 = tpu.vector_load %arg8[%get3A_446, %get3A_447] {strides = array<i32>} : memref<80x128xf32, #tpu.memory_space<vmem>>, vector<1x16xf32>,
        %get3A_449 = vector.shape_cast %get3A_448 : vector<1x16xf32> to vector<16xf32>
        %add3A_450 = arith.constant 40 : i32
        %add3A_451 = arith.addi %scan3A_351, %add3A_450 : i32
        %get3A_452 = arith.index_cast %add3A_451 : i32 to index
        %get3A_453 = arith.constant 96 : index
        %get3A_454 = tpu.vector_load %arg8[%get3A_452, %get3A_453] {strides = array<i32>} : memref<80x128xf32, #tpu.memory_space<vmem>>, vector<1x16xf32>,
        %get3A_455 = vector.shape_cast %get3A_454 : vector<1x16xf32> to vector<16xf32>
        %mul3A_456 = arith.mulf %get3A_449, %get3A_455 : vector<16xf32>
        %swap3A_457 = arith.index_cast %scan3A_351 : i32 to index
        %swap3A_458 = arith.constant 96 : index
        %swap3A_459 = tpu.vector_load %arg8[%swap3A_457, %swap3A_458] {strides = array<i32>} : memref<80x128xf32, #tpu.memory_space<vmem>>, vector<1x16xf32>,
        %swap3A_460 = vector.shape_cast %swap3A_459 : vector<1x16xf32> to vector<16xf32>
        %swap3A_461 = vector.shape_cast %mul3A_456 : vector<16xf32> to vector<1x16xf32>
        tpu.vector_store %arg8[%swap3A_457, %swap3A_458], %swap3A_461 {strides = array<i32>} : memref<80x128xf32, #tpu.memory_space<vmem>>, vector<1x16xf32>,
        %get3A_462 = arith.index_cast %scan3A_351 : i32 to index
        %get3A_463 = arith.constant 112 : index
        %get3A_464 = tpu.vector_load %arg8[%get3A_462, %get3A_463] {strides = array<i32>} : memref<80x128xf32, #tpu.memory_space<vmem>>, vector<1x16xf32>,
        %get3A_465 = vector.shape_cast %get3A_464 : vector<1x16xf32> to vector<16xf32>
        %add3A_466 = arith.constant 40 : i32
        %add3A_467 = arith.addi %scan3A_351, %add3A_466 : i32
        %get3A_468 = arith.index_cast %add3A_467 : i32 to index
        %get3A_469 = arith.constant 112 : index
        %get3A_470 = tpu.vector_load %arg8[%get3A_468, %get3A_469] {strides = array<i32>} : memref<80x128xf32, #tpu.memory_space<vmem>>, vector<1x16xf32>,
        %get3A_471 = vector.shape_cast %get3A_470 : vector<1x16xf32> to vector<16xf32>
        %mul3A_472 = arith.mulf %get3A_465, %get3A_471 : vector<16xf32>
        %swap3A_473 = arith.index_cast %scan3A_351 : i32 to index
        %swap3A_474 = arith.constant 112 : index
        %swap3A_475 = tpu.vector_load %arg8[%swap3A_473, %swap3A_474] {strides = array<i32>} : memref<80x128xf32, #tpu.memory_space<vmem>>, vector<1x16xf32>,
        %swap3A_476 = vector.shape_cast %swap3A_475 : vector<1x16xf32> to vector<16xf32>
        %swap3A_477 = vector.shape_cast %mul3A_472 : vector<16xf32> to vector<1x16xf32>
        tpu.vector_store %arg8[%swap3A_473, %swap3A_474], %swap3A_477 {strides = array<i32>} : memref<80x128xf32, #tpu.memory_space<vmem>>, vector<1x16xf32>,
        %scan3A_478 = arith.constant 1 : i32
        %scan3A_479 = arith.addi %scan3A_351, %scan3A_478 : i32
        %get3A_480 = arith.index_cast %scan3A_479 : i32 to index
        %get3A_481 = arith.constant 0 : index
        %get3A_482 = tpu.vector_load %arg8[%get3A_480, %get3A_481] {strides = array<i32>} : memref<80x128xf32, #tpu.memory_space<vmem>>, vector<1x16xf32>,
        %get3A_483 = vector.shape_cast %get3A_482 : vector<1x16xf32> to vector<16xf32>
        %add3A_484 = arith.constant 40 : i32
        %add3A_485 = arith.addi %scan3A_479, %add3A_484 : i32
        %get3A_486 = arith.index_cast %add3A_485 : i32 to index
        %get3A_487 = arith.constant 0 : index
        %get3A_488 = tpu.vector_load %arg8[%get3A_486, %get3A_487] {strides = array<i32>} : memref<80x128xf32, #tpu.memory_space<vmem>>, vector<1x16xf32>,
        %get3A_489 = vector.shape_cast %get3A_488 : vector<1x16xf32> to vector<16xf32>
        %mul3A_490 = arith.mulf %get3A_483, %get3A_489 : vector<16xf32>
        %swap3A_491 = arith.index_cast %scan3A_479 : i32 to index
        %swap3A_492 = arith.constant 0 : index
        %swap3A_493 = tpu.vector_load %arg8[%swap3A_491, %swap3A_492] {strides = array<i32>} : memref<80x128xf32, #tpu.memory_space<vmem>>, vector<1x16xf32>,
        %swap3A_494 = vector.shape_cast %swap3A_493 : vector<1x16xf32> to vector<16xf32>
        %swap3A_495 = vector.shape_cast %mul3A_490 : vector<16xf32> to vector<1x16xf32>
        tpu.vector_store %arg8[%swap3A_491, %swap3A_492], %swap3A_495 {strides = array<i32>} : memref<80x128xf32, #tpu.memory_space<vmem>>, vector<1x16xf32>,
        %get3A_496 = arith.index_cast %scan3A_479 : i32 to index
        %get3A_497 = arith.constant 16 : index
        %get3A_498 = tpu.vector_load %arg8[%get3A_496, %get3A_497] {strides = array<i32>} : memref<80x128xf32, #tpu.memory_space<vmem>>, vector<1x16xf32>,
        %get3A_499 = vector.shape_cast %get3A_498 : vector<1x16xf32> to vector<16xf32>
        %add3A_500 = arith.constant 40 : i32
        %add3A_501 = arith.addi %scan3A_479, %add3A_500 : i32
        %get3A_502 = arith.index_cast %add3A_501 : i32 to index
        %get3A_503 = arith.constant 16 : index
        %get3A_504 = tpu.vector_load %arg8[%get3A_502, %get3A_503] {strides = array<i32>} : memref<80x128xf32, #tpu.memory_space<vmem>>, vector<1x16xf32>,
        %get3A_505 = vector.shape_cast %get3A_504 : vector<1x16xf32> to vector<16xf32>
        %mul3A_506 = arith.mulf %get3A_499, %get3A_505 : vector<16xf32>
        %swap3A_507 = arith.index_cast %scan3A_479 : i32 to index
        %swap3A_508 = arith.constant 16 : index
        %swap3A_509 = tpu.vector_load %arg8[%swap3A_507, %swap3A_508] {strides = array<i32>} : memref<80x128xf32, #tpu.memory_space<vmem>>, vector<1x16xf32>,
        %swap3A_510 = vector.shape_cast %swap3A_509 : vector<1x16xf32> to vector<16xf32>
        %swap3A_511 = vector.shape_cast %mul3A_506 : vector<16xf32> to vector<1x16xf32>
        tpu.vector_store %arg8[%swap3A_507, %swap3A_508], %swap3A_511 {strides = array<i32>} : memref<80x128xf32, #tpu.memory_space<vmem>>, vector<1x16xf32>,
        %get3A_512 = arith.index_cast %scan3A_479 : i32 to index
        %get3A_513 = arith.constant 32 : index
        %get3A_514 = tpu.vector_load %arg8[%get3A_512, %get3A_513] {strides = array<i32>} : memref<80x128xf32, #tpu.memory_space<vmem>>, vector<1x16xf32>,
        %get3A_515 = vector.shape_cast %get3A_514 : vector<1x16xf32> to vector<16xf32>
        %add3A_516 = arith.constant 40 : i32
        %add3A_517 = arith.addi %scan3A_479, %add3A_516 : i32
        %get3A_518 = arith.index_cast %add3A_517 : i32 to index
        %get3A_519 = arith.constant 32 : index
        %get3A_520 = tpu.vector_load %arg8[%get3A_518, %get3A_519] {strides = array<i32>} : memref<80x128xf32, #tpu.memory_space<vmem>>, vector<1x16xf32>,
        %get3A_521 = vector.shape_cast %get3A_520 : vector<1x16xf32> to vector<16xf32>
        %mul3A_522 = arith.mulf %get3A_515, %get3A_521 : vector<16xf32>
        %swap3A_523 = arith.index_cast %scan3A_479 : i32 to index
        %swap3A_524 = arith.constant 32 : index
        %swap3A_525 = tpu.vector_load %arg8[%swap3A_523, %swap3A_524] {strides = array<i32>} : memref<80x128xf32, #tpu.memory_space<vmem>>, vector<1x16xf32>,
        %swap3A_526 = vector.shape_cast %swap3A_525 : vector<1x16xf32> to vector<16xf32>
        %swap3A_527 = vector.shape_cast %mul3A_522 : vector<16xf32> to vector<1x16xf32>
        tpu.vector_store %arg8[%swap3A_523, %swap3A_524], %swap3A_527 {strides = array<i32>} : memref<80x128xf32, #tpu.memory_space<vmem>>, vector<1x16xf32>,
        %get3A_528 = arith.index_cast %scan3A_479 : i32 to index
        %get3A_529 = arith.constant 48 : index
        %get3A_530 = tpu.vector_load %arg8[%get3A_528, %get3A_529] {strides = array<i32>} : memref<80x128xf32, #tpu.memory_space<vmem>>, vector<1x16xf32>,
        %get3A_531 = vector.shape_cast %get3A_530 : vector<1x16xf32> to vector<16xf32>
        %add3A_532 = arith.constant 40 : i32
        %add3A_533 = arith.addi %scan3A_479, %add3A_532 : i32
        %get3A_534 = arith.index_cast %add3A_533 : i32 to index
        %get3A_535 = arith.constant 48 : index
        %get3A_536 = tpu.vector_load %arg8[%get3A_534, %get3A_535] {strides = array<i32>} : memref<80x128xf32, #tpu.memory_space<vmem>>, vector<1x16xf32>,
        %get3A_537 = vector.shape_cast %get3A_536 : vector<1x16xf32> to vector<16xf32>
        %mul3A_538 = arith.mulf %get3A_531, %get3A_537 : vector<16xf32>
        %swap3A_539 = arith.index_cast %scan3A_479 : i32 to index
        %swap3A_540 = arith.constant 48 : index
        %swap3A_541 = tpu.vector_load %arg8[%swap3A_539, %swap3A_540] {strides = array<i32>} : memref<80x128xf32, #tpu.memory_space<vmem>>, vector<1x16xf32>,
        %swap3A_542 = vector.shape_cast %swap3A_541 : vector<1x16xf32> to vector<16xf32>
        %swap3A_543 = vector.shape_cast %mul3A_538 : vector<16xf32> to vector<1x16xf32>
        tpu.vector_store %arg8[%swap3A_539, %swap3A_540], %swap3A_543 {strides = array<i32>} : memref<80x128xf32, #tpu.memory_space<vmem>>, vector<1x16xf32>,
        %get3A_544 = arith.index_cast %scan3A_479 : i32 to index
        %get3A_545 = arith.constant 64 : index
        %get3A_546 = tpu.vector_load %arg8[%get3A_544, %get3A_545] {strides = array<i32>} : memref<80x128xf32, #tpu.memory_space<vmem>>, vector<1x16xf32>,
        %get3A_547 = vector.shape_cast %get3A_546 : vector<1x16xf32> to vector<16xf32>
        %add3A_548 = arith.constant 40 : i32
        %add3A_549 = arith.addi %scan3A_479, %add3A_548 : i32
        %get3A_550 = arith.index_cast %add3A_549 : i32 to index
        %get3A_551 = arith.constant 64 : index
        %get3A_552 = tpu.vector_load %arg8[%get3A_550, %get3A_551] {strides = array<i32>} : memref<80x128xf32, #tpu.memory_space<vmem>>, vector<1x16xf32>,
        %get3A_553 = vector.shape_cast %get3A_552 : vector<1x16xf32> to vector<16xf32>
        %mul3A_554 = arith.mulf %get3A_547, %get3A_553 : vector<16xf32>
        %swap3A_555 = arith.index_cast %scan3A_479 : i32 to index
        %swap3A_556 = arith.constant 64 : index
        %swap3A_557 = tpu.vector_load %arg8[%swap3A_555, %swap3A_556] {strides = array<i32>} : memref<80x128xf32, #tpu.memory_space<vmem>>, vector<1x16xf32>,
        %swap3A_558 = vector.shape_cast %swap3A_557 : vector<1x16xf32> to vector<16xf32>
        %swap3A_559 = vector.shape_cast %mul3A_554 : vector<16xf32> to vector<1x16xf32>
        tpu.vector_store %arg8[%swap3A_555, %swap3A_556], %swap3A_559 {strides = array<i32>} : memref<80x128xf32, #tpu.memory_space<vmem>>, vector<1x16xf32>,
        %get3A_560 = arith.index_cast %scan3A_479 : i32 to index
        %get3A_561 = arith.constant 80 : index
        %get3A_562 = tpu.vector_load %arg8[%get3A_560, %get3A_561] {strides = array<i32>} : memref<80x128xf32, #tpu.memory_space<vmem>>, vector<1x16xf32>,
        %get3A_563 = vector.shape_cast %get3A_562 : vector<1x16xf32> to vector<16xf32>
        %add3A_564 = arith.constant 40 : i32
        %add3A_565 = arith.addi %scan3A_479, %add3A_564 : i32
        %get3A_566 = arith.index_cast %add3A_565 : i32 to index
        %get3A_567 = arith.constant 80 : index
        %get3A_568 = tpu.vector_load %arg8[%get3A_566, %get3A_567] {strides = array<i32>} : memref<80x128xf32, #tpu.memory_space<vmem>>, vector<1x16xf32>,
        %get3A_569 = vector.shape_cast %get3A_568 : vector<1x16xf32> to vector<16xf32>
        %mul3A_570 = arith.mulf %get3A_563, %get3A_569 : vector<16xf32>
        %swap3A_571 = arith.index_cast %scan3A_479 : i32 to index
        %swap3A_572 = arith.constant 80 : index
        %swap3A_573 = tpu.vector_load %arg8[%swap3A_571, %swap3A_572] {strides = array<i32>} : memref<80x128xf32, #tpu.memory_space<vmem>>, vector<1x16xf32>,
        %swap3A_574 = vector.shape_cast %swap3A_573 : vector<1x16xf32> to vector<16xf32>
        %swap3A_575 = vector.shape_cast %mul3A_570 : vector<16xf32> to vector<1x16xf32>
        tpu.vector_store %arg8[%swap3A_571, %swap3A_572], %swap3A_575 {strides = array<i32>} : memref<80x128xf32, #tpu.memory_space<vmem>>, vector<1x16xf32>,
        %get3A_576 = arith.index_cast %scan3A_479 : i32 to index
        %get3A_577 = arith.constant 96 : index
        %get3A_578 = tpu.vector_load %arg8[%get3A_576, %get3A_577] {strides = array<i32>} : memref<80x128xf32, #tpu.memory_space<vmem>>, vector<1x16xf32>,
        %get3A_579 = vector.shape_cast %get3A_578 : vector<1x16xf32> to vector<16xf32>
        %add3A_580 = arith.constant 40 : i32
        %add3A_581 = arith.addi %scan3A_479, %add3A_580 : i32
        %get3A_582 = arith.index_cast %add3A_581 : i32 to index
        %get3A_583 = arith.constant 96 : index
        %get3A_584 = tpu.vector_load %arg8[%get3A_582, %get3A_583] {strides = array<i32>} : memref<80x128xf32, #tpu.memory_space<vmem>>, vector<1x16xf32>,
        %get3A_585 = vector.shape_cast %get3A_584 : vector<1x16xf32> to vector<16xf32>
        %mul3A_586 = arith.mulf %get3A_579, %get3A_585 : vector<16xf32>
        %swap3A_587 = arith.index_cast %scan3A_479 : i32 to index
        %swap3A_588 = arith.constant 96 : index
        %swap3A_589 = tpu.vector_load %arg8[%swap3A_587, %swap3A_588] {strides = array<i32>} : memref<80x128xf32, #tpu.memory_space<vmem>>, vector<1x16xf32>,
        %swap3A_590 = vector.shape_cast %swap3A_589 : vector<1x16xf32> to vector<16xf32>
        %swap3A_591 = vector.shape_cast %mul3A_586 : vector<16xf32> to vector<1x16xf32>
        tpu.vector_store %arg8[%swap3A_587, %swap3A_588], %swap3A_591 {strides = array<i32>} : memref<80x128xf32, #tpu.memory_space<vmem>>, vector<1x16xf32>,
        %get3A_592 = arith.index_cast %scan3A_479 : i32 to index
        %get3A_593 = arith.constant 112 : index
        %get3A_594 = tpu.vector_load %arg8[%get3A_592, %get3A_593] {strides = array<i32>} : memref<80x128xf32, #tpu.memory_space<vmem>>, vector<1x16xf32>,
        %get3A_595 = vector.shape_cast %get3A_594 : vector<1x16xf32> to vector<16xf32>
        %add3A_596 = arith.constant 40 : i32
        %add3A_597 = arith.addi %scan3A_479, %add3A_596 : i32
        %get3A_598 = arith.index_cast %add3A_597 : i32 to index
        %get3A_599 = arith.constant 112 : index
        %get3A_600 = tpu.vector_load %arg8[%get3A_598, %get3A_599] {strides = array<i32>} : memref<80x128xf32, #tpu.memory_space<vmem>>, vector<1x16xf32>,
        %get3A_601 = vector.shape_cast %get3A_600 : vector<1x16xf32> to vector<16xf32>
        %mul3A_602 = arith.mulf %get3A_595, %get3A_601 : vector<16xf32>
        %swap3A_603 = arith.index_cast %scan3A_479 : i32 to index
        %swap3A_604 = arith.constant 112 : index
        %swap3A_605 = tpu.vector_load %arg8[%swap3A_603, %swap3A_604] {strides = array<i32>} : memref<80x128xf32, #tpu.memory_space<vmem>>, vector<1x16xf32>,
        %swap3A_606 = vector.shape_cast %swap3A_605 : vector<1x16xf32> to vector<16xf32>
        %swap3A_607 = vector.shape_cast %mul3A_602 : vector<16xf32> to vector<1x16xf32>
        tpu.vector_store %arg8[%swap3A_603, %swap3A_604], %swap3A_607 {strides = array<i32>} : memref<80x128xf32, #tpu.memory_space<vmem>>, vector<1x16xf32>,
      }
      %scan3A_161 = arith.constant 40 : i32
      %mul3A_162 = arith.constant 10000 : i32
      %mul3A_163 = arith.muli %add3A, %mul3A_162 : i32
      %mul3A_164 = arith.constant 40 : i32
      %mul3A_165 = arith.muli %add3A_126, %mul3A_164 : i32
      %add3A_166 = arith.addi %mul3A_163, %mul3A_165 : i32
      %dma_start3A_167 = arith.constant 0 : i32
      %dma_start3A_168 = arith.constant 0 : i32
      %dma_start3A_169 = tpu.memref_slice %arg8[%dma_start3A_167, %dma_start3A_168] : memref<80x128xf32, #tpu.memory_space<vmem>> -> memref<40x128xf32, #tpu.memory_space<vmem>>
      %dma_start3A_170 = arith.constant 0 : i32
      %dma_start3A_171 = tpu.memref_slice %arg4[%add3A_166, %dma_start3A_170] : memref<320000x128xf32, #tpu.memory_space<hbm>> -> memref<40x128xf32, #tpu.memory_space<hbm>>
      %dma_start3A_172 = arith.constant 0 : i32
      %dma_start3A_173 = tpu.memref_slice %arg4[%add3A_166, %dma_start3A_172] : memref<320000x128xf32, #tpu.memory_space<hbm>> -> memref<40x128xf32, #tpu.memory_space<hbm>>
      %dma_start3A_174 = arith.constant 0 : i32
      %dma_start3A_175 = arith.constant 0 : i32
      %dma_start3A_176 = tpu.memref_slice %arg8[%dma_start3A_174, %dma_start3A_175] : memref<80x128xf32, #tpu.memory_space<vmem>> -> memref<40x128xf32, #tpu.memory_space<vmem>>
      tpu.enqueue_dma source(%dma_start3A_176 : memref<40x128xf32, #tpu.memory_space<vmem>>) target(%dma_start3A_173 : memref<40x128xf32, #tpu.memory_space<hbm>>) target_semaphore(%arg17 : memref<!tpu.dma_semaphore, #tpu.memory_space<semaphore_mem>>)
      %mul3A_177 = arith.constant 4 : i32
      %mul3A_178 = arith.muli %scan3A_120, %mul3A_177 : i32
      %add3A_179 = arith.constant 2 : i32
      %add3A_180 = arith.addi %add3A_179, %mul3A_178 : i32
      %add3A_181 = arith.constant 1 : i32
      %add3A_182 = arith.addi %add3A_180, %add3A_181 : i32
      %dma_wait3A_183 = arith.constant 0 : i32
      %dma_wait3A_184 = arith.constant 0 : i32
      %dma_wait3A_185 = tpu.memref_slice %arg5[%dma_wait3A_183, %dma_wait3A_184] : memref<20x80xi32, #tpu.memory_space<vmem>> -> memref<1x80xi32, #tpu.memory_space<vmem>>
      %dma_wait3A_186 = tpu.memref_squeeze %dma_wait3A_185 : memref<1x80xi32, #tpu.memory_space<vmem>> -> memref<80xi32, #tpu.memory_space<vmem>>
      %dma_wait3A_187 = arith.constant 0 : i32
      %dma_wait3A_188 = arith.constant 0 : i32
      %dma_wait3A_189 = tpu.memref_slice %arg2[%dma_wait3A_187, %dma_wait3A_188] : memref<10000x128xf32, #tpu.memory_space<hbm>> -> memref<10000x128xf32, #tpu.memory_space<hbm>>
      tpu.wait_indirect_dma semaphore(%arg14 : memref<!tpu.dma_semaphore, #tpu.memory_space<semaphore_mem>>) src(%dma_wait3A_189 : memref<10000x128xf32, #tpu.memory_space<hbm>>) dst(%arg9 : memref<80x128xf32, #tpu.memory_space<vmem>>)
      %sub3A_190 = arith.constant 2 : i32
      %sub3A_191 = arith.subi %add3A_182, %sub3A_190 : i32
      %mul3A_192 = arith.constant 10000 : i32
      %mul3A_193 = arith.muli %add3A, %mul3A_192 : i32
      %mul3A_194 = arith.constant 40 : i32
      %mul3A_195 = arith.muli %sub3A_191, %mul3A_194 : i32
      %add3A_196 = arith.addi %mul3A_193, %mul3A_195 : i32
      %dma_wait3A_197 = arith.constant 0 : i32
      %dma_wait3A_198 = arith.constant 0 : i32
      %dma_wait3A_199 = tpu.memref_slice %arg7[%dma_wait3A_197, %dma_wait3A_198] : memref<80x128xf32, #tpu.memory_space<vmem>> -> memref<40x128xf32, #tpu.memory_space<vmem>>
      %dma_wait3A_200 = arith.constant 0 : i32
      %dma_wait3A_201 = tpu.memref_slice %arg4[%add3A_196, %dma_wait3A_200] : memref<320000x128xf32, #tpu.memory_space<hbm>> -> memref<40x128xf32, #tpu.memory_space<hbm>>
      %dma_wait3A_202 = arith.constant 0 : i32
      %dma_wait3A_203 = tpu.memref_slice %arg4[%add3A_196, %dma_wait3A_202] : memref<320000x128xf32, #tpu.memory_space<hbm>> -> memref<40x128xf32, #tpu.memory_space<hbm>>
      %dma_wait3A_204 = arith.constant 0 : i32
      %dma_wait3A_205 = arith.constant 0 : i32
      %dma_wait3A_206 = tpu.memref_slice %arg7[%dma_wait3A_204, %dma_wait3A_205] : memref<80x128xf32, #tpu.memory_space<vmem>> -> memref<40x128xf32, #tpu.memory_space<vmem>>
      tpu.wait_dma2 semaphore(%arg16 : memref<!tpu.dma_semaphore, #tpu.memory_space<semaphore_mem>>) src(%dma_wait3A_206 : memref<40x128xf32, #tpu.memory_space<vmem>>) dst(%dma_wait3A_203 : memref<40x128xf32, #tpu.memory_space<hbm>>)
      %add3A_207 = arith.constant 2 : i32
      %add3A_208 = arith.addi %add3A_182, %add3A_207 : i32
      %lt3A_209 = arith.constant 250 : i32
      %lt3A_210 = arith.cmpi slt, %add3A_208, %lt3A_209 : i32
      %convert_element_type3A_211 = arith.extui %lt3A_210 : i1 to i32
      %cond3A_212 = arith.constant 0 : i32
      %cond3A_213 = arith.cmpi ne, %convert_element_type3A_211, %cond3A_212 : i32
      scf.if %cond3A_213 {
        %add3A_351 = arith.constant 2 : i32
        %add3A_352 = arith.addi %add3A_182, %add3A_351 : i32
        %jit3A = arith.constant 10 : i32
        %eq3A_353 = arith.constant 0 : i32
        %eq3A_354 = arith.cmpi eq, %jit3A, %eq3A_353 : i32
        %jit3A_355 = arith.constant 1 : i32
        %select_n3A = arith.select %eq3A_354, %jit3A_355, %jit3A : i32
        %rem3A = arith.remsi %add3A_352, %select_n3A : i32
        %ne3A = arith.constant 0 : i32
        %ne3A_356 = arith.cmpi ne, %rem3A, %ne3A : i32
        %lt3A_357 = arith.constant 0 : i32
        %lt3A_358 = arith.cmpi slt, %rem3A, %lt3A_357 : i32
        %lt3A_359 = arith.constant 0 : i32
        %lt3A_360 = arith.cmpi slt, %select_n3A, %lt3A_359 : i32
        %ne3A_361 = arith.xori %lt3A_358, %lt3A_360 : i1
        %and3A = arith.andi %ne3A_361, %ne3A_356 : i1
        %add3A_362 = arith.addi %rem3A, %select_n3A : i32
        %select_n3A_363 = arith.select %and3A, %add3A_362, %rem3A : i32
        %eq3A_364 = arith.constant 0 : i32
        %eq3A_365 = arith.cmpi eq, %select_n3A_363, %eq3A_364 : i32
        %convert_element_type3A_366 = arith.extui %eq3A_365 : i1 to i32
        %cond3A_367 = arith.constant 0 : i32
        %cond3A_368 = arith.cmpi ne, %convert_element_type3A_366, %cond3A_367 : i32
        scf.if %cond3A_368 {
          %add3A_393 = arith.constant 2 : i32
          %add3A_394 = arith.addi %add3A_182, %add3A_393 : i32
          %jit3A_395 = arith.constant 10 : i32
          %div3A = arith.divsi %add3A_394, %jit3A_395 : i32
          %sign3A = arith.constant 0 : i32
          %sign3A_396 = arith.cmpi sgt, %add3A_394, %sign3A : i32
          %sign3A_397 = arith.extui %sign3A_396 : i1 to i32
          %sign3A_398 = arith.constant 0 : i32
          %sign3A_399 = arith.cmpi slt, %add3A_394, %sign3A_398 : i32
          %sign3A_400 = arith.extui %sign3A_399 : i1 to i32
          %sign3A_401 = arith.subi %sign3A_397, %sign3A_400 : i32
          %sign3A_402 = arith.constant 0 : i32
          %sign3A_403 = arith.cmpi sgt, %jit3A_395, %sign3A_402 : i32
          %sign3A_404 = arith.extui %sign3A_403 : i1 to i32
          %sign3A_405 = arith.constant 0 : i32
          %sign3A_406 = arith.cmpi slt, %jit3A_395, %sign3A_405 : i32
          %sign3A_407 = arith.extui %sign3A_406 : i1 to i32
          %sign3A_408 = arith.subi %sign3A_404, %sign3A_407 : i32
          %ne3A_409 = arith.cmpi ne, %sign3A_401, %sign3A_408 : i32
          %rem3A_410 = arith.remsi %add3A_394, %jit3A_395 : i32
          %ne3A_411 = arith.constant 0 : i32
          %ne3A_412 = arith.cmpi ne, %rem3A_410, %ne3A_411 : i32
          %and3A_413 = arith.andi %ne3A_409, %ne3A_412 : i1
          %sub3A_414 = arith.constant 1 : i32
          %sub3A_415 = arith.subi %div3A, %sub3A_414 : i32
          %select_n3A_416 = arith.select %and3A_413, %sub3A_415, %div3A : i32
          %jit3A_417 = arith.constant 2 : i32
          %eq3A_418 = arith.constant 0 : i32
          %eq3A_419 = arith.cmpi eq, %jit3A_417, %eq3A_418 : i32
          %jit3A_420 = arith.constant 1 : i32
          %select_n3A_421 = arith.select %eq3A_419, %jit3A_420, %jit3A_417 : i32
          %rem3A_422 = arith.remsi %select_n3A_416, %select_n3A_421 : i32
          %ne3A_423 = arith.constant 0 : i32
          %ne3A_424 = arith.cmpi ne, %rem3A_422, %ne3A_423 : i32
          %lt3A_425 = arith.constant 0 : i32
          %lt3A_426 = arith.cmpi slt, %rem3A_422, %lt3A_425 : i32
          %lt3A_427 = arith.constant 0 : i32
          %lt3A_428 = arith.cmpi slt, %select_n3A_421, %lt3A_427 : i32
          %ne3A_429 = arith.xori %lt3A_426, %lt3A_428 : i1
          %and3A_430 = arith.andi %ne3A_429, %ne3A_424 : i1
          %add3A_431 = arith.addi %rem3A_422, %select_n3A_421 : i32
          %select_n3A_432 = arith.select %and3A_430, %add3A_431, %rem3A_422 : i32
          %mul3A_433 = arith.constant 10 : i32
          %mul3A_434 = arith.muli %select_n3A_432, %mul3A_433 : i32
          "tpu.region"() ({
            %run_scoped3A_435 = tpu.sem_alloc : memref<!tpu.dma_semaphore, #tpu.memory_space<semaphore_mem>>
            %dma_start3A_436 = arith.constant 0 : i32
            %dma_start3A_437 = tpu.memref_slice %arg5[%mul3A_434, %dma_start3A_436] : memref<20x80xi32, #tpu.memory_space<vmem>> -> memref<10x80xi32, #tpu.memory_space<vmem>>
            %dma_start3A_438 = arith.constant 0 : i32
            %dma_start3A_439 = arith.constant 0 : i32
            %dma_start3A_440 = tpu.memref_slice %arg3[%add3A, %select_n3A_416, %dma_start3A_438, %dma_start3A_439] : memref<32x25x10x80xi32, #tpu.memory_space<hbm>> -> memref<1x1x10x80xi32, #tpu.memory_space<hbm>>
            %dma_start3A_441 = tpu.memref_squeeze %dma_start3A_440 : memref<1x1x10x80xi32, #tpu.memory_space<hbm>> -> memref<10x80xi32, #tpu.memory_space<hbm>>
            %dma_start3A_442 = arith.constant 0 : i32
            %dma_start3A_443 = tpu.memref_slice %arg5[%mul3A_434, %dma_start3A_442] : memref<20x80xi32, #tpu.memory_space<vmem>> -> memref<10x80xi32, #tpu.memory_space<vmem>>
            %dma_start3A_444 = arith.constant 0 : i32
            %dma_start3A_445 = arith.constant 0 : i32
            %dma_start3A_446 = tpu.memref_slice %arg3[%add3A, %select_n3A_416, %dma_start3A_444, %dma_start3A_445] : memref<32x25x10x80xi32, #tpu.memory_space<hbm>> -> memref<1x1x10x80xi32, #tpu.memory_space<hbm>>
            %dma_start3A_447 = tpu.memref_squeeze %dma_start3A_446 : memref<1x1x10x80xi32, #tpu.memory_space<hbm>> -> memref<10x80xi32, #tpu.memory_space<hbm>>
            tpu.enqueue_dma source(%dma_start3A_447 : memref<10x80xi32, #tpu.memory_space<hbm>>) target(%dma_start3A_443 : memref<10x80xi32, #tpu.memory_space<vmem>>) target_semaphore(%run_scoped3A_435 : memref<!tpu.dma_semaphore, #tpu.memory_space<semaphore_mem>>)
            %dma_wait3A_448 = arith.constant 0 : i32
            %dma_wait3A_449 = tpu.memref_slice %arg5[%mul3A_434, %dma_wait3A_448] : memref<20x80xi32, #tpu.memory_space<vmem>> -> memref<10x80xi32, #tpu.memory_space<vmem>>
            %dma_wait3A_450 = arith.constant 0 : i32
            %dma_wait3A_451 = arith.constant 0 : i32
            %dma_wait3A_452 = tpu.memref_slice %arg3[%add3A, %select_n3A_416, %dma_wait3A_450, %dma_wait3A_451] : memref<32x25x10x80xi32, #tpu.memory_space<hbm>> -> memref<1x1x10x80xi32, #tpu.memory_space<hbm>>
            %dma_wait3A_453 = tpu.memref_squeeze %dma_wait3A_452 : memref<1x1x10x80xi32, #tpu.memory_space<hbm>> -> memref<10x80xi32, #tpu.memory_space<hbm>>
            %dma_wait3A_454 = arith.constant 0 : i32
            %dma_wait3A_455 = tpu.memref_slice %arg5[%mul3A_434, %dma_wait3A_454] : memref<20x80xi32, #tpu.memory_space<vmem>> -> memref<10x80xi32, #tpu.memory_space<vmem>>
            %dma_wait3A_456 = arith.constant 0 : i32
            %dma_wait3A_457 = arith.constant 0 : i32
            %dma_wait3A_458 = tpu.memref_slice %arg3[%add3A, %select_n3A_416, %dma_wait3A_456, %dma_wait3A_457] : memref<32x25x10x80xi32, #tpu.memory_space<hbm>> -> memref<1x1x10x80xi32, #tpu.memory_space<hbm>>
            %dma_wait3A_459 = tpu.memref_squeeze %dma_wait3A_458 : memref<1x1x10x80xi32, #tpu.memory_space<hbm>> -> memref<10x80xi32, #tpu.memory_space<hbm>>
            tpu.wait_dma2 semaphore(%run_scoped3A_435 : memref<!tpu.dma_semaphore, #tpu.memory_space<semaphore_mem>>) src(%dma_wait3A_459 : memref<10x80xi32, #tpu.memory_space<hbm>>) dst(%dma_wait3A_455 : memref<10x80xi32, #tpu.memory_space<vmem>>)
            tpu.yield
          }) : () -> ()
        } else {
        }
        %add3A_369 = arith.constant 2 : i32
        %add3A_370 = arith.addi %add3A_182, %add3A_369 : i32
        %jit3A_371 = arith.constant 20 : i32
        %eq3A_372 = arith.constant 0 : i32
        %eq3A_373 = arith.cmpi eq, %jit3A_371, %eq3A_372 : i32
        %jit3A_374 = arith.constant 1 : i32
        %select_n3A_375 = arith.select %eq3A_373, %jit3A_374, %jit3A_371 : i32
        %rem3A_376 = arith.remsi %add3A_370, %select_n3A_375 : i32
        %ne3A_377 = arith.constant 0 : i32
        %ne3A_378 = arith.cmpi ne, %rem3A_376, %ne3A_377 : i32
        %lt3A_379 = arith.constant 0 : i32
        %lt3A_380 = arith.cmpi slt, %rem3A_376, %lt3A_379 : i32
        %lt3A_381 = arith.constant 0 : i32
        %lt3A_382 = arith.cmpi slt, %select_n3A_375, %lt3A_381 : i32
        %ne3A_383 = arith.xori %lt3A_380, %lt3A_382 : i1
        %and3A_384 = arith.andi %ne3A_383, %ne3A_378 : i1
        %add3A_385 = arith.addi %rem3A_376, %select_n3A_375 : i32
        %select_n3A_386 = arith.select %and3A_384, %add3A_385, %rem3A_376 : i32
        %dma_start3A_387 = arith.constant 0 : i32
        %dma_start3A_388 = tpu.memref_slice %arg5[%select_n3A_386, %dma_start3A_387] : memref<20x80xi32, #tpu.memory_space<vmem>> -> memref<1x80xi32, #tpu.memory_space<vmem>>
        %dma_start3A_389 = tpu.memref_squeeze %dma_start3A_388 : memref<1x80xi32, #tpu.memory_space<vmem>> -> memref<80xi32, #tpu.memory_space<vmem>>
        %dma_start3A_390 = arith.constant 0 : i32
        %dma_start3A_391 = arith.constant 0 : i32
        %dma_start3A_392 = tpu.memref_slice %arg10[%dma_start3A_390, %dma_start3A_391] : memref<10000x128xf32, #tpu.memory_space<vmem_shared>> -> memref<10000x128xf32, #tpu.memory_space<vmem_shared>>
        tpu.enqueue_indirect_dma source(%dma_start3A_392 : memref<10000x128xf32, #tpu.memory_space<vmem_shared>>) target(%arg7 : memref<80x128xf32, #tpu.memory_space<vmem>>) offsets(%dma_start3A_389 : memref<80xi32, #tpu.memory_space<vmem>>) semaphore(%arg12 : memref<!tpu.dma_semaphore, #tpu.memory_space<semaphore_mem>>)
      } else {
      }
      %scan3A_214 = arith.constant 0 : i32
      %scan3A_215 = arith.constant 0 : i32
      %scan3A_216 = arith.constant 40 : i32
      %scan3A_217 = arith.addi %scan3A_215, %scan3A_216 : i32
      %scan3A_218 = arith.constant 2 : i32
      scf.for %scan3A_351 = %scan3A_215 to %scan3A_217 step %scan3A_218  : i32 {
        %get3A = arith.index_cast %scan3A_351 : i32 to index
        %get3A_352 = arith.constant 0 : index
        %get3A_353 = tpu.vector_load %arg9[%get3A, %get3A_352] {strides = array<i32>} : memref<80x128xf32, #tpu.memory_space<vmem>>, vector<1x16xf32>,
        %get3A_354 = vector.shape_cast %get3A_353 : vector<1x16xf32> to vector<16xf32>
        %add3A_355 = arith.constant 40 : i32
        %add3A_356 = arith.addi %scan3A_351, %add3A_355 : i32
        %get3A_357 = arith.index_cast %add3A_356 : i32 to index
        %get3A_358 = arith.constant 0 : index
        %get3A_359 = tpu.vector_load %arg9[%get3A_357, %get3A_358] {strides = array<i32>} : memref<80x128xf32, #tpu.memory_space<vmem>>, vector<1x16xf32>,
        %get3A_360 = vector.shape_cast %get3A_359 : vector<1x16xf32> to vector<16xf32>
        %mul3A_361 = arith.mulf %get3A_354, %get3A_360 : vector<16xf32>
        %swap3A = arith.index_cast %scan3A_351 : i32 to index
        %swap3A_362 = arith.constant 0 : index
        %swap3A_363 = tpu.vector_load %arg9[%swap3A, %swap3A_362] {strides = array<i32>} : memref<80x128xf32, #tpu.memory_space<vmem>>, vector<1x16xf32>,
        %swap3A_364 = vector.shape_cast %swap3A_363 : vector<1x16xf32> to vector<16xf32>
        %swap3A_365 = vector.shape_cast %mul3A_361 : vector<16xf32> to vector<1x16xf32>
        tpu.vector_store %arg9[%swap3A, %swap3A_362], %swap3A_365 {strides = array<i32>} : memref<80x128xf32, #tpu.memory_space<vmem>>, vector<1x16xf32>,
        %get3A_366 = arith.index_cast %scan3A_351 : i32 to index
        %get3A_367 = arith.constant 16 : index
        %get3A_368 = tpu.vector_load %arg9[%get3A_366, %get3A_367] {strides = array<i32>} : memref<80x128xf32, #tpu.memory_space<vmem>>, vector<1x16xf32>,
        %get3A_369 = vector.shape_cast %get3A_368 : vector<1x16xf32> to vector<16xf32>
        %add3A_370 = arith.constant 40 : i32
        %add3A_371 = arith.addi %scan3A_351, %add3A_370 : i32
        %get3A_372 = arith.index_cast %add3A_371 : i32 to index
        %get3A_373 = arith.constant 16 : index
        %get3A_374 = tpu.vector_load %arg9[%get3A_372, %get3A_373] {strides = array<i32>} : memref<80x128xf32, #tpu.memory_space<vmem>>, vector<1x16xf32>,
        %get3A_375 = vector.shape_cast %get3A_374 : vector<1x16xf32> to vector<16xf32>
        %mul3A_376 = arith.mulf %get3A_369, %get3A_375 : vector<16xf32>
        %swap3A_377 = arith.index_cast %scan3A_351 : i32 to index
        %swap3A_378 = arith.constant 16 : index
        %swap3A_379 = tpu.vector_load %arg9[%swap3A_377, %swap3A_378] {strides = array<i32>} : memref<80x128xf32, #tpu.memory_space<vmem>>, vector<1x16xf32>,
        %swap3A_380 = vector.shape_cast %swap3A_379 : vector<1x16xf32> to vector<16xf32>
        %swap3A_381 = vector.shape_cast %mul3A_376 : vector<16xf32> to vector<1x16xf32>
        tpu.vector_store %arg9[%swap3A_377, %swap3A_378], %swap3A_381 {strides = array<i32>} : memref<80x128xf32, #tpu.memory_space<vmem>>, vector<1x16xf32>,
        %get3A_382 = arith.index_cast %scan3A_351 : i32 to index
        %get3A_383 = arith.constant 32 : index
        %get3A_384 = tpu.vector_load %arg9[%get3A_382, %get3A_383] {strides = array<i32>} : memref<80x128xf32, #tpu.memory_space<vmem>>, vector<1x16xf32>,
        %get3A_385 = vector.shape_cast %get3A_384 : vector<1x16xf32> to vector<16xf32>
        %add3A_386 = arith.constant 40 : i32
        %add3A_387 = arith.addi %scan3A_351, %add3A_386 : i32
        %get3A_388 = arith.index_cast %add3A_387 : i32 to index
        %get3A_389 = arith.constant 32 : index
        %get3A_390 = tpu.vector_load %arg9[%get3A_388, %get3A_389] {strides = array<i32>} : memref<80x128xf32, #tpu.memory_space<vmem>>, vector<1x16xf32>,
        %get3A_391 = vector.shape_cast %get3A_390 : vector<1x16xf32> to vector<16xf32>
        %mul3A_392 = arith.mulf %get3A_385, %get3A_391 : vector<16xf32>
        %swap3A_393 = arith.index_cast %scan3A_351 : i32 to index
        %swap3A_394 = arith.constant 32 : index
        %swap3A_395 = tpu.vector_load %arg9[%swap3A_393, %swap3A_394] {strides = array<i32>} : memref<80x128xf32, #tpu.memory_space<vmem>>, vector<1x16xf32>,
        %swap3A_396 = vector.shape_cast %swap3A_395 : vector<1x16xf32> to vector<16xf32>
        %swap3A_397 = vector.shape_cast %mul3A_392 : vector<16xf32> to vector<1x16xf32>
        tpu.vector_store %arg9[%swap3A_393, %swap3A_394], %swap3A_397 {strides = array<i32>} : memref<80x128xf32, #tpu.memory_space<vmem>>, vector<1x16xf32>,
        %get3A_398 = arith.index_cast %scan3A_351 : i32 to index
        %get3A_399 = arith.constant 48 : index
        %get3A_400 = tpu.vector_load %arg9[%get3A_398, %get3A_399] {strides = array<i32>} : memref<80x128xf32, #tpu.memory_space<vmem>>, vector<1x16xf32>,
        %get3A_401 = vector.shape_cast %get3A_400 : vector<1x16xf32> to vector<16xf32>
        %add3A_402 = arith.constant 40 : i32
        %add3A_403 = arith.addi %scan3A_351, %add3A_402 : i32
        %get3A_404 = arith.index_cast %add3A_403 : i32 to index
        %get3A_405 = arith.constant 48 : index
        %get3A_406 = tpu.vector_load %arg9[%get3A_404, %get3A_405] {strides = array<i32>} : memref<80x128xf32, #tpu.memory_space<vmem>>, vector<1x16xf32>,
        %get3A_407 = vector.shape_cast %get3A_406 : vector<1x16xf32> to vector<16xf32>
        %mul3A_408 = arith.mulf %get3A_401, %get3A_407 : vector<16xf32>
        %swap3A_409 = arith.index_cast %scan3A_351 : i32 to index
        %swap3A_410 = arith.constant 48 : index
        %swap3A_411 = tpu.vector_load %arg9[%swap3A_409, %swap3A_410] {strides = array<i32>} : memref<80x128xf32, #tpu.memory_space<vmem>>, vector<1x16xf32>,
        %swap3A_412 = vector.shape_cast %swap3A_411 : vector<1x16xf32> to vector<16xf32>
        %swap3A_413 = vector.shape_cast %mul3A_408 : vector<16xf32> to vector<1x16xf32>
        tpu.vector_store %arg9[%swap3A_409, %swap3A_410], %swap3A_413 {strides = array<i32>} : memref<80x128xf32, #tpu.memory_space<vmem>>, vector<1x16xf32>,
        %get3A_414 = arith.index_cast %scan3A_351 : i32 to index
        %get3A_415 = arith.constant 64 : index
        %get3A_416 = tpu.vector_load %arg9[%get3A_414, %get3A_415] {strides = array<i32>} : memref<80x128xf32, #tpu.memory_space<vmem>>, vector<1x16xf32>,
        %get3A_417 = vector.shape_cast %get3A_416 : vector<1x16xf32> to vector<16xf32>
        %add3A_418 = arith.constant 40 : i32
        %add3A_419 = arith.addi %scan3A_351, %add3A_418 : i32
        %get3A_420 = arith.index_cast %add3A_419 : i32 to index
        %get3A_421 = arith.constant 64 : index
        %get3A_422 = tpu.vector_load %arg9[%get3A_420, %get3A_421] {strides = array<i32>} : memref<80x128xf32, #tpu.memory_space<vmem>>, vector<1x16xf32>,
        %get3A_423 = vector.shape_cast %get3A_422 : vector<1x16xf32> to vector<16xf32>
        %mul3A_424 = arith.mulf %get3A_417, %get3A_423 : vector<16xf32>
        %swap3A_425 = arith.index_cast %scan3A_351 : i32 to index
        %swap3A_426 = arith.constant 64 : index
        %swap3A_427 = tpu.vector_load %arg9[%swap3A_425, %swap3A_426] {strides = array<i32>} : memref<80x128xf32, #tpu.memory_space<vmem>>, vector<1x16xf32>,
        %swap3A_428 = vector.shape_cast %swap3A_427 : vector<1x16xf32> to vector<16xf32>
        %swap3A_429 = vector.shape_cast %mul3A_424 : vector<16xf32> to vector<1x16xf32>
        tpu.vector_store %arg9[%swap3A_425, %swap3A_426], %swap3A_429 {strides = array<i32>} : memref<80x128xf32, #tpu.memory_space<vmem>>, vector<1x16xf32>,
        %get3A_430 = arith.index_cast %scan3A_351 : i32 to index
        %get3A_431 = arith.constant 80 : index
        %get3A_432 = tpu.vector_load %arg9[%get3A_430, %get3A_431] {strides = array<i32>} : memref<80x128xf32, #tpu.memory_space<vmem>>, vector<1x16xf32>,
        %get3A_433 = vector.shape_cast %get3A_432 : vector<1x16xf32> to vector<16xf32>
        %add3A_434 = arith.constant 40 : i32
        %add3A_435 = arith.addi %scan3A_351, %add3A_434 : i32
        %get3A_436 = arith.index_cast %add3A_435 : i32 to index
        %get3A_437 = arith.constant 80 : index
        %get3A_438 = tpu.vector_load %arg9[%get3A_436, %get3A_437] {strides = array<i32>} : memref<80x128xf32, #tpu.memory_space<vmem>>, vector<1x16xf32>,
        %get3A_439 = vector.shape_cast %get3A_438 : vector<1x16xf32> to vector<16xf32>
        %mul3A_440 = arith.mulf %get3A_433, %get3A_439 : vector<16xf32>
        %swap3A_441 = arith.index_cast %scan3A_351 : i32 to index
        %swap3A_442 = arith.constant 80 : index
        %swap3A_443 = tpu.vector_load %arg9[%swap3A_441, %swap3A_442] {strides = array<i32>} : memref<80x128xf32, #tpu.memory_space<vmem>>, vector<1x16xf32>,
        %swap3A_444 = vector.shape_cast %swap3A_443 : vector<1x16xf32> to vector<16xf32>
        %swap3A_445 = vector.shape_cast %mul3A_440 : vector<16xf32> to vector<1x16xf32>
        tpu.vector_store %arg9[%swap3A_441, %swap3A_442], %swap3A_445 {strides = array<i32>} : memref<80x128xf32, #tpu.memory_space<vmem>>, vector<1x16xf32>,
        %get3A_446 = arith.index_cast %scan3A_351 : i32 to index
        %get3A_447 = arith.constant 96 : index
        %get3A_448 = tpu.vector_load %arg9[%get3A_446, %get3A_447] {strides = array<i32>} : memref<80x128xf32, #tpu.memory_space<vmem>>, vector<1x16xf32>,
        %get3A_449 = vector.shape_cast %get3A_448 : vector<1x16xf32> to vector<16xf32>
        %add3A_450 = arith.constant 40 : i32
        %add3A_451 = arith.addi %scan3A_351, %add3A_450 : i32
        %get3A_452 = arith.index_cast %add3A_451 : i32 to index
        %get3A_453 = arith.constant 96 : index
        %get3A_454 = tpu.vector_load %arg9[%get3A_452, %get3A_453] {strides = array<i32>} : memref<80x128xf32, #tpu.memory_space<vmem>>, vector<1x16xf32>,
        %get3A_455 = vector.shape_cast %get3A_454 : vector<1x16xf32> to vector<16xf32>
        %mul3A_456 = arith.mulf %get3A_449, %get3A_455 : vector<16xf32>
        %swap3A_457 = arith.index_cast %scan3A_351 : i32 to index
        %swap3A_458 = arith.constant 96 : index
        %swap3A_459 = tpu.vector_load %arg9[%swap3A_457, %swap3A_458] {strides = array<i32>} : memref<80x128xf32, #tpu.memory_space<vmem>>, vector<1x16xf32>,
        %swap3A_460 = vector.shape_cast %swap3A_459 : vector<1x16xf32> to vector<16xf32>
        %swap3A_461 = vector.shape_cast %mul3A_456 : vector<16xf32> to vector<1x16xf32>
        tpu.vector_store %arg9[%swap3A_457, %swap3A_458], %swap3A_461 {strides = array<i32>} : memref<80x128xf32, #tpu.memory_space<vmem>>, vector<1x16xf32>,
        %get3A_462 = arith.index_cast %scan3A_351 : i32 to index
        %get3A_463 = arith.constant 112 : index
        %get3A_464 = tpu.vector_load %arg9[%get3A_462, %get3A_463] {strides = array<i32>} : memref<80x128xf32, #tpu.memory_space<vmem>>, vector<1x16xf32>,
        %get3A_465 = vector.shape_cast %get3A_464 : vector<1x16xf32> to vector<16xf32>
        %add3A_466 = arith.constant 40 : i32
        %add3A_467 = arith.addi %scan3A_351, %add3A_466 : i32
        %get3A_468 = arith.index_cast %add3A_467 : i32 to index
        %get3A_469 = arith.constant 112 : index
        %get3A_470 = tpu.vector_load %arg9[%get3A_468, %get3A_469] {strides = array<i32>} : memref<80x128xf32, #tpu.memory_space<vmem>>, vector<1x16xf32>,
        %get3A_471 = vector.shape_cast %get3A_470 : vector<1x16xf32> to vector<16xf32>
        %mul3A_472 = arith.mulf %get3A_465, %get3A_471 : vector<16xf32>
        %swap3A_473 = arith.index_cast %scan3A_351 : i32 to index
        %swap3A_474 = arith.constant 112 : index
        %swap3A_475 = tpu.vector_load %arg9[%swap3A_473, %swap3A_474] {strides = array<i32>} : memref<80x128xf32, #tpu.memory_space<vmem>>, vector<1x16xf32>,
        %swap3A_476 = vector.shape_cast %swap3A_475 : vector<1x16xf32> to vector<16xf32>
        %swap3A_477 = vector.shape_cast %mul3A_472 : vector<16xf32> to vector<1x16xf32>
        tpu.vector_store %arg9[%swap3A_473, %swap3A_474], %swap3A_477 {strides = array<i32>} : memref<80x128xf32, #tpu.memory_space<vmem>>, vector<1x16xf32>,
        %scan3A_478 = arith.constant 1 : i32
        %scan3A_479 = arith.addi %scan3A_351, %scan3A_478 : i32
        %get3A_480 = arith.index_cast %scan3A_479 : i32 to index
        %get3A_481 = arith.constant 0 : index
        %get3A_482 = tpu.vector_load %arg9[%get3A_480, %get3A_481] {strides = array<i32>} : memref<80x128xf32, #tpu.memory_space<vmem>>, vector<1x16xf32>,
        %get3A_483 = vector.shape_cast %get3A_482 : vector<1x16xf32> to vector<16xf32>
        %add3A_484 = arith.constant 40 : i32
        %add3A_485 = arith.addi %scan3A_479, %add3A_484 : i32
        %get3A_486 = arith.index_cast %add3A_485 : i32 to index
        %get3A_487 = arith.constant 0 : index
        %get3A_488 = tpu.vector_load %arg9[%get3A_486, %get3A_487] {strides = array<i32>} : memref<80x128xf32, #tpu.memory_space<vmem>>, vector<1x16xf32>,
        %get3A_489 = vector.shape_cast %get3A_488 : vector<1x16xf32> to vector<16xf32>
        %mul3A_490 = arith.mulf %get3A_483, %get3A_489 : vector<16xf32>
        %swap3A_491 = arith.index_cast %scan3A_479 : i32 to index
        %swap3A_492 = arith.constant 0 : index
        %swap3A_493 = tpu.vector_load %arg9[%swap3A_491, %swap3A_492] {strides = array<i32>} : memref<80x128xf32, #tpu.memory_space<vmem>>, vector<1x16xf32>,
        %swap3A_494 = vector.shape_cast %swap3A_493 : vector<1x16xf32> to vector<16xf32>
        %swap3A_495 = vector.shape_cast %mul3A_490 : vector<16xf32> to vector<1x16xf32>
        tpu.vector_store %arg9[%swap3A_491, %swap3A_492], %swap3A_495 {strides = array<i32>} : memref<80x128xf32, #tpu.memory_space<vmem>>, vector<1x16xf32>,
        %get3A_496 = arith.index_cast %scan3A_479 : i32 to index
        %get3A_497 = arith.constant 16 : index
        %get3A_498 = tpu.vector_load %arg9[%get3A_496, %get3A_497] {strides = array<i32>} : memref<80x128xf32, #tpu.memory_space<vmem>>, vector<1x16xf32>,
        %get3A_499 = vector.shape_cast %get3A_498 : vector<1x16xf32> to vector<16xf32>
        %add3A_500 = arith.constant 40 : i32
        %add3A_501 = arith.addi %scan3A_479, %add3A_500 : i32
        %get3A_502 = arith.index_cast %add3A_501 : i32 to index
        %get3A_503 = arith.constant 16 : index
        %get3A_504 = tpu.vector_load %arg9[%get3A_502, %get3A_503] {strides = array<i32>} : memref<80x128xf32, #tpu.memory_space<vmem>>, vector<1x16xf32>,
        %get3A_505 = vector.shape_cast %get3A_504 : vector<1x16xf32> to vector<16xf32>
        %mul3A_506 = arith.mulf %get3A_499, %get3A_505 : vector<16xf32>
        %swap3A_507 = arith.index_cast %scan3A_479 : i32 to index
        %swap3A_508 = arith.constant 16 : index
        %swap3A_509 = tpu.vector_load %arg9[%swap3A_507, %swap3A_508] {strides = array<i32>} : memref<80x128xf32, #tpu.memory_space<vmem>>, vector<1x16xf32>,
        %swap3A_510 = vector.shape_cast %swap3A_509 : vector<1x16xf32> to vector<16xf32>
        %swap3A_511 = vector.shape_cast %mul3A_506 : vector<16xf32> to vector<1x16xf32>
        tpu.vector_store %arg9[%swap3A_507, %swap3A_508], %swap3A_511 {strides = array<i32>} : memref<80x128xf32, #tpu.memory_space<vmem>>, vector<1x16xf32>,
        %get3A_512 = arith.index_cast %scan3A_479 : i32 to index
        %get3A_513 = arith.constant 32 : index
        %get3A_514 = tpu.vector_load %arg9[%get3A_512, %get3A_513] {strides = array<i32>} : memref<80x128xf32, #tpu.memory_space<vmem>>, vector<1x16xf32>,
        %get3A_515 = vector.shape_cast %get3A_514 : vector<1x16xf32> to vector<16xf32>
        %add3A_516 = arith.constant 40 : i32
        %add3A_517 = arith.addi %scan3A_479, %add3A_516 : i32
        %get3A_518 = arith.index_cast %add3A_517 : i32 to index
        %get3A_519 = arith.constant 32 : index
        %get3A_520 = tpu.vector_load %arg9[%get3A_518, %get3A_519] {strides = array<i32>} : memref<80x128xf32, #tpu.memory_space<vmem>>, vector<1x16xf32>,
        %get3A_521 = vector.shape_cast %get3A_520 : vector<1x16xf32> to vector<16xf32>
        %mul3A_522 = arith.mulf %get3A_515, %get3A_521 : vector<16xf32>
        %swap3A_523 = arith.index_cast %scan3A_479 : i32 to index
        %swap3A_524 = arith.constant 32 : index
        %swap3A_525 = tpu.vector_load %arg9[%swap3A_523, %swap3A_524] {strides = array<i32>} : memref<80x128xf32, #tpu.memory_space<vmem>>, vector<1x16xf32>,
        %swap3A_526 = vector.shape_cast %swap3A_525 : vector<1x16xf32> to vector<16xf32>
        %swap3A_527 = vector.shape_cast %mul3A_522 : vector<16xf32> to vector<1x16xf32>
        tpu.vector_store %arg9[%swap3A_523, %swap3A_524], %swap3A_527 {strides = array<i32>} : memref<80x128xf32, #tpu.memory_space<vmem>>, vector<1x16xf32>,
        %get3A_528 = arith.index_cast %scan3A_479 : i32 to index
        %get3A_529 = arith.constant 48 : index
        %get3A_530 = tpu.vector_load %arg9[%get3A_528, %get3A_529] {strides = array<i32>} : memref<80x128xf32, #tpu.memory_space<vmem>>, vector<1x16xf32>,
        %get3A_531 = vector.shape_cast %get3A_530 : vector<1x16xf32> to vector<16xf32>
        %add3A_532 = arith.constant 40 : i32
        %add3A_533 = arith.addi %scan3A_479, %add3A_532 : i32
        %get3A_534 = arith.index_cast %add3A_533 : i32 to index
        %get3A_535 = arith.constant 48 : index
        %get3A_536 = tpu.vector_load %arg9[%get3A_534, %get3A_535] {strides = array<i32>} : memref<80x128xf32, #tpu.memory_space<vmem>>, vector<1x16xf32>,
        %get3A_537 = vector.shape_cast %get3A_536 : vector<1x16xf32> to vector<16xf32>
        %mul3A_538 = arith.mulf %get3A_531, %get3A_537 : vector<16xf32>
        %swap3A_539 = arith.index_cast %scan3A_479 : i32 to index
        %swap3A_540 = arith.constant 48 : index
        %swap3A_541 = tpu.vector_load %arg9[%swap3A_539, %swap3A_540] {strides = array<i32>} : memref<80x128xf32, #tpu.memory_space<vmem>>, vector<1x16xf32>,
        %swap3A_542 = vector.shape_cast %swap3A_541 : vector<1x16xf32> to vector<16xf32>
        %swap3A_543 = vector.shape_cast %mul3A_538 : vector<16xf32> to vector<1x16xf32>
        tpu.vector_store %arg9[%swap3A_539, %swap3A_540], %swap3A_543 {strides = array<i32>} : memref<80x128xf32, #tpu.memory_space<vmem>>, vector<1x16xf32>,
        %get3A_544 = arith.index_cast %scan3A_479 : i32 to index
        %get3A_545 = arith.constant 64 : index
        %get3A_546 = tpu.vector_load %arg9[%get3A_544, %get3A_545] {strides = array<i32>} : memref<80x128xf32, #tpu.memory_space<vmem>>, vector<1x16xf32>,
        %get3A_547 = vector.shape_cast %get3A_546 : vector<1x16xf32> to vector<16xf32>
        %add3A_548 = arith.constant 40 : i32
        %add3A_549 = arith.addi %scan3A_479, %add3A_548 : i32
        %get3A_550 = arith.index_cast %add3A_549 : i32 to index
        %get3A_551 = arith.constant 64 : index
        %get3A_552 = tpu.vector_load %arg9[%get3A_550, %get3A_551] {strides = array<i32>} : memref<80x128xf32, #tpu.memory_space<vmem>>, vector<1x16xf32>,
        %get3A_553 = vector.shape_cast %get3A_552 : vector<1x16xf32> to vector<16xf32>
        %mul3A_554 = arith.mulf %get3A_547, %get3A_553 : vector<16xf32>
        %swap3A_555 = arith.index_cast %scan3A_479 : i32 to index
        %swap3A_556 = arith.constant 64 : index
        %swap3A_557 = tpu.vector_load %arg9[%swap3A_555, %swap3A_556] {strides = array<i32>} : memref<80x128xf32, #tpu.memory_space<vmem>>, vector<1x16xf32>,
        %swap3A_558 = vector.shape_cast %swap3A_557 : vector<1x16xf32> to vector<16xf32>
        %swap3A_559 = vector.shape_cast %mul3A_554 : vector<16xf32> to vector<1x16xf32>
        tpu.vector_store %arg9[%swap3A_555, %swap3A_556], %swap3A_559 {strides = array<i32>} : memref<80x128xf32, #tpu.memory_space<vmem>>, vector<1x16xf32>,
        %get3A_560 = arith.index_cast %scan3A_479 : i32 to index
        %get3A_561 = arith.constant 80 : index
        %get3A_562 = tpu.vector_load %arg9[%get3A_560, %get3A_561] {strides = array<i32>} : memref<80x128xf32, #tpu.memory_space<vmem>>, vector<1x16xf32>,
        %get3A_563 = vector.shape_cast %get3A_562 : vector<1x16xf32> to vector<16xf32>
        %add3A_564 = arith.constant 40 : i32
        %add3A_565 = arith.addi %scan3A_479, %add3A_564 : i32
        %get3A_566 = arith.index_cast %add3A_565 : i32 to index
        %get3A_567 = arith.constant 80 : index
        %get3A_568 = tpu.vector_load %arg9[%get3A_566, %get3A_567] {strides = array<i32>} : memref<80x128xf32, #tpu.memory_space<vmem>>, vector<1x16xf32>,
        %get3A_569 = vector.shape_cast %get3A_568 : vector<1x16xf32> to vector<16xf32>
        %mul3A_570 = arith.mulf %get3A_563, %get3A_569 : vector<16xf32>
        %swap3A_571 = arith.index_cast %scan3A_479 : i32 to index
        %swap3A_572 = arith.constant 80 : index
        %swap3A_573 = tpu.vector_load %arg9[%swap3A_571, %swap3A_572] {strides = array<i32>} : memref<80x128xf32, #tpu.memory_space<vmem>>, vector<1x16xf32>,
        %swap3A_574 = vector.shape_cast %swap3A_573 : vector<1x16xf32> to vector<16xf32>
        %swap3A_575 = vector.shape_cast %mul3A_570 : vector<16xf32> to vector<1x16xf32>
        tpu.vector_store %arg9[%swap3A_571, %swap3A_572], %swap3A_575 {strides = array<i32>} : memref<80x128xf32, #tpu.memory_space<vmem>>, vector<1x16xf32>,
        %get3A_576 = arith.index_cast %scan3A_479 : i32 to index
        %get3A_577 = arith.constant 96 : index
        %get3A_578 = tpu.vector_load %arg9[%get3A_576, %get3A_577] {strides = array<i32>} : memref<80x128xf32, #tpu.memory_space<vmem>>, vector<1x16xf32>,
        %get3A_579 = vector.shape_cast %get3A_578 : vector<1x16xf32> to vector<16xf32>
        %add3A_580 = arith.constant 40 : i32
        %add3A_581 = arith.addi %scan3A_479, %add3A_580 : i32
        %get3A_582 = arith.index_cast %add3A_581 : i32 to index
        %get3A_583 = arith.constant 96 : index
        %get3A_584 = tpu.vector_load %arg9[%get3A_582, %get3A_583] {strides = array<i32>} : memref<80x128xf32, #tpu.memory_space<vmem>>, vector<1x16xf32>,
        %get3A_585 = vector.shape_cast %get3A_584 : vector<1x16xf32> to vector<16xf32>
        %mul3A_586 = arith.mulf %get3A_579, %get3A_585 : vector<16xf32>
        %swap3A_587 = arith.index_cast %scan3A_479 : i32 to index
        %swap3A_588 = arith.constant 96 : index
        %swap3A_589 = tpu.vector_load %arg9[%swap3A_587, %swap3A_588] {strides = array<i32>} : memref<80x128xf32, #tpu.memory_space<vmem>>, vector<1x16xf32>,
        %swap3A_590 = vector.shape_cast %swap3A_589 : vector<1x16xf32> to vector<16xf32>
        %swap3A_591 = vector.shape_cast %mul3A_586 : vector<16xf32> to vector<1x16xf32>
        tpu.vector_store %arg9[%swap3A_587, %swap3A_588], %swap3A_591 {strides = array<i32>} : memref<80x128xf32, #tpu.memory_space<vmem>>, vector<1x16xf32>,
        %get3A_592 = arith.index_cast %scan3A_479 : i32 to index
        %get3A_593 = arith.constant 112 : index
        %get3A_594 = tpu.vector_load %arg9[%get3A_592, %get3A_593] {strides = array<i32>} : memref<80x128xf32, #tpu.memory_space<vmem>>, vector<1x16xf32>,
        %get3A_595 = vector.shape_cast %get3A_594 : vector<1x16xf32> to vector<16xf32>
        %add3A_596 = arith.constant 40 : i32
        %add3A_597 = arith.addi %scan3A_479, %add3A_596 : i32
        %get3A_598 = arith.index_cast %add3A_597 : i32 to index
        %get3A_599 = arith.constant 112 : index
        %get3A_600 = tpu.vector_load %arg9[%get3A_598, %get3A_599] {strides = array<i32>} : memref<80x128xf32, #tpu.memory_space<vmem>>, vector<1x16xf32>,
        %get3A_601 = vector.shape_cast %get3A_600 : vector<1x16xf32> to vector<16xf32>
        %mul3A_602 = arith.mulf %get3A_595, %get3A_601 : vector<16xf32>
        %swap3A_603 = arith.index_cast %scan3A_479 : i32 to index
        %swap3A_604 = arith.constant 112 : index
        %swap3A_605 = tpu.vector_load %arg9[%swap3A_603, %swap3A_604] {strides = array<i32>} : memref<80x128xf32, #tpu.memory_space<vmem>>, vector<1x16xf32>,
        %swap3A_606 = vector.shape_cast %swap3A_605 : vector<1x16xf32> to vector<16xf32>
        %swap3A_607 = vector.shape_cast %mul3A_602 : vector<16xf32> to vector<1x16xf32>
        tpu.vector_store %arg9[%swap3A_603, %swap3A_604], %swap3A_607 {strides = array<i32>} : memref<80x128xf32, #tpu.memory_space<vmem>>, vector<1x16xf32>,
      }
      %scan3A_219 = arith.constant 40 : i32
      %mul3A_220 = arith.constant 10000 : i32
      %mul3A_221 = arith.muli %add3A, %mul3A_220 : i32
      %mul3A_222 = arith.constant 40 : i32
      %mul3A_223 = arith.muli %add3A_182, %mul3A_222 : i32
      %add3A_224 = arith.addi %mul3A_221, %mul3A_223 : i32
      %dma_start3A_225 = arith.constant 0 : i32
      %dma_start3A_226 = arith.constant 0 : i32
      %dma_start3A_227 = tpu.memref_slice %arg9[%dma_start3A_225, %dma_start3A_226] : memref<80x128xf32, #tpu.memory_space<vmem>> -> memref<40x128xf32, #tpu.memory_space<vmem>>
      %dma_start3A_228 = arith.constant 0 : i32
      %dma_start3A_229 = tpu.memref_slice %arg4[%add3A_224, %dma_start3A_228] : memref<320000x128xf32, #tpu.memory_space<hbm>> -> memref<40x128xf32, #tpu.memory_space<hbm>>
      %dma_start3A_230 = arith.constant 0 : i32
      %dma_start3A_231 = tpu.memref_slice %arg4[%add3A_224, %dma_start3A_230] : memref<320000x128xf32, #tpu.memory_space<hbm>> -> memref<40x128xf32, #tpu.memory_space<hbm>>
      %dma_start3A_232 = arith.constant 0 : i32
      %dma_start3A_233 = arith.constant 0 : i32
      %dma_start3A_234 = tpu.memref_slice %arg9[%dma_start3A_232, %dma_start3A_233] : memref<80x128xf32, #tpu.memory_space<vmem>> -> memref<40x128xf32, #tpu.memory_space<vmem>>
      tpu.enqueue_dma source(%dma_start3A_234 : memref<40x128xf32, #tpu.memory_space<vmem>>) target(%dma_start3A_231 : memref<40x128xf32, #tpu.memory_space<hbm>>) target_semaphore(%arg18 : memref<!tpu.dma_semaphore, #tpu.memory_space<semaphore_mem>>)
      %mul3A_235 = arith.constant 4 : i32
      %mul3A_236 = arith.muli %scan3A_120, %mul3A_235 : i32
      %add3A_237 = arith.constant 2 : i32
      %add3A_238 = arith.addi %add3A_237, %mul3A_236 : i32
      %add3A_239 = arith.constant 2 : i32
      %add3A_240 = arith.addi %add3A_238, %add3A_239 : i32
      %dma_wait3A_241 = arith.constant 0 : i32
      %dma_wait3A_242 = arith.constant 0 : i32
      %dma_wait3A_243 = tpu.memref_slice %arg5[%dma_wait3A_241, %dma_wait3A_242] : memref<20x80xi32, #tpu.memory_space<vmem>> -> memref<1x80xi32, #tpu.memory_space<vmem>>
      %dma_wait3A_244 = tpu.memref_squeeze %dma_wait3A_243 : memref<1x80xi32, #tpu.memory_space<vmem>> -> memref<80xi32, #tpu.memory_space<vmem>>
      %dma_wait3A_245 = arith.constant 0 : i32
      %dma_wait3A_246 = arith.constant 0 : i32
      %dma_wait3A_247 = tpu.memref_slice %arg10[%dma_wait3A_245, %dma_wait3A_246] : memref<10000x128xf32, #tpu.memory_space<vmem_shared>> -> memref<10000x128xf32, #tpu.memory_space<vmem_shared>>
      tpu.wait_indirect_dma semaphore(%arg11 : memref<!tpu.dma_semaphore, #tpu.memory_space<semaphore_mem>>) src(%dma_wait3A_247 : memref<10000x128xf32, #tpu.memory_space<vmem_shared>>) dst(%arg6 : memref<80x128xf32, #tpu.memory_space<vmem>>)
      %sub3A_248 = arith.constant 2 : i32
      %sub3A_249 = arith.subi %add3A_240, %sub3A_248 : i32
      %mul3A_250 = arith.constant 10000 : i32
      %mul3A_251 = arith.muli %add3A, %mul3A_250 : i32
      %mul3A_252 = arith.constant 40 : i32
      %mul3A_253 = arith.muli %sub3A_249, %mul3A_252 : i32
      %add3A_254 = arith.addi %mul3A_251, %mul3A_253 : i32
      %dma_wait3A_255 = arith.constant 0 : i32
      %dma_wait3A_256 = arith.constant 0 : i32
      %dma_wait3A_257 = tpu.memref_slice %arg8[%dma_wait3A_255, %dma_wait3A_256] : memref<80x128xf32, #tpu.memory_space<vmem>> -> memref<40x128xf32, #tpu.memory_space<vmem>>
      %dma_wait3A_258 = arith.constant 0 : i32
      %dma_wait3A_259 = tpu.memref_slice %arg4[%add3A_254, %dma_wait3A_258] : memref<320000x128xf32, #tpu.memory_space<hbm>> -> memref<40x128xf32, #tpu.memory_space<hbm>>
      %dma_wait3A_260 = arith.constant 0 : i32
      %dma_wait3A_261 = tpu.memref_slice %arg4[%add3A_254, %dma_wait3A_260] : memref<320000x128xf32, #tpu.memory_space<hbm>> -> memref<40x128xf32, #tpu.memory_space<hbm>>
      %dma_wait3A_262 = arith.constant 0 : i32
      %dma_wait3A_263 = arith.constant 0 : i32
      %dma_wait3A_264 = tpu.memref_slice %arg8[%dma_wait3A_262, %dma_wait3A_263] : memref<80x128xf32, #tpu.memory_space<vmem>> -> memref<40x128xf32, #tpu.memory_space<vmem>>
      tpu.wait_dma2 semaphore(%arg17 : memref<!tpu.dma_semaphore, #tpu.memory_space<semaphore_mem>>) src(%dma_wait3A_264 : memref<40x128xf32, #tpu.memory_space<vmem>>) dst(%dma_wait3A_261 : memref<40x128xf32, #tpu.memory_space<hbm>>)
      %add3A_265 = arith.constant 2 : i32
      %add3A_266 = arith.addi %add3A_240, %add3A_265 : i32
      %lt3A_267 = arith.constant 250 : i32
      %lt3A_268 = arith.cmpi slt, %add3A_266, %lt3A_267 : i32
      %convert_element_type3A_269 = arith.extui %lt3A_268 : i1 to i32
      %cond3A_270 = arith.constant 0 : i32
      %cond3A_271 = arith.cmpi ne, %convert_element_type3A_269, %cond3A_270 : i32
      scf.if %cond3A_271 {
        %add3A_351 = arith.constant 2 : i32
        %add3A_352 = arith.addi %add3A_240, %add3A_351 : i32
        %jit3A = arith.constant 10 : i32
        %eq3A_353 = arith.constant 0 : i32
        %eq3A_354 = arith.cmpi eq, %jit3A, %eq3A_353 : i32
        %jit3A_355 = arith.constant 1 : i32
        %select_n3A = arith.select %eq3A_354, %jit3A_355, %jit3A : i32
        %rem3A = arith.remsi %add3A_352, %select_n3A : i32
        %ne3A = arith.constant 0 : i32
        %ne3A_356 = arith.cmpi ne, %rem3A, %ne3A : i32
        %lt3A_357 = arith.constant 0 : i32
        %lt3A_358 = arith.cmpi slt, %rem3A, %lt3A_357 : i32
        %lt3A_359 = arith.constant 0 : i32
        %lt3A_360 = arith.cmpi slt, %select_n3A, %lt3A_359 : i32
        %ne3A_361 = arith.xori %lt3A_358, %lt3A_360 : i1
        %and3A = arith.andi %ne3A_361, %ne3A_356 : i1
        %add3A_362 = arith.addi %rem3A, %select_n3A : i32
        %select_n3A_363 = arith.select %and3A, %add3A_362, %rem3A : i32
        %eq3A_364 = arith.constant 0 : i32
        %eq3A_365 = arith.cmpi eq, %select_n3A_363, %eq3A_364 : i32
        %convert_element_type3A_366 = arith.extui %eq3A_365 : i1 to i32
        %cond3A_367 = arith.constant 0 : i32
        %cond3A_368 = arith.cmpi ne, %convert_element_type3A_366, %cond3A_367 : i32
        scf.if %cond3A_368 {
          %add3A_393 = arith.constant 2 : i32
          %add3A_394 = arith.addi %add3A_240, %add3A_393 : i32
          %jit3A_395 = arith.constant 10 : i32
          %div3A = arith.divsi %add3A_394, %jit3A_395 : i32
          %sign3A = arith.constant 0 : i32
          %sign3A_396 = arith.cmpi sgt, %add3A_394, %sign3A : i32
          %sign3A_397 = arith.extui %sign3A_396 : i1 to i32
          %sign3A_398 = arith.constant 0 : i32
          %sign3A_399 = arith.cmpi slt, %add3A_394, %sign3A_398 : i32
          %sign3A_400 = arith.extui %sign3A_399 : i1 to i32
          %sign3A_401 = arith.subi %sign3A_397, %sign3A_400 : i32
          %sign3A_402 = arith.constant 0 : i32
          %sign3A_403 = arith.cmpi sgt, %jit3A_395, %sign3A_402 : i32
          %sign3A_404 = arith.extui %sign3A_403 : i1 to i32
          %sign3A_405 = arith.constant 0 : i32
          %sign3A_406 = arith.cmpi slt, %jit3A_395, %sign3A_405 : i32
          %sign3A_407 = arith.extui %sign3A_406 : i1 to i32
          %sign3A_408 = arith.subi %sign3A_404, %sign3A_407 : i32
          %ne3A_409 = arith.cmpi ne, %sign3A_401, %sign3A_408 : i32
          %rem3A_410 = arith.remsi %add3A_394, %jit3A_395 : i32
          %ne3A_411 = arith.constant 0 : i32
          %ne3A_412 = arith.cmpi ne, %rem3A_410, %ne3A_411 : i32
          %and3A_413 = arith.andi %ne3A_409, %ne3A_412 : i1
          %sub3A_414 = arith.constant 1 : i32
          %sub3A_415 = arith.subi %div3A, %sub3A_414 : i32
          %select_n3A_416 = arith.select %and3A_413, %sub3A_415, %div3A : i32
          %jit3A_417 = arith.constant 2 : i32
          %eq3A_418 = arith.constant 0 : i32
          %eq3A_419 = arith.cmpi eq, %jit3A_417, %eq3A_418 : i32
          %jit3A_420 = arith.constant 1 : i32
          %select_n3A_421 = arith.select %eq3A_419, %jit3A_420, %jit3A_417 : i32
          %rem3A_422 = arith.remsi %select_n3A_416, %select_n3A_421 : i32
          %ne3A_423 = arith.constant 0 : i32
          %ne3A_424 = arith.cmpi ne, %rem3A_422, %ne3A_423 : i32
          %lt3A_425 = arith.constant 0 : i32
          %lt3A_426 = arith.cmpi slt, %rem3A_422, %lt3A_425 : i32
          %lt3A_427 = arith.constant 0 : i32
          %lt3A_428 = arith.cmpi slt, %select_n3A_421, %lt3A_427 : i32
          %ne3A_429 = arith.xori %lt3A_426, %lt3A_428 : i1
          %and3A_430 = arith.andi %ne3A_429, %ne3A_424 : i1
          %add3A_431 = arith.addi %rem3A_422, %select_n3A_421 : i32
          %select_n3A_432 = arith.select %and3A_430, %add3A_431, %rem3A_422 : i32
          %mul3A_433 = arith.constant 10 : i32
          %mul3A_434 = arith.muli %select_n3A_432, %mul3A_433 : i32
          "tpu.region"() ({
            %run_scoped3A_435 = tpu.sem_alloc : memref<!tpu.dma_semaphore, #tpu.memory_space<semaphore_mem>>
            %dma_start3A_436 = arith.constant 0 : i32
            %dma_start3A_437 = tpu.memref_slice %arg5[%mul3A_434, %dma_start3A_436] : memref<20x80xi32, #tpu.memory_space<vmem>> -> memref<10x80xi32, #tpu.memory_space<vmem>>
            %dma_start3A_438 = arith.constant 0 : i32
            %dma_start3A_439 = arith.constant 0 : i32
            %dma_start3A_440 = tpu.memref_slice %arg3[%add3A, %select_n3A_416, %dma_start3A_438, %dma_start3A_439] : memref<32x25x10x80xi32, #tpu.memory_space<hbm>> -> memref<1x1x10x80xi32, #tpu.memory_space<hbm>>
            %dma_start3A_441 = tpu.memref_squeeze %dma_start3A_440 : memref<1x1x10x80xi32, #tpu.memory_space<hbm>> -> memref<10x80xi32, #tpu.memory_space<hbm>>
            %dma_start3A_442 = arith.constant 0 : i32
            %dma_start3A_443 = tpu.memref_slice %arg5[%mul3A_434, %dma_start3A_442] : memref<20x80xi32, #tpu.memory_space<vmem>> -> memref<10x80xi32, #tpu.memory_space<vmem>>
            %dma_start3A_444 = arith.constant 0 : i32
            %dma_start3A_445 = arith.constant 0 : i32
            %dma_start3A_446 = tpu.memref_slice %arg3[%add3A, %select_n3A_416, %dma_start3A_444, %dma_start3A_445] : memref<32x25x10x80xi32, #tpu.memory_space<hbm>> -> memref<1x1x10x80xi32, #tpu.memory_space<hbm>>
            %dma_start3A_447 = tpu.memref_squeeze %dma_start3A_446 : memref<1x1x10x80xi32, #tpu.memory_space<hbm>> -> memref<10x80xi32, #tpu.memory_space<hbm>>
            tpu.enqueue_dma source(%dma_start3A_447 : memref<10x80xi32, #tpu.memory_space<hbm>>) target(%dma_start3A_443 : memref<10x80xi32, #tpu.memory_space<vmem>>) target_semaphore(%run_scoped3A_435 : memref<!tpu.dma_semaphore, #tpu.memory_space<semaphore_mem>>)
            %dma_wait3A_448 = arith.constant 0 : i32
            %dma_wait3A_449 = tpu.memref_slice %arg5[%mul3A_434, %dma_wait3A_448] : memref<20x80xi32, #tpu.memory_space<vmem>> -> memref<10x80xi32, #tpu.memory_space<vmem>>
            %dma_wait3A_450 = arith.constant 0 : i32
            %dma_wait3A_451 = arith.constant 0 : i32
            %dma_wait3A_452 = tpu.memref_slice %arg3[%add3A, %select_n3A_416, %dma_wait3A_450, %dma_wait3A_451] : memref<32x25x10x80xi32, #tpu.memory_space<hbm>> -> memref<1x1x10x80xi32, #tpu.memory_space<hbm>>
            %dma_wait3A_453 = tpu.memref_squeeze %dma_wait3A_452 : memref<1x1x10x80xi32, #tpu.memory_space<hbm>> -> memref<10x80xi32, #tpu.memory_space<hbm>>
            %dma_wait3A_454 = arith.constant 0 : i32
            %dma_wait3A_455 = tpu.memref_slice %arg5[%mul3A_434, %dma_wait3A_454] : memref<20x80xi32, #tpu.memory_space<vmem>> -> memref<10x80xi32, #tpu.memory_space<vmem>>
            %dma_wait3A_456 = arith.constant 0 : i32
            %dma_wait3A_457 = arith.constant 0 : i32
            %dma_wait3A_458 = tpu.memref_slice %arg3[%add3A, %select_n3A_416, %dma_wait3A_456, %dma_wait3A_457] : memref<32x25x10x80xi32, #tpu.memory_space<hbm>> -> memref<1x1x10x80xi32, #tpu.memory_space<hbm>>
            %dma_wait3A_459 = tpu.memref_squeeze %dma_wait3A_458 : memref<1x1x10x80xi32, #tpu.memory_space<hbm>> -> memref<10x80xi32, #tpu.memory_space<hbm>>
            tpu.wait_dma2 semaphore(%run_scoped3A_435 : memref<!tpu.dma_semaphore, #tpu.memory_space<semaphore_mem>>) src(%dma_wait3A_459 : memref<10x80xi32, #tpu.memory_space<hbm>>) dst(%dma_wait3A_455 : memref<10x80xi32, #tpu.memory_space<vmem>>)
            tpu.yield
          }) : () -> ()
        } else {
        }
        %add3A_369 = arith.constant 2 : i32
        %add3A_370 = arith.addi %add3A_240, %add3A_369 : i32
        %jit3A_371 = arith.constant 20 : i32
        %eq3A_372 = arith.constant 0 : i32
        %eq3A_373 = arith.cmpi eq, %jit3A_371, %eq3A_372 : i32
        %jit3A_374 = arith.constant 1 : i32
        %select_n3A_375 = arith.select %eq3A_373, %jit3A_374, %jit3A_371 : i32
        %rem3A_376 = arith.remsi %add3A_370, %select_n3A_375 : i32
        %ne3A_377 = arith.constant 0 : i32
        %ne3A_378 = arith.cmpi ne, %rem3A_376, %ne3A_377 : i32
        %lt3A_379 = arith.constant 0 : i32
        %lt3A_380 = arith.cmpi slt, %rem3A_376, %lt3A_379 : i32
        %lt3A_381 = arith.constant 0 : i32
        %lt3A_382 = arith.cmpi slt, %select_n3A_375, %lt3A_381 : i32
        %ne3A_383 = arith.xori %lt3A_380, %lt3A_382 : i1
        %and3A_384 = arith.andi %ne3A_383, %ne3A_378 : i1
        %add3A_385 = arith.addi %rem3A_376, %select_n3A_375 : i32
        %select_n3A_386 = arith.select %and3A_384, %add3A_385, %rem3A_376 : i32
        %dma_start3A_387 = arith.constant 0 : i32
        %dma_start3A_388 = tpu.memref_slice %arg5[%select_n3A_386, %dma_start3A_387] : memref<20x80xi32, #tpu.memory_space<vmem>> -> memref<1x80xi32, #tpu.memory_space<vmem>>
        %dma_start3A_389 = tpu.memref_squeeze %dma_start3A_388 : memref<1x80xi32, #tpu.memory_space<vmem>> -> memref<80xi32, #tpu.memory_space<vmem>>
        %dma_start3A_390 = arith.constant 0 : i32
        %dma_start3A_391 = arith.constant 0 : i32
        %dma_start3A_392 = tpu.memref_slice %arg10[%dma_start3A_390, %dma_start3A_391] : memref<10000x128xf32, #tpu.memory_space<vmem_shared>> -> memref<10000x128xf32, #tpu.memory_space<vmem_shared>>
        tpu.enqueue_indirect_dma source(%dma_start3A_392 : memref<10000x128xf32, #tpu.memory_space<vmem_shared>>) target(%arg8 : memref<80x128xf32, #tpu.memory_space<vmem>>) offsets(%dma_start3A_389 : memref<80xi32, #tpu.memory_space<vmem>>) semaphore(%arg13 : memref<!tpu.dma_semaphore, #tpu.memory_space<semaphore_mem>>)
      } else {
      }
      %scan3A_272 = arith.constant 0 : i32
      %scan3A_273 = arith.constant 0 : i32
      %scan3A_274 = arith.constant 40 : i32
      %scan3A_275 = arith.addi %scan3A_273, %scan3A_274 : i32
      %scan3A_276 = arith.constant 2 : i32
      scf.for %scan3A_351 = %scan3A_273 to %scan3A_275 step %scan3A_276  : i32 {
        %get3A = arith.index_cast %scan3A_351 : i32 to index
        %get3A_352 = arith.constant 0 : index
        %get3A_353 = tpu.vector_load %arg6[%get3A, %get3A_352] {strides = array<i32>} : memref<80x128xf32, #tpu.memory_space<vmem>>, vector<1x16xf32>,
        %get3A_354 = vector.shape_cast %get3A_353 : vector<1x16xf32> to vector<16xf32>
        %add3A_355 = arith.constant 40 : i32
        %add3A_356 = arith.addi %scan3A_351, %add3A_355 : i32
        %get3A_357 = arith.index_cast %add3A_356 : i32 to index
        %get3A_358 = arith.constant 0 : index
        %get3A_359 = tpu.vector_load %arg6[%get3A_357, %get3A_358] {strides = array<i32>} : memref<80x128xf32, #tpu.memory_space<vmem>>, vector<1x16xf32>,
        %get3A_360 = vector.shape_cast %get3A_359 : vector<1x16xf32> to vector<16xf32>
        %mul3A_361 = arith.mulf %get3A_354, %get3A_360 : vector<16xf32>
        %swap3A = arith.index_cast %scan3A_351 : i32 to index
        %swap3A_362 = arith.constant 0 : index
        %swap3A_363 = tpu.vector_load %arg6[%swap3A, %swap3A_362] {strides = array<i32>} : memref<80x128xf32, #tpu.memory_space<vmem>>, vector<1x16xf32>,
        %swap3A_364 = vector.shape_cast %swap3A_363 : vector<1x16xf32> to vector<16xf32>
        %swap3A_365 = vector.shape_cast %mul3A_361 : vector<16xf32> to vector<1x16xf32>
        tpu.vector_store %arg6[%swap3A, %swap3A_362], %swap3A_365 {strides = array<i32>} : memref<80x128xf32, #tpu.memory_space<vmem>>, vector<1x16xf32>,
        %get3A_366 = arith.index_cast %scan3A_351 : i32 to index
        %get3A_367 = arith.constant 16 : index
        %get3A_368 = tpu.vector_load %arg6[%get3A_366, %get3A_367] {strides = array<i32>} : memref<80x128xf32, #tpu.memory_space<vmem>>, vector<1x16xf32>,
        %get3A_369 = vector.shape_cast %get3A_368 : vector<1x16xf32> to vector<16xf32>
        %add3A_370 = arith.constant 40 : i32
        %add3A_371 = arith.addi %scan3A_351, %add3A_370 : i32
        %get3A_372 = arith.index_cast %add3A_371 : i32 to index
        %get3A_373 = arith.constant 16 : index
        %get3A_374 = tpu.vector_load %arg6[%get3A_372, %get3A_373] {strides = array<i32>} : memref<80x128xf32, #tpu.memory_space<vmem>>, vector<1x16xf32>,
        %get3A_375 = vector.shape_cast %get3A_374 : vector<1x16xf32> to vector<16xf32>
        %mul3A_376 = arith.mulf %get3A_369, %get3A_375 : vector<16xf32>
        %swap3A_377 = arith.index_cast %scan3A_351 : i32 to index
        %swap3A_378 = arith.constant 16 : index
        %swap3A_379 = tpu.vector_load %arg6[%swap3A_377, %swap3A_378] {strides = array<i32>} : memref<80x128xf32, #tpu.memory_space<vmem>>, vector<1x16xf32>,
        %swap3A_380 = vector.shape_cast %swap3A_379 : vector<1x16xf32> to vector<16xf32>
        %swap3A_381 = vector.shape_cast %mul3A_376 : vector<16xf32> to vector<1x16xf32>
        tpu.vector_store %arg6[%swap3A_377, %swap3A_378], %swap3A_381 {strides = array<i32>} : memref<80x128xf32, #tpu.memory_space<vmem>>, vector<1x16xf32>,
        %get3A_382 = arith.index_cast %scan3A_351 : i32 to index
        %get3A_383 = arith.constant 32 : index
        %get3A_384 = tpu.vector_load %arg6[%get3A_382, %get3A_383] {strides = array<i32>} : memref<80x128xf32, #tpu.memory_space<vmem>>, vector<1x16xf32>,
        %get3A_385 = vector.shape_cast %get3A_384 : vector<1x16xf32> to vector<16xf32>
        %add3A_386 = arith.constant 40 : i32
        %add3A_387 = arith.addi %scan3A_351, %add3A_386 : i32
        %get3A_388 = arith.index_cast %add3A_387 : i32 to index
        %get3A_389 = arith.constant 32 : index
        %get3A_390 = tpu.vector_load %arg6[%get3A_388, %get3A_389] {strides = array<i32>} : memref<80x128xf32, #tpu.memory_space<vmem>>, vector<1x16xf32>,
        %get3A_391 = vector.shape_cast %get3A_390 : vector<1x16xf32> to vector<16xf32>
        %mul3A_392 = arith.mulf %get3A_385, %get3A_391 : vector<16xf32>
        %swap3A_393 = arith.index_cast %scan3A_351 : i32 to index
        %swap3A_394 = arith.constant 32 : index
        %swap3A_395 = tpu.vector_load %arg6[%swap3A_393, %swap3A_394] {strides = array<i32>} : memref<80x128xf32, #tpu.memory_space<vmem>>, vector<1x16xf32>,
        %swap3A_396 = vector.shape_cast %swap3A_395 : vector<1x16xf32> to vector<16xf32>
        %swap3A_397 = vector.shape_cast %mul3A_392 : vector<16xf32> to vector<1x16xf32>
        tpu.vector_store %arg6[%swap3A_393, %swap3A_394], %swap3A_397 {strides = array<i32>} : memref<80x128xf32, #tpu.memory_space<vmem>>, vector<1x16xf32>,
        %get3A_398 = arith.index_cast %scan3A_351 : i32 to index
        %get3A_399 = arith.constant 48 : index
        %get3A_400 = tpu.vector_load %arg6[%get3A_398, %get3A_399] {strides = array<i32>} : memref<80x128xf32, #tpu.memory_space<vmem>>, vector<1x16xf32>,
        %get3A_401 = vector.shape_cast %get3A_400 : vector<1x16xf32> to vector<16xf32>
        %add3A_402 = arith.constant 40 : i32
        %add3A_403 = arith.addi %scan3A_351, %add3A_402 : i32
        %get3A_404 = arith.index_cast %add3A_403 : i32 to index
        %get3A_405 = arith.constant 48 : index
        %get3A_406 = tpu.vector_load %arg6[%get3A_404, %get3A_405] {strides = array<i32>} : memref<80x128xf32, #tpu.memory_space<vmem>>, vector<1x16xf32>,
        %get3A_407 = vector.shape_cast %get3A_406 : vector<1x16xf32> to vector<16xf32>
        %mul3A_408 = arith.mulf %get3A_401, %get3A_407 : vector<16xf32>
        %swap3A_409 = arith.index_cast %scan3A_351 : i32 to index
        %swap3A_410 = arith.constant 48 : index
        %swap3A_411 = tpu.vector_load %arg6[%swap3A_409, %swap3A_410] {strides = array<i32>} : memref<80x128xf32, #tpu.memory_space<vmem>>, vector<1x16xf32>,
        %swap3A_412 = vector.shape_cast %swap3A_411 : vector<1x16xf32> to vector<16xf32>
        %swap3A_413 = vector.shape_cast %mul3A_408 : vector<16xf32> to vector<1x16xf32>
        tpu.vector_store %arg6[%swap3A_409, %swap3A_410], %swap3A_413 {strides = array<i32>} : memref<80x128xf32, #tpu.memory_space<vmem>>, vector<1x16xf32>,
        %get3A_414 = arith.index_cast %scan3A_351 : i32 to index
        %get3A_415 = arith.constant 64 : index
        %get3A_416 = tpu.vector_load %arg6[%get3A_414, %get3A_415] {strides = array<i32>} : memref<80x128xf32, #tpu.memory_space<vmem>>, vector<1x16xf32>,
        %get3A_417 = vector.shape_cast %get3A_416 : vector<1x16xf32> to vector<16xf32>
        %add3A_418 = arith.constant 40 : i32
        %add3A_419 = arith.addi %scan3A_351, %add3A_418 : i32
        %get3A_420 = arith.index_cast %add3A_419 : i32 to index
        %get3A_421 = arith.constant 64 : index
        %get3A_422 = tpu.vector_load %arg6[%get3A_420, %get3A_421] {strides = array<i32>} : memref<80x128xf32, #tpu.memory_space<vmem>>, vector<1x16xf32>,
        %get3A_423 = vector.shape_cast %get3A_422 : vector<1x16xf32> to vector<16xf32>
        %mul3A_424 = arith.mulf %get3A_417, %get3A_423 : vector<16xf32>
        %swap3A_425 = arith.index_cast %scan3A_351 : i32 to index
        %swap3A_426 = arith.constant 64 : index
        %swap3A_427 = tpu.vector_load %arg6[%swap3A_425, %swap3A_426] {strides = array<i32>} : memref<80x128xf32, #tpu.memory_space<vmem>>, vector<1x16xf32>,
        %swap3A_428 = vector.shape_cast %swap3A_427 : vector<1x16xf32> to vector<16xf32>
        %swap3A_429 = vector.shape_cast %mul3A_424 : vector<16xf32> to vector<1x16xf32>
        tpu.vector_store %arg6[%swap3A_425, %swap3A_426], %swap3A_429 {strides = array<i32>} : memref<80x128xf32, #tpu.memory_space<vmem>>, vector<1x16xf32>,
        %get3A_430 = arith.index_cast %scan3A_351 : i32 to index
        %get3A_431 = arith.constant 80 : index
        %get3A_432 = tpu.vector_load %arg6[%get3A_430, %get3A_431] {strides = array<i32>} : memref<80x128xf32, #tpu.memory_space<vmem>>, vector<1x16xf32>,
        %get3A_433 = vector.shape_cast %get3A_432 : vector<1x16xf32> to vector<16xf32>
        %add3A_434 = arith.constant 40 : i32
        %add3A_435 = arith.addi %scan3A_351, %add3A_434 : i32
        %get3A_436 = arith.index_cast %add3A_435 : i32 to index
        %get3A_437 = arith.constant 80 : index
        %get3A_438 = tpu.vector_load %arg6[%get3A_436, %get3A_437] {strides = array<i32>} : memref<80x128xf32, #tpu.memory_space<vmem>>, vector<1x16xf32>,
        %get3A_439 = vector.shape_cast %get3A_438 : vector<1x16xf32> to vector<16xf32>
        %mul3A_440 = arith.mulf %get3A_433, %get3A_439 : vector<16xf32>
        %swap3A_441 = arith.index_cast %scan3A_351 : i32 to index
        %swap3A_442 = arith.constant 80 : index
        %swap3A_443 = tpu.vector_load %arg6[%swap3A_441, %swap3A_442] {strides = array<i32>} : memref<80x128xf32, #tpu.memory_space<vmem>>, vector<1x16xf32>,
        %swap3A_444 = vector.shape_cast %swap3A_443 : vector<1x16xf32> to vector<16xf32>
        %swap3A_445 = vector.shape_cast %mul3A_440 : vector<16xf32> to vector<1x16xf32>
        tpu.vector_store %arg6[%swap3A_441, %swap3A_442], %swap3A_445 {strides = array<i32>} : memref<80x128xf32, #tpu.memory_space<vmem>>, vector<1x16xf32>,
        %get3A_446 = arith.index_cast %scan3A_351 : i32 to index
        %get3A_447 = arith.constant 96 : index
        %get3A_448 = tpu.vector_load %arg6[%get3A_446, %get3A_447] {strides = array<i32>} : memref<80x128xf32, #tpu.memory_space<vmem>>, vector<1x16xf32>,
        %get3A_449 = vector.shape_cast %get3A_448 : vector<1x16xf32> to vector<16xf32>
        %add3A_450 = arith.constant 40 : i32
        %add3A_451 = arith.addi %scan3A_351, %add3A_450 : i32
        %get3A_452 = arith.index_cast %add3A_451 : i32 to index
        %get3A_453 = arith.constant 96 : index
        %get3A_454 = tpu.vector_load %arg6[%get3A_452, %get3A_453] {strides = array<i32>} : memref<80x128xf32, #tpu.memory_space<vmem>>, vector<1x16xf32>,
        %get3A_455 = vector.shape_cast %get3A_454 : vector<1x16xf32> to vector<16xf32>
        %mul3A_456 = arith.mulf %get3A_449, %get3A_455 : vector<16xf32>
        %swap3A_457 = arith.index_cast %scan3A_351 : i32 to index
        %swap3A_458 = arith.constant 96 : index
        %swap3A_459 = tpu.vector_load %arg6[%swap3A_457, %swap3A_458] {strides = array<i32>} : memref<80x128xf32, #tpu.memory_space<vmem>>, vector<1x16xf32>,
        %swap3A_460 = vector.shape_cast %swap3A_459 : vector<1x16xf32> to vector<16xf32>
        %swap3A_461 = vector.shape_cast %mul3A_456 : vector<16xf32> to vector<1x16xf32>
        tpu.vector_store %arg6[%swap3A_457, %swap3A_458], %swap3A_461 {strides = array<i32>} : memref<80x128xf32, #tpu.memory_space<vmem>>, vector<1x16xf32>,
        %get3A_462 = arith.index_cast %scan3A_351 : i32 to index
        %get3A_463 = arith.constant 112 : index
        %get3A_464 = tpu.vector_load %arg6[%get3A_462, %get3A_463] {strides = array<i32>} : memref<80x128xf32, #tpu.memory_space<vmem>>, vector<1x16xf32>,
        %get3A_465 = vector.shape_cast %get3A_464 : vector<1x16xf32> to vector<16xf32>
        %add3A_466 = arith.constant 40 : i32
        %add3A_467 = arith.addi %scan3A_351, %add3A_466 : i32
        %get3A_468 = arith.index_cast %add3A_467 : i32 to index
        %get3A_469 = arith.constant 112 : index
        %get3A_470 = tpu.vector_load %arg6[%get3A_468, %get3A_469] {strides = array<i32>} : memref<80x128xf32, #tpu.memory_space<vmem>>, vector<1x16xf32>,
        %get3A_471 = vector.shape_cast %get3A_470 : vector<1x16xf32> to vector<16xf32>
        %mul3A_472 = arith.mulf %get3A_465, %get3A_471 : vector<16xf32>
        %swap3A_473 = arith.index_cast %scan3A_351 : i32 to index
        %swap3A_474 = arith.constant 112 : index
        %swap3A_475 = tpu.vector_load %arg6[%swap3A_473, %swap3A_474] {strides = array<i32>} : memref<80x128xf32, #tpu.memory_space<vmem>>, vector<1x16xf32>,
        %swap3A_476 = vector.shape_cast %swap3A_475 : vector<1x16xf32> to vector<16xf32>
        %swap3A_477 = vector.shape_cast %mul3A_472 : vector<16xf32> to vector<1x16xf32>
        tpu.vector_store %arg6[%swap3A_473, %swap3A_474], %swap3A_477 {strides = array<i32>} : memref<80x128xf32, #tpu.memory_space<vmem>>, vector<1x16xf32>,
        %scan3A_478 = arith.constant 1 : i32
        %scan3A_479 = arith.addi %scan3A_351, %scan3A_478 : i32
        %get3A_480 = arith.index_cast %scan3A_479 : i32 to index
        %get3A_481 = arith.constant 0 : index
        %get3A_482 = tpu.vector_load %arg6[%get3A_480, %get3A_481] {strides = array<i32>} : memref<80x128xf32, #tpu.memory_space<vmem>>, vector<1x16xf32>,
        %get3A_483 = vector.shape_cast %get3A_482 : vector<1x16xf32> to vector<16xf32>
        %add3A_484 = arith.constant 40 : i32
        %add3A_485 = arith.addi %scan3A_479, %add3A_484 : i32
        %get3A_486 = arith.index_cast %add3A_485 : i32 to index
        %get3A_487 = arith.constant 0 : index
        %get3A_488 = tpu.vector_load %arg6[%get3A_486, %get3A_487] {strides = array<i32>} : memref<80x128xf32, #tpu.memory_space<vmem>>, vector<1x16xf32>,
        %get3A_489 = vector.shape_cast %get3A_488 : vector<1x16xf32> to vector<16xf32>
        %mul3A_490 = arith.mulf %get3A_483, %get3A_489 : vector<16xf32>
        %swap3A_491 = arith.index_cast %scan3A_479 : i32 to index
        %swap3A_492 = arith.constant 0 : index
        %swap3A_493 = tpu.vector_load %arg6[%swap3A_491, %swap3A_492] {strides = array<i32>} : memref<80x128xf32, #tpu.memory_space<vmem>>, vector<1x16xf32>,
        %swap3A_494 = vector.shape_cast %swap3A_493 : vector<1x16xf32> to vector<16xf32>
        %swap3A_495 = vector.shape_cast %mul3A_490 : vector<16xf32> to vector<1x16xf32>
        tpu.vector_store %arg6[%swap3A_491, %swap3A_492], %swap3A_495 {strides = array<i32>} : memref<80x128xf32, #tpu.memory_space<vmem>>, vector<1x16xf32>,
        %get3A_496 = arith.index_cast %scan3A_479 : i32 to index
        %get3A_497 = arith.constant 16 : index
        %get3A_498 = tpu.vector_load %arg6[%get3A_496, %get3A_497] {strides = array<i32>} : memref<80x128xf32, #tpu.memory_space<vmem>>, vector<1x16xf32>,
        %get3A_499 = vector.shape_cast %get3A_498 : vector<1x16xf32> to vector<16xf32>
        %add3A_500 = arith.constant 40 : i32
        %add3A_501 = arith.addi %scan3A_479, %add3A_500 : i32
        %get3A_502 = arith.index_cast %add3A_501 : i32 to index
        %get3A_503 = arith.constant 16 : index
        %get3A_504 = tpu.vector_load %arg6[%get3A_502, %get3A_503] {strides = array<i32>} : memref<80x128xf32, #tpu.memory_space<vmem>>, vector<1x16xf32>,
        %get3A_505 = vector.shape_cast %get3A_504 : vector<1x16xf32> to vector<16xf32>
        %mul3A_506 = arith.mulf %get3A_499, %get3A_505 : vector<16xf32>
        %swap3A_507 = arith.index_cast %scan3A_479 : i32 to index
        %swap3A_508 = arith.constant 16 : index
        %swap3A_509 = tpu.vector_load %arg6[%swap3A_507, %swap3A_508] {strides = array<i32>} : memref<80x128xf32, #tpu.memory_space<vmem>>, vector<1x16xf32>,
        %swap3A_510 = vector.shape_cast %swap3A_509 : vector<1x16xf32> to vector<16xf32>
        %swap3A_511 = vector.shape_cast %mul3A_506 : vector<16xf32> to vector<1x16xf32>
        tpu.vector_store %arg6[%swap3A_507, %swap3A_508], %swap3A_511 {strides = array<i32>} : memref<80x128xf32, #tpu.memory_space<vmem>>, vector<1x16xf32>,
        %get3A_512 = arith.index_cast %scan3A_479 : i32 to index
        %get3A_513 = arith.constant 32 : index
        %get3A_514 = tpu.vector_load %arg6[%get3A_512, %get3A_513] {strides = array<i32>} : memref<80x128xf32, #tpu.memory_space<vmem>>, vector<1x16xf32>,
        %get3A_515 = vector.shape_cast %get3A_514 : vector<1x16xf32> to vector<16xf32>
        %add3A_516 = arith.constant 40 : i32
        %add3A_517 = arith.addi %scan3A_479, %add3A_516 : i32
        %get3A_518 = arith.index_cast %add3A_517 : i32 to index
        %get3A_519 = arith.constant 32 : index
        %get3A_520 = tpu.vector_load %arg6[%get3A_518, %get3A_519] {strides = array<i32>} : memref<80x128xf32, #tpu.memory_space<vmem>>, vector<1x16xf32>,
        %get3A_521 = vector.shape_cast %get3A_520 : vector<1x16xf32> to vector<16xf32>
        %mul3A_522 = arith.mulf %get3A_515, %get3A_521 : vector<16xf32>
        %swap3A_523 = arith.index_cast %scan3A_479 : i32 to index
        %swap3A_524 = arith.constant 32 : index
        %swap3A_525 = tpu.vector_load %arg6[%swap3A_523, %swap3A_524] {strides = array<i32>} : memref<80x128xf32, #tpu.memory_space<vmem>>, vector<1x16xf32>,
        %swap3A_526 = vector.shape_cast %swap3A_525 : vector<1x16xf32> to vector<16xf32>
        %swap3A_527 = vector.shape_cast %mul3A_522 : vector<16xf32> to vector<1x16xf32>
        tpu.vector_store %arg6[%swap3A_523, %swap3A_524], %swap3A_527 {strides = array<i32>} : memref<80x128xf32, #tpu.memory_space<vmem>>, vector<1x16xf32>,
        %get3A_528 = arith.index_cast %scan3A_479 : i32 to index
        %get3A_529 = arith.constant 48 : index
        %get3A_530 = tpu.vector_load %arg6[%get3A_528, %get3A_529] {strides = array<i32>} : memref<80x128xf32, #tpu.memory_space<vmem>>, vector<1x16xf32>,
        %get3A_531 = vector.shape_cast %get3A_530 : vector<1x16xf32> to vector<16xf32>
        %add3A_532 = arith.constant 40 : i32
        %add3A_533 = arith.addi %scan3A_479, %add3A_532 : i32
        %get3A_534 = arith.index_cast %add3A_533 : i32 to index
        %get3A_535 = arith.constant 48 : index
        %get3A_536 = tpu.vector_load %arg6[%get3A_534, %get3A_535] {strides = array<i32>} : memref<80x128xf32, #tpu.memory_space<vmem>>, vector<1x16xf32>,
        %get3A_537 = vector.shape_cast %get3A_536 : vector<1x16xf32> to vector<16xf32>
        %mul3A_538 = arith.mulf %get3A_531, %get3A_537 : vector<16xf32>
        %swap3A_539 = arith.index_cast %scan3A_479 : i32 to index
        %swap3A_540 = arith.constant 48 : index
        %swap3A_541 = tpu.vector_load %arg6[%swap3A_539, %swap3A_540] {strides = array<i32>} : memref<80x128xf32, #tpu.memory_space<vmem>>, vector<1x16xf32>,
        %swap3A_542 = vector.shape_cast %swap3A_541 : vector<1x16xf32> to vector<16xf32>
        %swap3A_543 = vector.shape_cast %mul3A_538 : vector<16xf32> to vector<1x16xf32>
        tpu.vector_store %arg6[%swap3A_539, %swap3A_540], %swap3A_543 {strides = array<i32>} : memref<80x128xf32, #tpu.memory_space<vmem>>, vector<1x16xf32>,
        %get3A_544 = arith.index_cast %scan3A_479 : i32 to index
        %get3A_545 = arith.constant 64 : index
        %get3A_546 = tpu.vector_load %arg6[%get3A_544, %get3A_545] {strides = array<i32>} : memref<80x128xf32, #tpu.memory_space<vmem>>, vector<1x16xf32>,
        %get3A_547 = vector.shape_cast %get3A_546 : vector<1x16xf32> to vector<16xf32>
        %add3A_548 = arith.constant 40 : i32
        %add3A_549 = arith.addi %scan3A_479, %add3A_548 : i32
        %get3A_550 = arith.index_cast %add3A_549 : i32 to index
        %get3A_551 = arith.constant 64 : index
        %get3A_552 = tpu.vector_load %arg6[%get3A_550, %get3A_551] {strides = array<i32>} : memref<80x128xf32, #tpu.memory_space<vmem>>, vector<1x16xf32>,
        %get3A_553 = vector.shape_cast %get3A_552 : vector<1x16xf32> to vector<16xf32>
        %mul3A_554 = arith.mulf %get3A_547, %get3A_553 : vector<16xf32>
        %swap3A_555 = arith.index_cast %scan3A_479 : i32 to index
        %swap3A_556 = arith.constant 64 : index
        %swap3A_557 = tpu.vector_load %arg6[%swap3A_555, %swap3A_556] {strides = array<i32>} : memref<80x128xf32, #tpu.memory_space<vmem>>, vector<1x16xf32>,
        %swap3A_558 = vector.shape_cast %swap3A_557 : vector<1x16xf32> to vector<16xf32>
        %swap3A_559 = vector.shape_cast %mul3A_554 : vector<16xf32> to vector<1x16xf32>
        tpu.vector_store %arg6[%swap3A_555, %swap3A_556], %swap3A_559 {strides = array<i32>} : memref<80x128xf32, #tpu.memory_space<vmem>>, vector<1x16xf32>,
        %get3A_560 = arith.index_cast %scan3A_479 : i32 to index
        %get3A_561 = arith.constant 80 : index
        %get3A_562 = tpu.vector_load %arg6[%get3A_560, %get3A_561] {strides = array<i32>} : memref<80x128xf32, #tpu.memory_space<vmem>>, vector<1x16xf32>,
        %get3A_563 = vector.shape_cast %get3A_562 : vector<1x16xf32> to vector<16xf32>
        %add3A_564 = arith.constant 40 : i32
        %add3A_565 = arith.addi %scan3A_479, %add3A_564 : i32
        %get3A_566 = arith.index_cast %add3A_565 : i32 to index
        %get3A_567 = arith.constant 80 : index
        %get3A_568 = tpu.vector_load %arg6[%get3A_566, %get3A_567] {strides = array<i32>} : memref<80x128xf32, #tpu.memory_space<vmem>>, vector<1x16xf32>,
        %get3A_569 = vector.shape_cast %get3A_568 : vector<1x16xf32> to vector<16xf32>
        %mul3A_570 = arith.mulf %get3A_563, %get3A_569 : vector<16xf32>
        %swap3A_571 = arith.index_cast %scan3A_479 : i32 to index
        %swap3A_572 = arith.constant 80 : index
        %swap3A_573 = tpu.vector_load %arg6[%swap3A_571, %swap3A_572] {strides = array<i32>} : memref<80x128xf32, #tpu.memory_space<vmem>>, vector<1x16xf32>,
        %swap3A_574 = vector.shape_cast %swap3A_573 : vector<1x16xf32> to vector<16xf32>
        %swap3A_575 = vector.shape_cast %mul3A_570 : vector<16xf32> to vector<1x16xf32>
        tpu.vector_store %arg6[%swap3A_571, %swap3A_572], %swap3A_575 {strides = array<i32>} : memref<80x128xf32, #tpu.memory_space<vmem>>, vector<1x16xf32>,
        %get3A_576 = arith.index_cast %scan3A_479 : i32 to index
        %get3A_577 = arith.constant 96 : index
        %get3A_578 = tpu.vector_load %arg6[%get3A_576, %get3A_577] {strides = array<i32>} : memref<80x128xf32, #tpu.memory_space<vmem>>, vector<1x16xf32>,
        %get3A_579 = vector.shape_cast %get3A_578 : vector<1x16xf32> to vector<16xf32>
        %add3A_580 = arith.constant 40 : i32
        %add3A_581 = arith.addi %scan3A_479, %add3A_580 : i32
        %get3A_582 = arith.index_cast %add3A_581 : i32 to index
        %get3A_583 = arith.constant 96 : index
        %get3A_584 = tpu.vector_load %arg6[%get3A_582, %get3A_583] {strides = array<i32>} : memref<80x128xf32, #tpu.memory_space<vmem>>, vector<1x16xf32>,
        %get3A_585 = vector.shape_cast %get3A_584 : vector<1x16xf32> to vector<16xf32>
        %mul3A_586 = arith.mulf %get3A_579, %get3A_585 : vector<16xf32>
        %swap3A_587 = arith.index_cast %scan3A_479 : i32 to index
        %swap3A_588 = arith.constant 96 : index
        %swap3A_589 = tpu.vector_load %arg6[%swap3A_587, %swap3A_588] {strides = array<i32>} : memref<80x128xf32, #tpu.memory_space<vmem>>, vector<1x16xf32>,
        %swap3A_590 = vector.shape_cast %swap3A_589 : vector<1x16xf32> to vector<16xf32>
        %swap3A_591 = vector.shape_cast %mul3A_586 : vector<16xf32> to vector<1x16xf32>
        tpu.vector_store %arg6[%swap3A_587, %swap3A_588], %swap3A_591 {strides = array<i32>} : memref<80x128xf32, #tpu.memory_space<vmem>>, vector<1x16xf32>,
        %get3A_592 = arith.index_cast %scan3A_479 : i32 to index
        %get3A_593 = arith.constant 112 : index
        %get3A_594 = tpu.vector_load %arg6[%get3A_592, %get3A_593] {strides = array<i32>} : memref<80x128xf32, #tpu.memory_space<vmem>>, vector<1x16xf32>,
        %get3A_595 = vector.shape_cast %get3A_594 : vector<1x16xf32> to vector<16xf32>
        %add3A_596 = arith.constant 40 : i32
        %add3A_597 = arith.addi %scan3A_479, %add3A_596 : i32
        %get3A_598 = arith.index_cast %add3A_597 : i32 to index
        %get3A_599 = arith.constant 112 : index
        %get3A_600 = tpu.vector_load %arg6[%get3A_598, %get3A_599] {strides = array<i32>} : memref<80x128xf32, #tpu.memory_space<vmem>>, vector<1x16xf32>,
        %get3A_601 = vector.shape_cast %get3A_600 : vector<1x16xf32> to vector<16xf32>
        %mul3A_602 = arith.mulf %get3A_595, %get3A_601 : vector<16xf32>
        %swap3A_603 = arith.index_cast %scan3A_479 : i32 to index
        %swap3A_604 = arith.constant 112 : index
        %swap3A_605 = tpu.vector_load %arg6[%swap3A_603, %swap3A_604] {strides = array<i32>} : memref<80x128xf32, #tpu.memory_space<vmem>>, vector<1x16xf32>,
        %swap3A_606 = vector.shape_cast %swap3A_605 : vector<1x16xf32> to vector<16xf32>
        %swap3A_607 = vector.shape_cast %mul3A_602 : vector<16xf32> to vector<1x16xf32>
        tpu.vector_store %arg6[%swap3A_603, %swap3A_604], %swap3A_607 {strides = array<i32>} : memref<80x128xf32, #tpu.memory_space<vmem>>, vector<1x16xf32>,
      }
      %scan3A_277 = arith.constant 40 : i32
      %mul3A_278 = arith.constant 10000 : i32
      %mul3A_279 = arith.muli %add3A, %mul3A_278 : i32
      %mul3A_280 = arith.constant 40 : i32
      %mul3A_281 = arith.muli %add3A_240, %mul3A_280 : i32
      %add3A_282 = arith.addi %mul3A_279, %mul3A_281 : i32
      %dma_start3A_283 = arith.constant 0 : i32
      %dma_start3A_284 = arith.constant 0 : i32
      %dma_start3A_285 = tpu.memref_slice %arg6[%dma_start3A_283, %dma_start3A_284] : memref<80x128xf32, #tpu.memory_space<vmem>> -> memref<40x128xf32, #tpu.memory_space<vmem>>
      %dma_start3A_286 = arith.constant 0 : i32
      %dma_start3A_287 = tpu.memref_slice %arg4[%add3A_282, %dma_start3A_286] : memref<320000x128xf32, #tpu.memory_space<hbm>> -> memref<40x128xf32, #tpu.memory_space<hbm>>
      %dma_start3A_288 = arith.constant 0 : i32
      %dma_start3A_289 = tpu.memref_slice %arg4[%add3A_282, %dma_start3A_288] : memref<320000x128xf32, #tpu.memory_space<hbm>> -> memref<40x128xf32, #tpu.memory_space<hbm>>
      %dma_start3A_290 = arith.constant 0 : i32
      %dma_start3A_291 = arith.constant 0 : i32
      %dma_start3A_292 = tpu.memref_slice %arg6[%dma_start3A_290, %dma_start3A_291] : memref<80x128xf32, #tpu.memory_space<vmem>> -> memref<40x128xf32, #tpu.memory_space<vmem>>
      tpu.enqueue_dma source(%dma_start3A_292 : memref<40x128xf32, #tpu.memory_space<vmem>>) target(%dma_start3A_289 : memref<40x128xf32, #tpu.memory_space<hbm>>) target_semaphore(%arg15 : memref<!tpu.dma_semaphore, #tpu.memory_space<semaphore_mem>>)
      %mul3A_293 = arith.constant 4 : i32
      %mul3A_294 = arith.muli %scan3A_120, %mul3A_293 : i32
      %add3A_295 = arith.constant 2 : i32
      %add3A_296 = arith.addi %add3A_295, %mul3A_294 : i32
      %add3A_297 = arith.constant 3 : i32
      %add3A_298 = arith.addi %add3A_296, %add3A_297 : i32
      %dma_wait3A_299 = arith.constant 0 : i32
      %dma_wait3A_300 = arith.constant 0 : i32
      %dma_wait3A_301 = tpu.memref_slice %arg5[%dma_wait3A_299, %dma_wait3A_300] : memref<20x80xi32, #tpu.memory_space<vmem>> -> memref<1x80xi32, #tpu.memory_space<vmem>>
      %dma_wait3A_302 = tpu.memref_squeeze %dma_wait3A_301 : memref<1x80xi32, #tpu.memory_space<vmem>> -> memref<80xi32, #tpu.memory_space<vmem>>
      %dma_wait3A_303 = arith.constant 0 : i32
      %dma_wait3A_304 = arith.constant 0 : i32
      %dma_wait3A_305 = tpu.memref_slice %arg10[%dma_wait3A_303, %dma_wait3A_304] : memref<10000x128xf32, #tpu.memory_space<vmem_shared>> -> memref<10000x128xf32, #tpu.memory_space<vmem_shared>>
      tpu.wait_indirect_dma semaphore(%arg12 : memref<!tpu.dma_semaphore, #tpu.memory_space<semaphore_mem>>) src(%dma_wait3A_305 : memref<10000x128xf32, #tpu.memory_space<vmem_shared>>) dst(%arg7 : memref<80x128xf32, #tpu.memory_space<vmem>>)
      %sub3A_306 = arith.constant 2 : i32
      %sub3A_307 = arith.subi %add3A_298, %sub3A_306 : i32
      %mul3A_308 = arith.constant 10000 : i32
      %mul3A_309 = arith.muli %add3A, %mul3A_308 : i32
      %mul3A_310 = arith.constant 40 : i32
      %mul3A_311 = arith.muli %sub3A_307, %mul3A_310 : i32
      %add3A_312 = arith.addi %mul3A_309, %mul3A_311 : i32
      %dma_wait3A_313 = arith.constant 0 : i32
      %dma_wait3A_314 = arith.constant 0 : i32
      %dma_wait3A_315 = tpu.memref_slice %arg9[%dma_wait3A_313, %dma_wait3A_314] : memref<80x128xf32, #tpu.memory_space<vmem>> -> memref<40x128xf32, #tpu.memory_space<vmem>>
      %dma_wait3A_316 = arith.constant 0 : i32
      %dma_wait3A_317 = tpu.memref_slice %arg4[%add3A_312, %dma_wait3A_316] : memref<320000x128xf32, #tpu.memory_space<hbm>> -> memref<40x128xf32, #tpu.memory_space<hbm>>
      %dma_wait3A_318 = arith.constant 0 : i32
      %dma_wait3A_319 = tpu.memref_slice %arg4[%add3A_312, %dma_wait3A_318] : memref<320000x128xf32, #tpu.memory_space<hbm>> -> memref<40x128xf32, #tpu.memory_space<hbm>>
      %dma_wait3A_320 = arith.constant 0 : i32
      %dma_wait3A_321 = arith.constant 0 : i32
      %dma_wait3A_322 = tpu.memref_slice %arg9[%dma_wait3A_320, %dma_wait3A_321] : memref<80x128xf32, #tpu.memory_space<vmem>> -> memref<40x128xf32, #tpu.memory_space<vmem>>
      tpu.wait_dma2 semaphore(%arg18 : memref<!tpu.dma_semaphore, #tpu.memory_space<semaphore_mem>>) src(%dma_wait3A_322 : memref<40x128xf32, #tpu.memory_space<vmem>>) dst(%dma_wait3A_319 : memref<40x128xf32, #tpu.memory_space<hbm>>)
      %add3A_323 = arith.constant 2 : i32
      %add3A_324 = arith.addi %add3A_298, %add3A_323 : i32
      %lt3A_325 = arith.constant 250 : i32
      %lt3A_326 = arith.cmpi slt, %add3A_324, %lt3A_325 : i32
      %convert_element_type3A_327 = arith.extui %lt3A_326 : i1 to i32
      %cond3A_328 = arith.constant 0 : i32
      %cond3A_329 = arith.cmpi ne, %convert_element_type3A_327, %cond3A_328 : i32
      scf.if %cond3A_329 {
        %add3A_351 = arith.constant 2 : i32
        %add3A_352 = arith.addi %add3A_298, %add3A_351 : i32
        %jit3A = arith.constant 10 : i32
        %eq3A_353 = arith.constant 0 : i32
        %eq3A_354 = arith.cmpi eq, %jit3A, %eq3A_353 : i32
        %jit3A_355 = arith.constant 1 : i32
        %select_n3A = arith.select %eq3A_354, %jit3A_355, %jit3A : i32
        %rem3A = arith.remsi %add3A_352, %select_n3A : i32
        %ne3A = arith.constant 0 : i32
        %ne3A_356 = arith.cmpi ne, %rem3A, %ne3A : i32
        %lt3A_357 = arith.constant 0 : i32
        %lt3A_358 = arith.cmpi slt, %rem3A, %lt3A_357 : i32
        %lt3A_359 = arith.constant 0 : i32
        %lt3A_360 = arith.cmpi slt, %select_n3A, %lt3A_359 : i32
        %ne3A_361 = arith.xori %lt3A_358, %lt3A_360 : i1
        %and3A = arith.andi %ne3A_361, %ne3A_356 : i1
        %add3A_362 = arith.addi %rem3A, %select_n3A : i32
        %select_n3A_363 = arith.select %and3A, %add3A_362, %rem3A : i32
        %eq3A_364 = arith.constant 0 : i32
        %eq3A_365 = arith.cmpi eq, %select_n3A_363, %eq3A_364 : i32
        %convert_element_type3A_366 = arith.extui %eq3A_365 : i1 to i32
        %cond3A_367 = arith.constant 0 : i32
        %cond3A_368 = arith.cmpi ne, %convert_element_type3A_366, %cond3A_367 : i32
        scf.if %cond3A_368 {
          %add3A_393 = arith.constant 2 : i32
          %add3A_394 = arith.addi %add3A_298, %add3A_393 : i32
          %jit3A_395 = arith.constant 10 : i32
          %div3A = arith.divsi %add3A_394, %jit3A_395 : i32
          %sign3A = arith.constant 0 : i32
          %sign3A_396 = arith.cmpi sgt, %add3A_394, %sign3A : i32
          %sign3A_397 = arith.extui %sign3A_396 : i1 to i32
          %sign3A_398 = arith.constant 0 : i32
          %sign3A_399 = arith.cmpi slt, %add3A_394, %sign3A_398 : i32
          %sign3A_400 = arith.extui %sign3A_399 : i1 to i32
          %sign3A_401 = arith.subi %sign3A_397, %sign3A_400 : i32
          %sign3A_402 = arith.constant 0 : i32
          %sign3A_403 = arith.cmpi sgt, %jit3A_395, %sign3A_402 : i32
          %sign3A_404 = arith.extui %sign3A_403 : i1 to i32
          %sign3A_405 = arith.constant 0 : i32
          %sign3A_406 = arith.cmpi slt, %jit3A_395, %sign3A_405 : i32
          %sign3A_407 = arith.extui %sign3A_406 : i1 to i32
          %sign3A_408 = arith.subi %sign3A_404, %sign3A_407 : i32
          %ne3A_409 = arith.cmpi ne, %sign3A_401, %sign3A_408 : i32
          %rem3A_410 = arith.remsi %add3A_394, %jit3A_395 : i32
          %ne3A_411 = arith.constant 0 : i32
          %ne3A_412 = arith.cmpi ne, %rem3A_410, %ne3A_411 : i32
          %and3A_413 = arith.andi %ne3A_409, %ne3A_412 : i1
          %sub3A_414 = arith.constant 1 : i32
          %sub3A_415 = arith.subi %div3A, %sub3A_414 : i32
          %select_n3A_416 = arith.select %and3A_413, %sub3A_415, %div3A : i32
          %jit3A_417 = arith.constant 2 : i32
          %eq3A_418 = arith.constant 0 : i32
          %eq3A_419 = arith.cmpi eq, %jit3A_417, %eq3A_418 : i32
          %jit3A_420 = arith.constant 1 : i32
          %select_n3A_421 = arith.select %eq3A_419, %jit3A_420, %jit3A_417 : i32
          %rem3A_422 = arith.remsi %select_n3A_416, %select_n3A_421 : i32
          %ne3A_423 = arith.constant 0 : i32
          %ne3A_424 = arith.cmpi ne, %rem3A_422, %ne3A_423 : i32
          %lt3A_425 = arith.constant 0 : i32
          %lt3A_426 = arith.cmpi slt, %rem3A_422, %lt3A_425 : i32
          %lt3A_427 = arith.constant 0 : i32
          %lt3A_428 = arith.cmpi slt, %select_n3A_421, %lt3A_427 : i32
          %ne3A_429 = arith.xori %lt3A_426, %lt3A_428 : i1
          %and3A_430 = arith.andi %ne3A_429, %ne3A_424 : i1
          %add3A_431 = arith.addi %rem3A_422, %select_n3A_421 : i32
          %select_n3A_432 = arith.select %and3A_430, %add3A_431, %rem3A_422 : i32
          %mul3A_433 = arith.constant 10 : i32
          %mul3A_434 = arith.muli %select_n3A_432, %mul3A_433 : i32
          "tpu.region"() ({
            %run_scoped3A_435 = tpu.sem_alloc : memref<!tpu.dma_semaphore, #tpu.memory_space<semaphore_mem>>
            %dma_start3A_436 = arith.constant 0 : i32
            %dma_start3A_437 = tpu.memref_slice %arg5[%mul3A_434, %dma_start3A_436] : memref<20x80xi32, #tpu.memory_space<vmem>> -> memref<10x80xi32, #tpu.memory_space<vmem>>
            %dma_start3A_438 = arith.constant 0 : i32
            %dma_start3A_439 = arith.constant 0 : i32
            %dma_start3A_440 = tpu.memref_slice %arg3[%add3A, %select_n3A_416, %dma_start3A_438, %dma_start3A_439] : memref<32x25x10x80xi32, #tpu.memory_space<hbm>> -> memref<1x1x10x80xi32, #tpu.memory_space<hbm>>
            %dma_start3A_441 = tpu.memref_squeeze %dma_start3A_440 : memref<1x1x10x80xi32, #tpu.memory_space<hbm>> -> memref<10x80xi32, #tpu.memory_space<hbm>>
            %dma_start3A_442 = arith.constant 0 : i32
            %dma_start3A_443 = tpu.memref_slice %arg5[%mul3A_434, %dma_start3A_442] : memref<20x80xi32, #tpu.memory_space<vmem>> -> memref<10x80xi32, #tpu.memory_space<vmem>>
            %dma_start3A_444 = arith.constant 0 : i32
            %dma_start3A_445 = arith.constant 0 : i32
            %dma_start3A_446 = tpu.memref_slice %arg3[%add3A, %select_n3A_416, %dma_start3A_444, %dma_start3A_445] : memref<32x25x10x80xi32, #tpu.memory_space<hbm>> -> memref<1x1x10x80xi32, #tpu.memory_space<hbm>>
            %dma_start3A_447 = tpu.memref_squeeze %dma_start3A_446 : memref<1x1x10x80xi32, #tpu.memory_space<hbm>> -> memref<10x80xi32, #tpu.memory_space<hbm>>
            tpu.enqueue_dma source(%dma_start3A_447 : memref<10x80xi32, #tpu.memory_space<hbm>>) target(%dma_start3A_443 : memref<10x80xi32, #tpu.memory_space<vmem>>) target_semaphore(%run_scoped3A_435 : memref<!tpu.dma_semaphore, #tpu.memory_space<semaphore_mem>>)
            %dma_wait3A_448 = arith.constant 0 : i32
            %dma_wait3A_449 = tpu.memref_slice %arg5[%mul3A_434, %dma_wait3A_448] : memref<20x80xi32, #tpu.memory_space<vmem>> -> memref<10x80xi32, #tpu.memory_space<vmem>>
            %dma_wait3A_450 = arith.constant 0 : i32
            %dma_wait3A_451 = arith.constant 0 : i32
            %dma_wait3A_452 = tpu.memref_slice %arg3[%add3A, %select_n3A_416, %dma_wait3A_450, %dma_wait3A_451] : memref<32x25x10x80xi32, #tpu.memory_space<hbm>> -> memref<1x1x10x80xi32, #tpu.memory_space<hbm>>
            %dma_wait3A_453 = tpu.memref_squeeze %dma_wait3A_452 : memref<1x1x10x80xi32, #tpu.memory_space<hbm>> -> memref<10x80xi32, #tpu.memory_space<hbm>>
            %dma_wait3A_454 = arith.constant 0 : i32
            %dma_wait3A_455 = tpu.memref_slice %arg5[%mul3A_434, %dma_wait3A_454] : memref<20x80xi32, #tpu.memory_space<vmem>> -> memref<10x80xi32, #tpu.memory_space<vmem>>
            %dma_wait3A_456 = arith.constant 0 : i32
            %dma_wait3A_457 = arith.constant 0 : i32
            %dma_wait3A_458 = tpu.memref_slice %arg3[%add3A, %select_n3A_416, %dma_wait3A_456, %dma_wait3A_457] : memref<32x25x10x80xi32, #tpu.memory_space<hbm>> -> memref<1x1x10x80xi32, #tpu.memory_space<hbm>>
            %dma_wait3A_459 = tpu.memref_squeeze %dma_wait3A_458 : memref<1x1x10x80xi32, #tpu.memory_space<hbm>> -> memref<10x80xi32, #tpu.memory_space<hbm>>
            tpu.wait_dma2 semaphore(%run_scoped3A_435 : memref<!tpu.dma_semaphore, #tpu.memory_space<semaphore_mem>>) src(%dma_wait3A_459 : memref<10x80xi32, #tpu.memory_space<hbm>>) dst(%dma_wait3A_455 : memref<10x80xi32, #tpu.memory_space<vmem>>)
            tpu.yield
          }) : () -> ()
        } else {
        }
        %add3A_369 = arith.constant 2 : i32
        %add3A_370 = arith.addi %add3A_298, %add3A_369 : i32
        %jit3A_371 = arith.constant 20 : i32
        %eq3A_372 = arith.constant 0 : i32
        %eq3A_373 = arith.cmpi eq, %jit3A_371, %eq3A_372 : i32
        %jit3A_374 = arith.constant 1 : i32
        %select_n3A_375 = arith.select %eq3A_373, %jit3A_374, %jit3A_371 : i32
        %rem3A_376 = arith.remsi %add3A_370, %select_n3A_375 : i32
        %ne3A_377 = arith.constant 0 : i32
        %ne3A_378 = arith.cmpi ne, %rem3A_376, %ne3A_377 : i32
        %lt3A_379 = arith.constant 0 : i32
        %lt3A_380 = arith.cmpi slt, %rem3A_376, %lt3A_379 : i32
        %lt3A_381 = arith.constant 0 : i32
        %lt3A_382 = arith.cmpi slt, %select_n3A_375, %lt3A_381 : i32
        %ne3A_383 = arith.xori %lt3A_380, %lt3A_382 : i1
        %and3A_384 = arith.andi %ne3A_383, %ne3A_378 : i1
        %add3A_385 = arith.addi %rem3A_376, %select_n3A_375 : i32
        %select_n3A_386 = arith.select %and3A_384, %add3A_385, %rem3A_376 : i32
        %dma_start3A_387 = arith.constant 0 : i32
        %dma_start3A_388 = tpu.memref_slice %arg5[%select_n3A_386, %dma_start3A_387] : memref<20x80xi32, #tpu.memory_space<vmem>> -> memref<1x80xi32, #tpu.memory_space<vmem>>
        %dma_start3A_389 = tpu.memref_squeeze %dma_start3A_388 : memref<1x80xi32, #tpu.memory_space<vmem>> -> memref<80xi32, #tpu.memory_space<vmem>>
        %dma_start3A_390 = arith.constant 0 : i32
        %dma_start3A_391 = arith.constant 0 : i32
        %dma_start3A_392 = tpu.memref_slice %arg2[%dma_start3A_390, %dma_start3A_391] : memref<10000x128xf32, #tpu.memory_space<hbm>> -> memref<10000x128xf32, #tpu.memory_space<hbm>>
        tpu.enqueue_indirect_dma source(%dma_start3A_392 : memref<10000x128xf32, #tpu.memory_space<hbm>>) target(%arg9 : memref<80x128xf32, #tpu.memory_space<vmem>>) offsets(%dma_start3A_389 : memref<80xi32, #tpu.memory_space<vmem>>) semaphore(%arg14 : memref<!tpu.dma_semaphore, #tpu.memory_space<semaphore_mem>>)
      } else {
      }
      %scan3A_330 = arith.constant 0 : i32
      %scan3A_331 = arith.constant 0 : i32
      %scan3A_332 = arith.constant 40 : i32
      %scan3A_333 = arith.addi %scan3A_331, %scan3A_332 : i32
      %scan3A_334 = arith.constant 2 : i32
      scf.for %scan3A_351 = %scan3A_331 to %scan3A_333 step %scan3A_334  : i32 {
        %get3A = arith.index_cast %scan3A_351 : i32 to index
        %get3A_352 = arith.constant 0 : index
        %get3A_353 = tpu.vector_load %arg7[%get3A, %get3A_352] {strides = array<i32>} : memref<80x128xf32, #tpu.memory_space<vmem>>, vector<1x16xf32>,
        %get3A_354 = vector.shape_cast %get3A_353 : vector<1x16xf32> to vector<16xf32>
        %add3A_355 = arith.constant 40 : i32
        %add3A_356 = arith.addi %scan3A_351, %add3A_355 : i32
        %get3A_357 = arith.index_cast %add3A_356 : i32 to index
        %get3A_358 = arith.constant 0 : index
        %get3A_359 = tpu.vector_load %arg7[%get3A_357, %get3A_358] {strides = array<i32>} : memref<80x128xf32, #tpu.memory_space<vmem>>, vector<1x16xf32>,
        %get3A_360 = vector.shape_cast %get3A_359 : vector<1x16xf32> to vector<16xf32>
        %mul3A_361 = arith.mulf %get3A_354, %get3A_360 : vector<16xf32>
        %swap3A = arith.index_cast %scan3A_351 : i32 to index
        %swap3A_362 = arith.constant 0 : index
        %swap3A_363 = tpu.vector_load %arg7[%swap3A, %swap3A_362] {strides = array<i32>} : memref<80x128xf32, #tpu.memory_space<vmem>>, vector<1x16xf32>,
        %swap3A_364 = vector.shape_cast %swap3A_363 : vector<1x16xf32> to vector<16xf32>
        %swap3A_365 = vector.shape_cast %mul3A_361 : vector<16xf32> to vector<1x16xf32>
        tpu.vector_store %arg7[%swap3A, %swap3A_362], %swap3A_365 {strides = array<i32>} : memref<80x128xf32, #tpu.memory_space<vmem>>, vector<1x16xf32>,
        %get3A_366 = arith.index_cast %scan3A_351 : i32 to index
        %get3A_367 = arith.constant 16 : index
        %get3A_368 = tpu.vector_load %arg7[%get3A_366, %get3A_367] {strides = array<i32>} : memref<80x128xf32, #tpu.memory_space<vmem>>, vector<1x16xf32>,
        %get3A_369 = vector.shape_cast %get3A_368 : vector<1x16xf32> to vector<16xf32>
        %add3A_370 = arith.constant 40 : i32
        %add3A_371 = arith.addi %scan3A_351, %add3A_370 : i32
        %get3A_372 = arith.index_cast %add3A_371 : i32 to index
        %get3A_373 = arith.constant 16 : index
        %get3A_374 = tpu.vector_load %arg7[%get3A_372, %get3A_373] {strides = array<i32>} : memref<80x128xf32, #tpu.memory_space<vmem>>, vector<1x16xf32>,
        %get3A_375 = vector.shape_cast %get3A_374 : vector<1x16xf32> to vector<16xf32>
        %mul3A_376 = arith.mulf %get3A_369, %get3A_375 : vector<16xf32>
        %swap3A_377 = arith.index_cast %scan3A_351 : i32 to index
        %swap3A_378 = arith.constant 16 : index
        %swap3A_379 = tpu.vector_load %arg7[%swap3A_377, %swap3A_378] {strides = array<i32>} : memref<80x128xf32, #tpu.memory_space<vmem>>, vector<1x16xf32>,
        %swap3A_380 = vector.shape_cast %swap3A_379 : vector<1x16xf32> to vector<16xf32>
        %swap3A_381 = vector.shape_cast %mul3A_376 : vector<16xf32> to vector<1x16xf32>
        tpu.vector_store %arg7[%swap3A_377, %swap3A_378], %swap3A_381 {strides = array<i32>} : memref<80x128xf32, #tpu.memory_space<vmem>>, vector<1x16xf32>,
        %get3A_382 = arith.index_cast %scan3A_351 : i32 to index
        %get3A_383 = arith.constant 32 : index
        %get3A_384 = tpu.vector_load %arg7[%get3A_382, %get3A_383] {strides = array<i32>} : memref<80x128xf32, #tpu.memory_space<vmem>>, vector<1x16xf32>,
        %get3A_385 = vector.shape_cast %get3A_384 : vector<1x16xf32> to vector<16xf32>
        %add3A_386 = arith.constant 40 : i32
        %add3A_387 = arith.addi %scan3A_351, %add3A_386 : i32
        %get3A_388 = arith.index_cast %add3A_387 : i32 to index
        %get3A_389 = arith.constant 32 : index
        %get3A_390 = tpu.vector_load %arg7[%get3A_388, %get3A_389] {strides = array<i32>} : memref<80x128xf32, #tpu.memory_space<vmem>>, vector<1x16xf32>,
        %get3A_391 = vector.shape_cast %get3A_390 : vector<1x16xf32> to vector<16xf32>
        %mul3A_392 = arith.mulf %get3A_385, %get3A_391 : vector<16xf32>
        %swap3A_393 = arith.index_cast %scan3A_351 : i32 to index
        %swap3A_394 = arith.constant 32 : index
        %swap3A_395 = tpu.vector_load %arg7[%swap3A_393, %swap3A_394] {strides = array<i32>} : memref<80x128xf32, #tpu.memory_space<vmem>>, vector<1x16xf32>,
        %swap3A_396 = vector.shape_cast %swap3A_395 : vector<1x16xf32> to vector<16xf32>
        %swap3A_397 = vector.shape_cast %mul3A_392 : vector<16xf32> to vector<1x16xf32>
        tpu.vector_store %arg7[%swap3A_393, %swap3A_394], %swap3A_397 {strides = array<i32>} : memref<80x128xf32, #tpu.memory_space<vmem>>, vector<1x16xf32>,
        %get3A_398 = arith.index_cast %scan3A_351 : i32 to index
        %get3A_399 = arith.constant 48 : index
        %get3A_400 = tpu.vector_load %arg7[%get3A_398, %get3A_399] {strides = array<i32>} : memref<80x128xf32, #tpu.memory_space<vmem>>, vector<1x16xf32>,
        %get3A_401 = vector.shape_cast %get3A_400 : vector<1x16xf32> to vector<16xf32>
        %add3A_402 = arith.constant 40 : i32
        %add3A_403 = arith.addi %scan3A_351, %add3A_402 : i32
        %get3A_404 = arith.index_cast %add3A_403 : i32 to index
        %get3A_405 = arith.constant 48 : index
        %get3A_406 = tpu.vector_load %arg7[%get3A_404, %get3A_405] {strides = array<i32>} : memref<80x128xf32, #tpu.memory_space<vmem>>, vector<1x16xf32>,
        %get3A_407 = vector.shape_cast %get3A_406 : vector<1x16xf32> to vector<16xf32>
        %mul3A_408 = arith.mulf %get3A_401, %get3A_407 : vector<16xf32>
        %swap3A_409 = arith.index_cast %scan3A_351 : i32 to index
        %swap3A_410 = arith.constant 48 : index
        %swap3A_411 = tpu.vector_load %arg7[%swap3A_409, %swap3A_410] {strides = array<i32>} : memref<80x128xf32, #tpu.memory_space<vmem>>, vector<1x16xf32>,
        %swap3A_412 = vector.shape_cast %swap3A_411 : vector<1x16xf32> to vector<16xf32>
        %swap3A_413 = vector.shape_cast %mul3A_408 : vector<16xf32> to vector<1x16xf32>
        tpu.vector_store %arg7[%swap3A_409, %swap3A_410], %swap3A_413 {strides = array<i32>} : memref<80x128xf32, #tpu.memory_space<vmem>>, vector<1x16xf32>,
        %get3A_414 = arith.index_cast %scan3A_351 : i32 to index
        %get3A_415 = arith.constant 64 : index
        %get3A_416 = tpu.vector_load %arg7[%get3A_414, %get3A_415] {strides = array<i32>} : memref<80x128xf32, #tpu.memory_space<vmem>>, vector<1x16xf32>,
        %get3A_417 = vector.shape_cast %get3A_416 : vector<1x16xf32> to vector<16xf32>
        %add3A_418 = arith.constant 40 : i32
        %add3A_419 = arith.addi %scan3A_351, %add3A_418 : i32
        %get3A_420 = arith.index_cast %add3A_419 : i32 to index
        %get3A_421 = arith.constant 64 : index
        %get3A_422 = tpu.vector_load %arg7[%get3A_420, %get3A_421] {strides = array<i32>} : memref<80x128xf32, #tpu.memory_space<vmem>>, vector<1x16xf32>,
        %get3A_423 = vector.shape_cast %get3A_422 : vector<1x16xf32> to vector<16xf32>
        %mul3A_424 = arith.mulf %get3A_417, %get3A_423 : vector<16xf32>
        %swap3A_425 = arith.index_cast %scan3A_351 : i32 to index
        %swap3A_426 = arith.constant 64 : index
        %swap3A_427 = tpu.vector_load %arg7[%swap3A_425, %swap3A_426] {strides = array<i32>} : memref<80x128xf32, #tpu.memory_space<vmem>>, vector<1x16xf32>,
        %swap3A_428 = vector.shape_cast %swap3A_427 : vector<1x16xf32> to vector<16xf32>
        %swap3A_429 = vector.shape_cast %mul3A_424 : vector<16xf32> to vector<1x16xf32>
        tpu.vector_store %arg7[%swap3A_425, %swap3A_426], %swap3A_429 {strides = array<i32>} : memref<80x128xf32, #tpu.memory_space<vmem>>, vector<1x16xf32>,
        %get3A_430 = arith.index_cast %scan3A_351 : i32 to index
        %get3A_431 = arith.constant 80 : index
        %get3A_432 = tpu.vector_load %arg7[%get3A_430, %get3A_431] {strides = array<i32>} : memref<80x128xf32, #tpu.memory_space<vmem>>, vector<1x16xf32>,
        %get3A_433 = vector.shape_cast %get3A_432 : vector<1x16xf32> to vector<16xf32>
        %add3A_434 = arith.constant 40 : i32
        %add3A_435 = arith.addi %scan3A_351, %add3A_434 : i32
        %get3A_436 = arith.index_cast %add3A_435 : i32 to index
        %get3A_437 = arith.constant 80 : index
        %get3A_438 = tpu.vector_load %arg7[%get3A_436, %get3A_437] {strides = array<i32>} : memref<80x128xf32, #tpu.memory_space<vmem>>, vector<1x16xf32>,
        %get3A_439 = vector.shape_cast %get3A_438 : vector<1x16xf32> to vector<16xf32>
        %mul3A_440 = arith.mulf %get3A_433, %get3A_439 : vector<16xf32>
        %swap3A_441 = arith.index_cast %scan3A_351 : i32 to index
        %swap3A_442 = arith.constant 80 : index
        %swap3A_443 = tpu.vector_load %arg7[%swap3A_441, %swap3A_442] {strides = array<i32>} : memref<80x128xf32, #tpu.memory_space<vmem>>, vector<1x16xf32>,
        %swap3A_444 = vector.shape_cast %swap3A_443 : vector<1x16xf32> to vector<16xf32>
        %swap3A_445 = vector.shape_cast %mul3A_440 : vector<16xf32> to vector<1x16xf32>
        tpu.vector_store %arg7[%swap3A_441, %swap3A_442], %swap3A_445 {strides = array<i32>} : memref<80x128xf32, #tpu.memory_space<vmem>>, vector<1x16xf32>,
        %get3A_446 = arith.index_cast %scan3A_351 : i32 to index
        %get3A_447 = arith.constant 96 : index
        %get3A_448 = tpu.vector_load %arg7[%get3A_446, %get3A_447] {strides = array<i32>} : memref<80x128xf32, #tpu.memory_space<vmem>>, vector<1x16xf32>,
        %get3A_449 = vector.shape_cast %get3A_448 : vector<1x16xf32> to vector<16xf32>
        %add3A_450 = arith.constant 40 : i32
        %add3A_451 = arith.addi %scan3A_351, %add3A_450 : i32
        %get3A_452 = arith.index_cast %add3A_451 : i32 to index
        %get3A_453 = arith.constant 96 : index
        %get3A_454 = tpu.vector_load %arg7[%get3A_452, %get3A_453] {strides = array<i32>} : memref<80x128xf32, #tpu.memory_space<vmem>>, vector<1x16xf32>,
        %get3A_455 = vector.shape_cast %get3A_454 : vector<1x16xf32> to vector<16xf32>
        %mul3A_456 = arith.mulf %get3A_449, %get3A_455 : vector<16xf32>
        %swap3A_457 = arith.index_cast %scan3A_351 : i32 to index
        %swap3A_458 = arith.constant 96 : index
        %swap3A_459 = tpu.vector_load %arg7[%swap3A_457, %swap3A_458] {strides = array<i32>} : memref<80x128xf32, #tpu.memory_space<vmem>>, vector<1x16xf32>,
        %swap3A_460 = vector.shape_cast %swap3A_459 : vector<1x16xf32> to vector<16xf32>
        %swap3A_461 = vector.shape_cast %mul3A_456 : vector<16xf32> to vector<1x16xf32>
        tpu.vector_store %arg7[%swap3A_457, %swap3A_458], %swap3A_461 {strides = array<i32>} : memref<80x128xf32, #tpu.memory_space<vmem>>, vector<1x16xf32>,
        %get3A_462 = arith.index_cast %scan3A_351 : i32 to index
        %get3A_463 = arith.constant 112 : index
        %get3A_464 = tpu.vector_load %arg7[%get3A_462, %get3A_463] {strides = array<i32>} : memref<80x128xf32, #tpu.memory_space<vmem>>, vector<1x16xf32>,
        %get3A_465 = vector.shape_cast %get3A_464 : vector<1x16xf32> to vector<16xf32>
        %add3A_466 = arith.constant 40 : i32
        %add3A_467 = arith.addi %scan3A_351, %add3A_466 : i32
        %get3A_468 = arith.index_cast %add3A_467 : i32 to index
        %get3A_469 = arith.constant 112 : index
        %get3A_470 = tpu.vector_load %arg7[%get3A_468, %get3A_469] {strides = array<i32>} : memref<80x128xf32, #tpu.memory_space<vmem>>, vector<1x16xf32>,
        %get3A_471 = vector.shape_cast %get3A_470 : vector<1x16xf32> to vector<16xf32>
        %mul3A_472 = arith.mulf %get3A_465, %get3A_471 : vector<16xf32>
        %swap3A_473 = arith.index_cast %scan3A_351 : i32 to index
        %swap3A_474 = arith.constant 112 : index
        %swap3A_475 = tpu.vector_load %arg7[%swap3A_473, %swap3A_474] {strides = array<i32>} : memref<80x128xf32, #tpu.memory_space<vmem>>, vector<1x16xf32>,
        %swap3A_476 = vector.shape_cast %swap3A_475 : vector<1x16xf32> to vector<16xf32>
        %swap3A_477 = vector.shape_cast %mul3A_472 : vector<16xf32> to vector<1x16xf32>
        tpu.vector_store %arg7[%swap3A_473, %swap3A_474], %swap3A_477 {strides = array<i32>} : memref<80x128xf32, #tpu.memory_space<vmem>>, vector<1x16xf32>,
        %scan3A_478 = arith.constant 1 : i32
        %scan3A_479 = arith.addi %scan3A_351, %scan3A_478 : i32
        %get3A_480 = arith.index_cast %scan3A_479 : i32 to index
        %get3A_481 = arith.constant 0 : index
        %get3A_482 = tpu.vector_load %arg7[%get3A_480, %get3A_481] {strides = array<i32>} : memref<80x128xf32, #tpu.memory_space<vmem>>, vector<1x16xf32>,
        %get3A_483 = vector.shape_cast %get3A_482 : vector<1x16xf32> to vector<16xf32>
        %add3A_484 = arith.constant 40 : i32
        %add3A_485 = arith.addi %scan3A_479, %add3A_484 : i32
        %get3A_486 = arith.index_cast %add3A_485 : i32 to index
        %get3A_487 = arith.constant 0 : index
        %get3A_488 = tpu.vector_load %arg7[%get3A_486, %get3A_487] {strides = array<i32>} : memref<80x128xf32, #tpu.memory_space<vmem>>, vector<1x16xf32>,
        %get3A_489 = vector.shape_cast %get3A_488 : vector<1x16xf32> to vector<16xf32>
        %mul3A_490 = arith.mulf %get3A_483, %get3A_489 : vector<16xf32>
        %swap3A_491 = arith.index_cast %scan3A_479 : i32 to index
        %swap3A_492 = arith.constant 0 : index
        %swap3A_493 = tpu.vector_load %arg7[%swap3A_491, %swap3A_492] {strides = array<i32>} : memref<80x128xf32, #tpu.memory_space<vmem>>, vector<1x16xf32>,
        %swap3A_494 = vector.shape_cast %swap3A_493 : vector<1x16xf32> to vector<16xf32>
        %swap3A_495 = vector.shape_cast %mul3A_490 : vector<16xf32> to vector<1x16xf32>
        tpu.vector_store %arg7[%swap3A_491, %swap3A_492], %swap3A_495 {strides = array<i32>} : memref<80x128xf32, #tpu.memory_space<vmem>>, vector<1x16xf32>,
        %get3A_496 = arith.index_cast %scan3A_479 : i32 to index
        %get3A_497 = arith.constant 16 : index
        %get3A_498 = tpu.vector_load %arg7[%get3A_496, %get3A_497] {strides = array<i32>} : memref<80x128xf32, #tpu.memory_space<vmem>>, vector<1x16xf32>,
        %get3A_499 = vector.shape_cast %get3A_498 : vector<1x16xf32> to vector<16xf32>
        %add3A_500 = arith.constant 40 : i32
        %add3A_501 = arith.addi %scan3A_479, %add3A_500 : i32
        %get3A_502 = arith.index_cast %add3A_501 : i32 to index
        %get3A_503 = arith.constant 16 : index
        %get3A_504 = tpu.vector_load %arg7[%get3A_502, %get3A_503] {strides = array<i32>} : memref<80x128xf32, #tpu.memory_space<vmem>>, vector<1x16xf32>,
        %get3A_505 = vector.shape_cast %get3A_504 : vector<1x16xf32> to vector<16xf32>
        %mul3A_506 = arith.mulf %get3A_499, %get3A_505 : vector<16xf32>
        %swap3A_507 = arith.index_cast %scan3A_479 : i32 to index
        %swap3A_508 = arith.constant 16 : index
        %swap3A_509 = tpu.vector_load %arg7[%swap3A_507, %swap3A_508] {strides = array<i32>} : memref<80x128xf32, #tpu.memory_space<vmem>>, vector<1x16xf32>,
        %swap3A_510 = vector.shape_cast %swap3A_509 : vector<1x16xf32> to vector<16xf32>
        %swap3A_511 = vector.shape_cast %mul3A_506 : vector<16xf32> to vector<1x16xf32>
        tpu.vector_store %arg7[%swap3A_507, %swap3A_508], %swap3A_511 {strides = array<i32>} : memref<80x128xf32, #tpu.memory_space<vmem>>, vector<1x16xf32>,
        %get3A_512 = arith.index_cast %scan3A_479 : i32 to index
        %get3A_513 = arith.constant 32 : index
        %get3A_514 = tpu.vector_load %arg7[%get3A_512, %get3A_513] {strides = array<i32>} : memref<80x128xf32, #tpu.memory_space<vmem>>, vector<1x16xf32>,
        %get3A_515 = vector.shape_cast %get3A_514 : vector<1x16xf32> to vector<16xf32>
        %add3A_516 = arith.constant 40 : i32
        %add3A_517 = arith.addi %scan3A_479, %add3A_516 : i32
        %get3A_518 = arith.index_cast %add3A_517 : i32 to index
        %get3A_519 = arith.constant 32 : index
        %get3A_520 = tpu.vector_load %arg7[%get3A_518, %get3A_519] {strides = array<i32>} : memref<80x128xf32, #tpu.memory_space<vmem>>, vector<1x16xf32>,
        %get3A_521 = vector.shape_cast %get3A_520 : vector<1x16xf32> to vector<16xf32>
        %mul3A_522 = arith.mulf %get3A_515, %get3A_521 : vector<16xf32>
        %swap3A_523 = arith.index_cast %scan3A_479 : i32 to index
        %swap3A_524 = arith.constant 32 : index
        %swap3A_525 = tpu.vector_load %arg7[%swap3A_523, %swap3A_524] {strides = array<i32>} : memref<80x128xf32, #tpu.memory_space<vmem>>, vector<1x16xf32>,
        %swap3A_526 = vector.shape_cast %swap3A_525 : vector<1x16xf32> to vector<16xf32>
        %swap3A_527 = vector.shape_cast %mul3A_522 : vector<16xf32> to vector<1x16xf32>
        tpu.vector_store %arg7[%swap3A_523, %swap3A_524], %swap3A_527 {strides = array<i32>} : memref<80x128xf32, #tpu.memory_space<vmem>>, vector<1x16xf32>,
        %get3A_528 = arith.index_cast %scan3A_479 : i32 to index
        %get3A_529 = arith.constant 48 : index
        %get3A_530 = tpu.vector_load %arg7[%get3A_528, %get3A_529] {strides = array<i32>} : memref<80x128xf32, #tpu.memory_space<vmem>>, vector<1x16xf32>,
        %get3A_531 = vector.shape_cast %get3A_530 : vector<1x16xf32> to vector<16xf32>
        %add3A_532 = arith.constant 40 : i32
        %add3A_533 = arith.addi %scan3A_479, %add3A_532 : i32
        %get3A_534 = arith.index_cast %add3A_533 : i32 to index
        %get3A_535 = arith.constant 48 : index
        %get3A_536 = tpu.vector_load %arg7[%get3A_534, %get3A_535] {strides = array<i32>} : memref<80x128xf32, #tpu.memory_space<vmem>>, vector<1x16xf32>,
        %get3A_537 = vector.shape_cast %get3A_536 : vector<1x16xf32> to vector<16xf32>
        %mul3A_538 = arith.mulf %get3A_531, %get3A_537 : vector<16xf32>
        %swap3A_539 = arith.index_cast %scan3A_479 : i32 to index
        %swap3A_540 = arith.constant 48 : index
        %swap3A_541 = tpu.vector_load %arg7[%swap3A_539, %swap3A_540] {strides = array<i32>} : memref<80x128xf32, #tpu.memory_space<vmem>>, vector<1x16xf32>,
        %swap3A_542 = vector.shape_cast %swap3A_541 : vector<1x16xf32> to vector<16xf32>
        %swap3A_543 = vector.shape_cast %mul3A_538 : vector<16xf32> to vector<1x16xf32>
        tpu.vector_store %arg7[%swap3A_539, %swap3A_540], %swap3A_543 {strides = array<i32>} : memref<80x128xf32, #tpu.memory_space<vmem>>, vector<1x16xf32>,
        %get3A_544 = arith.index_cast %scan3A_479 : i32 to index
        %get3A_545 = arith.constant 64 : index
        %get3A_546 = tpu.vector_load %arg7[%get3A_544, %get3A_545] {strides = array<i32>} : memref<80x128xf32, #tpu.memory_space<vmem>>, vector<1x16xf32>,
        %get3A_547 = vector.shape_cast %get3A_546 : vector<1x16xf32> to vector<16xf32>
        %add3A_548 = arith.constant 40 : i32
        %add3A_549 = arith.addi %scan3A_479, %add3A_548 : i32
        %get3A_550 = arith.index_cast %add3A_549 : i32 to index
        %get3A_551 = arith.constant 64 : index
        %get3A_552 = tpu.vector_load %arg7[%get3A_550, %get3A_551] {strides = array<i32>} : memref<80x128xf32, #tpu.memory_space<vmem>>, vector<1x16xf32>,
        %get3A_553 = vector.shape_cast %get3A_552 : vector<1x16xf32> to vector<16xf32>
        %mul3A_554 = arith.mulf %get3A_547, %get3A_553 : vector<16xf32>
        %swap3A_555 = arith.index_cast %scan3A_479 : i32 to index
        %swap3A_556 = arith.constant 64 : index
        %swap3A_557 = tpu.vector_load %arg7[%swap3A_555, %swap3A_556] {strides = array<i32>} : memref<80x128xf32, #tpu.memory_space<vmem>>, vector<1x16xf32>,
        %swap3A_558 = vector.shape_cast %swap3A_557 : vector<1x16xf32> to vector<16xf32>
        %swap3A_559 = vector.shape_cast %mul3A_554 : vector<16xf32> to vector<1x16xf32>
        tpu.vector_store %arg7[%swap3A_555, %swap3A_556], %swap3A_559 {strides = array<i32>} : memref<80x128xf32, #tpu.memory_space<vmem>>, vector<1x16xf32>,
        %get3A_560 = arith.index_cast %scan3A_479 : i32 to index
        %get3A_561 = arith.constant 80 : index
        %get3A_562 = tpu.vector_load %arg7[%get3A_560, %get3A_561] {strides = array<i32>} : memref<80x128xf32, #tpu.memory_space<vmem>>, vector<1x16xf32>,
        %get3A_563 = vector.shape_cast %get3A_562 : vector<1x16xf32> to vector<16xf32>
        %add3A_564 = arith.constant 40 : i32
        %add3A_565 = arith.addi %scan3A_479, %add3A_564 : i32
        %get3A_566 = arith.index_cast %add3A_565 : i32 to index
        %get3A_567 = arith.constant 80 : index
        %get3A_568 = tpu.vector_load %arg7[%get3A_566, %get3A_567] {strides = array<i32>} : memref<80x128xf32, #tpu.memory_space<vmem>>, vector<1x16xf32>,
        %get3A_569 = vector.shape_cast %get3A_568 : vector<1x16xf32> to vector<16xf32>
        %mul3A_570 = arith.mulf %get3A_563, %get3A_569 : vector<16xf32>
        %swap3A_571 = arith.index_cast %scan3A_479 : i32 to index
        %swap3A_572 = arith.constant 80 : index
        %swap3A_573 = tpu.vector_load %arg7[%swap3A_571, %swap3A_572] {strides = array<i32>} : memref<80x128xf32, #tpu.memory_space<vmem>>, vector<1x16xf32>,
        %swap3A_574 = vector.shape_cast %swap3A_573 : vector<1x16xf32> to vector<16xf32>
        %swap3A_575 = vector.shape_cast %mul3A_570 : vector<16xf32> to vector<1x16xf32>
        tpu.vector_store %arg7[%swap3A_571, %swap3A_572], %swap3A_575 {strides = array<i32>} : memref<80x128xf32, #tpu.memory_space<vmem>>, vector<1x16xf32>,
        %get3A_576 = arith.index_cast %scan3A_479 : i32 to index
        %get3A_577 = arith.constant 96 : index
        %get3A_578 = tpu.vector_load %arg7[%get3A_576, %get3A_577] {strides = array<i32>} : memref<80x128xf32, #tpu.memory_space<vmem>>, vector<1x16xf32>,
        %get3A_579 = vector.shape_cast %get3A_578 : vector<1x16xf32> to vector<16xf32>
        %add3A_580 = arith.constant 40 : i32
        %add3A_581 = arith.addi %scan3A_479, %add3A_580 : i32
        %get3A_582 = arith.index_cast %add3A_581 : i32 to index
        %get3A_583 = arith.constant 96 : index
        %get3A_584 = tpu.vector_load %arg7[%get3A_582, %get3A_583] {strides = array<i32>} : memref<80x128xf32, #tpu.memory_space<vmem>>, vector<1x16xf32>,
        %get3A_585 = vector.shape_cast %get3A_584 : vector<1x16xf32> to vector<16xf32>
        %mul3A_586 = arith.mulf %get3A_579, %get3A_585 : vector<16xf32>
        %swap3A_587 = arith.index_cast %scan3A_479 : i32 to index
        %swap3A_588 = arith.constant 96 : index
        %swap3A_589 = tpu.vector_load %arg7[%swap3A_587, %swap3A_588] {strides = array<i32>} : memref<80x128xf32, #tpu.memory_space<vmem>>, vector<1x16xf32>,
        %swap3A_590 = vector.shape_cast %swap3A_589 : vector<1x16xf32> to vector<16xf32>
        %swap3A_591 = vector.shape_cast %mul3A_586 : vector<16xf32> to vector<1x16xf32>
        tpu.vector_store %arg7[%swap3A_587, %swap3A_588], %swap3A_591 {strides = array<i32>} : memref<80x128xf32, #tpu.memory_space<vmem>>, vector<1x16xf32>,
        %get3A_592 = arith.index_cast %scan3A_479 : i32 to index
        %get3A_593 = arith.constant 112 : index
        %get3A_594 = tpu.vector_load %arg7[%get3A_592, %get3A_593] {strides = array<i32>} : memref<80x128xf32, #tpu.memory_space<vmem>>, vector<1x16xf32>,
        %get3A_595 = vector.shape_cast %get3A_594 : vector<1x16xf32> to vector<16xf32>
        %add3A_596 = arith.constant 40 : i32
        %add3A_597 = arith.addi %scan3A_479, %add3A_596 : i32
        %get3A_598 = arith.index_cast %add3A_597 : i32 to index
        %get3A_599 = arith.constant 112 : index
        %get3A_600 = tpu.vector_load %arg7[%get3A_598, %get3A_599] {strides = array<i32>} : memref<80x128xf32, #tpu.memory_space<vmem>>, vector<1x16xf32>,
        %get3A_601 = vector.shape_cast %get3A_600 : vector<1x16xf32> to vector<16xf32>
        %mul3A_602 = arith.mulf %get3A_595, %get3A_601 : vector<16xf32>
        %swap3A_603 = arith.index_cast %scan3A_479 : i32 to index
        %swap3A_604 = arith.constant 112 : index
        %swap3A_605 = tpu.vector_load %arg7[%swap3A_603, %swap3A_604] {strides = array<i32>} : memref<80x128xf32, #tpu.memory_space<vmem>>, vector<1x16xf32>,
        %swap3A_606 = vector.shape_cast %swap3A_605 : vector<1x16xf32> to vector<16xf32>
        %swap3A_607 = vector.shape_cast %mul3A_602 : vector<16xf32> to vector<1x16xf32>
        tpu.vector_store %arg7[%swap3A_603, %swap3A_604], %swap3A_607 {strides = array<i32>} : memref<80x128xf32, #tpu.memory_space<vmem>>, vector<1x16xf32>,
      }
      %scan3A_335 = arith.constant 40 : i32
      %mul3A_336 = arith.constant 10000 : i32
      %mul3A_337 = arith.muli %add3A, %mul3A_336 : i32
      %mul3A_338 = arith.constant 40 : i32
      %mul3A_339 = arith.muli %add3A_298, %mul3A_338 : i32
      %add3A_340 = arith.addi %mul3A_337, %mul3A_339 : i32
      %dma_start3A_341 = arith.constant 0 : i32
      %dma_start3A_342 = arith.constant 0 : i32
      %dma_start3A_343 = tpu.memref_slice %arg7[%dma_start3A_341, %dma_start3A_342] : memref<80x128xf32, #tpu.memory_space<vmem>> -> memref<40x128xf32, #tpu.memory_space<vmem>>
      %dma_start3A_344 = arith.constant 0 : i32
      %dma_start3A_345 = tpu.memref_slice %arg4[%add3A_340, %dma_start3A_344] : memref<320000x128xf32, #tpu.memory_space<hbm>> -> memref<40x128xf32, #tpu.memory_space<hbm>>
      %dma_start3A_346 = arith.constant 0 : i32
      %dma_start3A_347 = tpu.memref_slice %arg4[%add3A_340, %dma_start3A_346] : memref<320000x128xf32, #tpu.memory_space<hbm>> -> memref<40x128xf32, #tpu.memory_space<hbm>>
      %dma_start3A_348 = arith.constant 0 : i32
      %dma_start3A_349 = arith.constant 0 : i32
      %dma_start3A_350 = tpu.memref_slice %arg7[%dma_start3A_348, %dma_start3A_349] : memref<80x128xf32, #tpu.memory_space<vmem>> -> memref<40x128xf32, #tpu.memory_space<vmem>>
      tpu.enqueue_dma source(%dma_start3A_350 : memref<40x128xf32, #tpu.memory_space<vmem>>) target(%dma_start3A_347 : memref<40x128xf32, #tpu.memory_space<hbm>>) target_semaphore(%arg16 : memref<!tpu.dma_semaphore, #tpu.memory_space<semaphore_mem>>)
    }
    %scan3A_91 = arith.constant 62 : i32
    %mul3A_92 = arith.constant 10000 : i32
    %mul3A_93 = arith.muli %add3A, %mul3A_92 : i32
    %add3A_94 = arith.constant 9920 : i32
    %add3A_95 = arith.addi %mul3A_93, %add3A_94 : i32
    %dma_wait3A_96 = arith.constant 0 : i32
    %dma_wait3A_97 = arith.constant 0 : i32
    %dma_wait3A_98 = tpu.memref_slice %arg6[%dma_wait3A_96, %dma_wait3A_97] : memref<80x128xf32, #tpu.memory_space<vmem>> -> memref<40x128xf32, #tpu.memory_space<vmem>>
    %dma_wait3A_99 = arith.constant 0 : i32
    %dma_wait3A_100 = tpu.memref_slice %arg4[%add3A_95, %dma_wait3A_99] : memref<320000x128xf32, #tpu.memory_space<hbm>> -> memref<40x128xf32, #tpu.memory_space<hbm>>
    %dma_wait3A_101 = arith.constant 0 : i32
    %dma_wait3A_102 = tpu.memref_slice %arg4[%add3A_95, %dma_wait3A_101] : memref<320000x128xf32, #tpu.memory_space<hbm>> -> memref<40x128xf32, #tpu.memory_space<hbm>>
    %dma_wait3A_103 = arith.constant 0 : i32
    %dma_wait3A_104 = arith.constant 0 : i32
    %dma_wait3A_105 = tpu.memref_slice %arg6[%dma_wait3A_103, %dma_wait3A_104] : memref<80x128xf32, #tpu.memory_space<vmem>> -> memref<40x128xf32, #tpu.memory_space<vmem>>
    tpu.wait_dma2 semaphore(%arg15 : memref<!tpu.dma_semaphore, #tpu.memory_space<semaphore_mem>>) src(%dma_wait3A_105 : memref<40x128xf32, #tpu.memory_space<vmem>>) dst(%dma_wait3A_102 : memref<40x128xf32, #tpu.memory_space<hbm>>)
    %mul3A_106 = arith.constant 10000 : i32
    %mul3A_107 = arith.muli %add3A, %mul3A_106 : i32
    %add3A_108 = arith.constant 9960 : i32
    %add3A_109 = arith.addi %mul3A_107, %add3A_108 : i32
    %dma_wait3A_110 = arith.constant 0 : i32
    %dma_wait3A_111 = arith.constant 0 : i32
    %dma_wait3A_112 = tpu.memref_slice %arg7[%dma_wait3A_110, %dma_wait3A_111] : memref<80x128xf32, #tpu.memory_space<vmem>> -> memref<40x128xf32, #tpu.memory_space<vmem>>
    %dma_wait3A_113 = arith.constant 0 : i32
    %dma_wait3A_114 = tpu.memref_slice %arg4[%add3A_109, %dma_wait3A_113] : memref<320000x128xf32, #tpu.memory_space<hbm>> -> memref<40x128xf32, #tpu.memory_space<hbm>>
    %dma_wait3A_115 = arith.constant 0 : i32
    %dma_wait3A_116 = tpu.memref_slice %arg4[%add3A_109, %dma_wait3A_115] : memref<320000x128xf32, #tpu.memory_space<hbm>> -> memref<40x128xf32, #tpu.memory_space<hbm>>
    %dma_wait3A_117 = arith.constant 0 : i32
    %dma_wait3A_118 = arith.constant 0 : i32
    %dma_wait3A_119 = tpu.memref_slice %arg7[%dma_wait3A_117, %dma_wait3A_118] : memref<80x128xf32, #tpu.memory_space<vmem>> -> memref<40x128xf32, #tpu.memory_space<vmem>>
    tpu.wait_dma2 semaphore(%arg16 : memref<!tpu.dma_semaphore, #tpu.memory_space<semaphore_mem>>) src(%dma_wait3A_119 : memref<40x128xf32, #tpu.memory_space<vmem>>) dst(%dma_wait3A_116 : memref<40x128xf32, #tpu.memory_space<hbm>>)
    return
  }
}

</mosaic_0001>

<sc_bundles>
// kernel: kernel.3.cloned.1.call-start
scs
__scs_entry_jumppad:
0x0: {  	(pc) =	sbr.rel $0x88, $3  }
0x1: {  	(tag) =	ssettag $0x0;
	lr =	simm.s32 $0x1  }
0x2: {  	[smem:$0x3F9F] =	sst lr;
	_ =	strace $0xD0000000  }
0x3: {  	_ = 	snop  }
0x4: {  	_ = 	snop  }
0x5: {  	_ = 	snop  }
0x6: {  	_ = 	snop  }
0x7: {  	_ = 	snop  }
__scs_overlays_trampoline_lowered:
0x8: {  	[smem:$0x3FAE] =	sst s0  }
0x9: {  	[smem:$0x3FAF] =	sst s1  }
0xa: {  	[smem:$0x3FB0] =	sst s2  }
0xb: {  	[smem:$0x3FB1] =	sst s3  }
0xc: {  	[smem:$0x3FB2] =	sst s4  }
0xd: {  	[smem:$0x3FB3] =	sst s5  }
0xe: {  	[smem:$0x3FB4] =	sst s6  }
0xf: {  	[smem:$0x3FB5] =	sst s7  }
0x10: {  	[smem:$0x3FB6] =	sst s8  }
0x11: {  	[smem:$0x3FB7] =	sst s9;
	s0 =	simm.s32 @!p0 $0x0  }
0x12: {  	s1 =	sld [smem:$0x3F9D];
	s0 =	simm.s32 @p0 $0x1  }
0x13: {  	[smem:$0x3FB8] =	sst s0;
	s0 =	simm.s32 @!p1 $0x0  }
0x14: {  	s2 =	sld [smem:$0x3F9C];
	s0 =	simm.s32 @p1 $0x1  }
0x15: {  	[smem:$0x3FB9] =	sst s0;
	s0 =	simm.s32 @!p2 $0x0  }
0x16: {  	s3 =	sld [smem:$0x3FDB];
	s0 =	simm.s32 @p2 $0x1  }
0x17: {  	s4 =	simm.s32 $0x1BF5;
	[smem:$0x3FBB] =	sst s0  }
0x18: {  	s0 =	sld [smem:$0x3F9E];
	_ =	swait.ge [sflag:s4], $0x0  }
0x19: {  	s7 =	sld [smem:$0x3F9F]  }
0x1a: {  	s8 =	sadd.s32 $0xFFFFE003, lr  }
0x1b: {  	s9 =	sadd.s32 $0xFFFFFEF7, lr;
	s5 =	simm.s32 $0xFFFFFFFF;
	p2 =	slt.u32 s8, $0xFFFFF086  }
0x1c: {  	p1 =	slt.u32 s9, $0xF7A;
	s5 =	simm.s32 @!p2 $0x0  }
0x1d: {  	s5 =	simm.s32 @p1 $0x1;
	p0 =	seq.s32 s7, s2  }
0x1e: {  	s7 =	smul.u32 @!p0 $0xF7A, s2;
	p2 =	seq.s32 @!p0 s5, $0x0  }
0x1f: {  	s9 =	smul.u32 $0xF7A, s1;
	s8 =	simm.s32 @!p0 $0x1BF5;
	p2 =	por !p2, p0  }
0x20: {  	[sflag:s8] =	ssyncset.s32 @!p0 $0xFFFFF086;
	s6 =	sadd.s32 @!p0 s3, s7;
	s7 =	simm.s32 @!p0 $0x108  }
0x21: {  	s3 =	sadd.s32 s3, s9;
	s6 =	sadd.s32 @!p0 $0x88, s6;
	s7 =	simm.s32 @p2 $0x1082  }
0x22: {  	[simem:s7], [sflag:s8] =	dma.local @!p0 [hbm:s6], $0xF7A  }
0x23: {  	s9 =	sor.u32 $0xD0000000, s2;
	s6 =	simm.s32 $0x108;
	_ =	swait.ge @!p0 [sflag:s8], $0x0  }
0x24: {  	s3 =	sadd.s32 $0x88, s3;
	s6 =	simm.s32 @!p1 $0x1082;
	[sflag:s4] =	ssyncset.s32 $0xFFFFF086  }
0x25: {  	[simem:s6], [sflag:s4] =	dma.local [hbm:s3], $0xF7A  }
0x26: {  	[smem:$0x3F9F] =	sst s1;
	(tag) =	ssettag s2;
	_ =	strace s9  }
0x27: {  	s1 =	sld [smem:$0x3FAF]  }
0x28: {  	s2 =	sld [smem:$0x3FB0]  }
0x29: {  	s4 =	sld [smem:$0x3FB2]  }
0x2a: {  	p0 =	seq.s32 s5, $0x0;
	s5 =	sld [smem:$0x3FB3]  }
0x2b: {  	s6 =	sld [smem:$0x3FB4]  }
0x2c: {  	s7 =	sld [smem:$0x3FB5]  }
0x2d: {  	s3 =	simm.s32 $0x108;
	s8 =	sld [smem:$0x3FB6]  }
0x2e: {  	s3 =	simm.s32 @!p0 $0x1082;
	s9 =	sld [smem:$0x3FB7]  }
0x2f: {  	lr =	sadd.s32 s0, s3;
	s0 =	sld [smem:$0x3FAE]  }
0x30: {  	s3 =	sld [smem:$0x3FB1]  }
0x31: {  	[smem:$0x3FBA] =	sst s10  }
0x32: {  	s10 =	sld [smem:$0x3FB8];
	_ =	sdelay $0x3  }
0x33: {  	p0 =	seq.s32 s10, $0x1;
	s10 =	sld [smem:$0x3FBA];
	_ =	sdelay $0x3  }
0x34: {  	[smem:$0x3FBA] =	sst s10  }
0x35: {  	s10 =	sld [smem:$0x3FB9];
	_ =	sdelay $0x3  }
0x36: {  	p1 =	seq.s32 s10, $0x1;
	s10 =	sld [smem:$0x3FBA];
	_ =	sdelay $0x3  }
0x37: {  	[smem:$0x3FBA] =	sst s10  }
0x38: {  	s10 =	sld [smem:$0x3FBB]  }
0x39: {  	_ = 	snop;
	(pc) =	sbr.ind lr, $3  }
0x3a: {  	_ = 	snop  }
0x3b: {  	_ = 	snop  }
0x3c: {  	p2 =	seq.s32 s10, $0x1;
	s10 =	sld [smem:$0x3FBA]  }
0x3d: {  	_ =	shalt  }
0x3e: {  	_ =	shalt  }
0x3f: {  	_ =	shalt  }
0x40: {  	_ =	shalt  }
0x41: {  	_ =	shalt  }
0x42: {  	_ =	shalt  }
0x43: {  	_ =	shalt  }
0x44: {  	_ =	shalt  }
0x45: {  	_ =	shalt  }
0x46: {  	_ =	shalt  }
0x47: {  	_ =	shalt  }
0x48: {  	_ =	shalt  }
0x49: {  	_ =	shalt  }
0x4a: {  	_ =	shalt  }
0x4b: {  	_ =	shalt  }
0x4c: {  	_ =	shalt  }
0x4d: {  	_ =	shalt  }
0x4e: {  	_ =	shalt  }
0x4f: {  	_ =	shalt  }
0x50: {  	_ =	shalt  }
0x51: {  	_ =	shalt  }
0x52: {  	_ =	shalt  }
0x53: {  	_ =	shalt  }
0x54: {  	_ =	shalt  }
0x55: {  	_ =	shalt  }
0x56: {  	_ =	shalt  }
0x57: {  	_ =	shalt  }
0x58: {  	_ =	shalt  }
0x59: {  	_ =	shalt  }
0x5a: {  	_ =	shalt  }
0x5b: {  	_ =	shalt  }
0x5c: {  	_ =	shalt  }
0x5d: {  	_ =	shalt  }
0x5e: {  	_ =	shalt  }
0x5f: {  	_ =	shalt  }
0x60: {  	_ =	shalt  }
0x61: {  	_ =	shalt  }
0x62: {  	_ =	shalt  }
0x63: {  	_ =	shalt  }
0x64: {  	_ =	shalt  }
0x65: {  	_ =	shalt  }
0x66: {  	_ =	shalt  }
0x67: {  	_ =	shalt  }
0x68: {  	_ =	shalt  }
0x69: {  	_ =	shalt  }
0x6a: {  	_ =	shalt  }
0x6b: {  	_ =	shalt  }
0x6c: {  	_ =	shalt  }
0x6d: {  	_ =	shalt  }
0x6e: {  	_ =	shalt  }
0x6f: {  	_ =	shalt  }
0x70: {  	_ =	shalt  }
0x71: {  	_ =	shalt  }
0x72: {  	_ =	shalt  }
0x73: {  	_ =	shalt  }
0x74: {  	_ =	shalt  }
0x75: {  	_ =	shalt  }
0x76: {  	_ =	shalt  }
0x77: {  	_ =	shalt  }
0x78: {  	_ =	shalt  }
0x79: {  	_ =	shalt  }
0x7a: {  	_ =	shalt  }
0x7b: {  	_ =	shalt  }
0x7c: {  	_ =	shalt  }
0x7d: {  	_ =	shalt  }
0x7e: {  	_ =	shalt  }
0x7f: {  	_ =	shalt  }
0x80: {  	_ =	shalt  }
0x81: {  	_ =	shalt  }
0x82: {  	_ =	shalt  }
0x83: {  	_ =	shalt  }
0x84: {  	_ =	shalt  }
0x85: {  	_ =	shalt  }
0x86: {  	_ =	shalt  }
0x87: {  	_ =	shalt  }
.Lfunc_end0:
.L_simem_size_0:
called_computation_lowered:
.L_overlay_start_0:
0x88: {  	s2 =	sld [smem:$0x3FD9]  }
0x89: {  	s3 =	sld [smem:$0x3FFE];
	_ =	sdelay $0x1  }
0x8a: {  	s1 =	srdreg.scid  }
0x8b: {  	s0 =	sand.u32 $0x1, s1  }
0x8c: {  	s17 =	sshll.u32 s0, $0xA;
	s2 =	sadd.s32 s3, s2  }
0x8d: {  	s2 =	sadd.s32 s2, s17  }
0x8e: {  	[smem:$0x3FC6] =	sst s2  }
0x8f: {  	_ = 	snop  }
0x90: {  	s2 =	sld [smem:$0x3FC9]  }
0x91: {  	s18 =	sld [smem:$0x3FD0];
	(tm) =	ssettm $0x1  }
0x92: {  	s4 =	sld [smem:$0x3FFB];
	_ =	sdelay $0x3  }
0x93: {  	_ =	strace s4  }
0x94: {  	s4 =	sld [smem:$0x3FFC];
	_ =	sdelay $0x3  }
0x95: {  	_ =	strace s4  }
0x96: {  	s4 =	sld [smem:$0x3FFD];
	_ =	sdelay $0x3  }
0x97: {  	_ =	strace s4  }
0x98: {  	_ =	strace $0x8FFFFFFF  }
0x99: {  	s19 =	sld [smem:$0x3FDB];
	_ =	sdelay $0x1  }
0x9a: {  	s5 =	simm.s32 $_scs_section_size  }
0x9b: {  	s6 =	simm.s32 $_size__tile_overlayer_lowered;
	s7 =	simm.s32 $_tile_overlayer_lowered  }
0x9c: {  	s22 =	simm.s32 $0x1BFF;
	s21 =	sshll.u32 s7, $0x1;
	s4 =	sadd.s32 s5, s19  }
0x9d: {  	s8 =	simm.s32 $0x0;
	s20 =	sshll.u32 s6, $0x1;
	s6 =	sadd.s32 s21, s4  }
0x9e: {  	[timem:s8], [sflag:s22] =	dma.local [hbm:s6], s20  }
0x9f: {  	_ =	swait.ge [sflag:s22], s20  }
0xa0: {  	s5 =	ssub.s32 $0x0, s20;
	[sflag:s22] =	ssyncset.done $0x0  }
0xa1: {  	[sflag:s22] =	ssyncadd.s32 s5;
	_ =	sdelay $0x1  }
0xa2: {  	s23 =	simm.s32 $0x1B8B  }
0xa3: {  	_ =	swait.ge [sflag:s23], $0x1  }
0xa4: {  	[sflag:s23] =	ssyncset.done $0x0  }
0xa5: {  	s25 =	simm.s32 $0x1B8E;
	s24 =	sld [smem:$0x3FFE];
	[sflag:s23] =	ssyncadd.s32 $0xFFFFFFFF  }
0xa6: {  	s26 =	simm.s32 $execute0_lowered;
	[smem:$0x3FD2] =	sst s25  }
0xa7: {  	s6 =	sshll.u32 s26, $0x1;
	_ =	strace $0x80000046;
	[dreg:$0x1] =	wrdreg $0xFFFFFFFF  }
0xa8: {  	s28 =	simm.s32 $_size_execute0_lowered;
	s4 =	sadd.s32 s4, s6;
	[dreg:$0x0] =	wrdreg $0x0  }
0xa9: {  	s6 =	sshll.u32 s28, $0x1;
	[dreg:$0x2] =	wrdreg s4  }
0xaa: {  	[dreg:$0x3] =	wrdreg s6  }
0xab: {  	[dreg:$0x4] =	wrdreg $0xC0  }
0xac: {  	_ =	task [dreg:s8], $0x5FFFF  }
0xad: {  	[dreg:$0x1] =	wrdreg $0xFFFFFFFF  }
0xae: {  	[dreg:$0x0] =	wrdreg $0x60  }
0xaf: {  	[dreg:$0x2] =	wrdreg s2  }
0xb0: {  	[dreg:$0x3] =	wrdreg s24  }
0xb1: {  	[dreg:$0x4] =	wrdreg s18  }
0xb2: {  	[dreg:$0x5] =	wrdreg $0xAC000  }
0xb3: {  	[dreg:$0x6] =	wrdreg $0x9  }
0xb4: {  	_ =	task.clear_ibuf [dreg:s8], $0x7FFFF;
	_ =	strace $0x90000046  }
0xb5: {  	s29 =	simm.s32 $0x9;
	_ =	strace $0x80000048  }
0xb6: {  	_ =	swait.ge [sflag:s29], $0x1  }
0xb7: {  	[sflag:s29] =	ssyncadd.s32 $0xFFFFFFFF  }
0xb8: {  	_ =	strace $0x90000048  }
0xb9: {  	_ =	sfence  }
0xba: {  	s30 =	sld [smem:$0x0];
	_ =	sdelay $0x2  }
0xbb: {  	s31 =	sshll.u32 s1, $0xD;
	s1 =	sshrl.u32 s1, $0x2  }
0xbc: {  	s3 =	sand.u32 $0x4000, s31;
	s1 =	sadd.s32 s1, s30  }
0xbd: {  	s0 =	sor.u32 s3, s0;
	s1 =	sshll.u32 s1, $0x11  }
0xbe: {  	s0 =	sor.u32 s1, s0  }
0xbf: {  	s0 =	sadd.s32 $0x8F2B, s0  }
0xc0: {  	[sflag:s0] =	ssyncadd.remote.s32 $0x1  }
0xc1: {  	_ =	sfence.sel $0xFFFF  }
0xc2: {  	[dreg:$0x0] =	wrdreg $0xFFFFFFFF;
	(pc) =	sbr.abs _section_cstart, $3  }
0xc3: {  	[dreg:$0x1] =	wrdreg $0xFFFFFFFF  }
0xc4: {  	_ =	task.clear_ibuf [dreg:s8], $0x2FFFF;
	_ =	strace $0x9FFFFFFF  }
0xc5: {  	(tm) =	ssettm $0x7FFFFFFF  }
tec
execute0_lowered:
.L_overlay_start_1:
0x0: {  	(tag) =	ssettag $0x1  }
0x1: {  	s1 =	rddreg [dreg:$0x0]  }
0x2: {  	s2 =	rddreg [dreg:$0x1]  }
0x3: {  	s3 =	rddreg [dreg:$0x2]  }
0x4: {  	s4 =	rddreg [dreg:$0x3];
	s0 =	srdreg.scid;
	s5 =	simm.s32 $0x0  }
0x5: {  	s6 =	stileid.u32;
	s28 =	simm.s32 $0x2;
	s30 =	simm.s32 $0x8400  }
0x6: {  	s31 =	simm.s32 $0x3;
	s29 =	simm.s32 $0x7;
	s0 =	sand.u32 $0x1, s0  }
0x7: {  	[smem:$0x7FF] =	sst s5;
	s8 =	smul.u32 $0x4E000, s6;
	s10 =	sshll.u32 s6, $0x1  }
0x8: {  	s11 =	smul.u32 $0x2700, s6;
	s21 =	sshll.u32 s6, $0x6;
	s12 =	sadd.s32 $0x27000, s1  }
0x9: {  	p0 =	sne.s32 s6, $0x0;
	s6 =	simm.s32 $0x8;
	s7 =	ssub.s32 $0x2, s0  }
0xa: {  	_ =	strace $0x80000047;
	s0 =	sor.u32 s0, s10;
	[dreg:$0x7] =	wrdreg s12  }
0xb: {  	s9 =	sshrl.u32 s7, $0x1;
	s8 =	sshrl.u32 s8, $0x2;
	s10 =	smul.u32 $0x138800, s0  }
0xc: {  	s20 =	sadd.s32 s1, s11;
	s11 =	sadd.s32 $0x138000, s4;
	s22 =	smul.u32 $0x27100, s0  }
0xd: {  	s7 =	ssub.s32 s7, s9;
	s19 =	sadd.s32 s8, s4;
	[dreg:$0x5] =	wrdreg s20  }
0xe: {  	s8 =	sor.u32 $0x1C09, s21;
	s20 =	simm.s32 $0x50;
	s21 =	simm.s32 $0x4  }
0xf: {  	s9 =	simm.s32 $0x0;
	[dreg:$0x6] =	wrdreg s8;
	s8 =	smul.u32 $0xC800, s0  }
0x10: {  	s13 =	sshrl.u32 s10, $0x3;
	s10 =	smul.u32 $0x2710, s0;
	s12 =	sadd.s32 s3, s22  }
0x11: {  	s25 =	smax.u32 s7, $0x1;
	s26 =	sshrl.u32 s19, $0x3;
	[dreg:$0x9] =	wrdreg s12  }
0x12: {  	s22 =	simm.s32 $0x3400;
	s23 =	sadd.s32 s3, s13;
	[dreg:$0xb] =	wrdreg s25  }
0x13: {  	[dreg:$0xc] =	wrdreg s26;
	s25 =	simm.s32 $0x5C00;
	s26 =	simm.s32 $0xC00  }
0x14: {  	s14 =	sshrl.u32 s8, $0x3;
	s0 =	sadd.s32 $0x280, s23;
	s15 =	sadd.s32 $0x78, s10  }
0x15: {  	s23 =	simm.s32 $0x1;
	s24 =	sadd.s32 s2, s14;
	[dreg:$0xa] =	wrdreg s0  }
0x16: {  	s14 =	sadd.s32 $0x50, s10;
	s0 =	sshrl.u32 @!p0 s11, $0x3;
	[dreg:$0x8] =	wrdreg s24  }
0x17: {  	[dreg:$0xd] =	wrdreg s0;
	s0 =	simm.s32 $0x5;
	s24 =	simm.s32 $0x6  }
.LBB2_1:
0x18: {  	[dreg:$0xe] =	wrdreg s9  }
0x19: {  	s7 =	rddreg [dreg:$0x5]  }
0x1a: {  	s9 =	rddreg [dreg:$0x6]  }
0x1b: {  	s11 =	rddreg [dreg:$0xc];
	s16 =	simm.s32 $0x9  }
0x1c: {  	[spmem:s11], [sflag:s9] =	dma.local [hbm:s7], $0x2700  }
0x1d: {  	_ =	swait.ge [sflag:s16], $0x2700  }
0x1e: {  	[sflag:s16] =	ssyncset.done $0x0;
	s7 =	rddreg [dreg:$0x7]  }
0x1f: {  	s12 =	rddreg [dreg:$0xd];
	[sflag:s16] =	ssyncadd.s32 $0xFFFFD900  }
0x20: {  	[spmem:s12], [sflag:s9] =	dma.local @!p0 [hbm:s7], $0x100  }
0x21: {  	s7 =	simm.s32 @!p0 $0x9  }
0x22: {  	_ =	swait.ge @!p0 [sflag:s7], $0x100  }
0x23: {  	[sflag:s7] =	ssyncset.done @!p0 $0x0  }
0x24: {  	s17 =	rddreg [dreg:$0x8];
	[sflag:s7] =	ssyncadd.s32 @!p0 $0xFFFFFF00  }
0x25: {  	[tilespmem:s5], [sflag:$0x9] =	stream.linear.gather [hbm4b:s17+s5], $0x500, $0x38;
	[tilespmem:$0x1E480] =	vst v63  }
0x26: {  	_ =	swait.ge [sflag:s16], $0x500  }
0x27: {  	[sflag:s16] =	ssyncset.done $0x0  }
0x28: {  	[sflag:s16] =	ssyncadd.s32 $0xFFFFFB00  }
0x29: {  	[bflag:$0x0] =	sbarrier.arrive $0xFFFF  }
0x2a: {  	[tilespmem:s26], [sflag:$0x1] =	stream.indirect.gather [spmem:s4], $0x80, s5, s20, $0xb8;
	[tilespmem:$0x1E480] =	vst v63  }
0x2b: {  	s18 =	simm.s32 $0x80  }
0x2c: {  	[tilespmem:s22], [sflag:$0x2] =	stream.indirect.gather [spmem:s4], $0x80, s18, s20, $0xb8;
	[tilespmem:$0x1E480] =	vst v63  }
0x2d: {  	_ =	swait.ge [sflag:s23], $0x2800  }
0x2e: {  	[sflag:s23] =	ssyncset.done $0x0  }
0x2f: {  	s19 =	simm.s32 $0x100;
	[sflag:s23] =	ssyncadd.s32 $0xFFFFD800  }
0x30: {  	[tilespmem:s25], [sflag:$0x3] =	stream.indirect.gather [spmem:s4], $0x80, s19, s20, $0xb8;
	[tilespmem:$0x1E480] =	vst v63  }
0x31: {  	v8 =	vld [tilespmem:s26+$0x1400]  }
0x32: {  	v0 =	vld [tilespmem:s26+$0x14F0]  }
0x33: {  	v1 =	vld [tilespmem:s26+$0xF0]  }
0x34: {  	v4 =	vld [tilespmem:s26+$0x10]  }
0x35: {  	v5 =	vld [tilespmem:s26+$0x1410]  }
0x36: {  	v9 =	vld [tilespmem:s26+$0xB0]  }
0x37: {  	v3 =	vld [tilespmem:s26+$0x20]  }
0x38: {  	v10 =	vld [tilespmem:s26+$0x0]  }
0x39: {  	v6 =	vld [tilespmem:s26+$0x1420]  }
0x3a: {  	v7 =	vld [tilespmem:s26+$0x30]  }
0x3b: {  	v11 =	vld [tilespmem:s26+$0x1430]  }
0x3c: {  	v2 =	vld [tilespmem:s26+$0x40]  }
0x3d: {  	v12 =	vld [tilespmem:s26+$0x1440]  }
0x3e: {  	v13 =	vld [tilespmem:s26+$0x70]  }
0x3f: {  	v14 =	vld [tilespmem:s26+$0x1470]  }
0x40: {  	v15 =	vld [tilespmem:s26+$0x50]  }
0x41: {  	v17 =	vld [tilespmem:s26+$0x60]  }
0x42: {  	v18 =	vld [tilespmem:s26+$0x1460]  }
0x43: {  	v19 =	vld [tilespmem:s26+$0x80]  }
0x44: {  	v20 =	vld [tilespmem:s26+$0x1480]  }
0x45: {  	v21 =	vld [tilespmem:s26+$0x90]  }
0x46: {  	v22 =	vld [tilespmem:s26+$0x1490]  }
0x47: {  	v61 =	vld [tilespmem:s26+$0x14B0];
	v0 =	vmul.f32 v0, v1  }
0x48: {  	v16 =	vld [tilespmem:s26+$0x1450];
	v1 =	vmul.f32 v14, v13  }
0x49: {  	v59 =	vld [tilespmem:s26+$0xA0];
	v62 =	vmul.f32 v18, v17;
	[tilespmem:s26+$0xF0] =	vst v0  }
0x4a: {  	v60 =	vld [tilespmem:s26+$0x14A0];
	v63 =	vmul.f32 v20, v19;
	v7 =	vmul.f32 v11, v7;
	[tilespmem:s26+$0x70] =	vst v1  }
0x4b: {  	v3 =	vmul.f32 v6, v3;
	v11 =	vmul.f32 v22, v21;
	v6 =	vld [tilespmem:s26+$0xD0];
	[tilespmem:s26+$0x60] =	vst v62  }
0x4c: {  	v8 =	vmul.f32 v8, v10;
	v10 =	vmul.f32 v61, v9;
	v9 =	vld [tilespmem:s26+$0xE0];
	[tilespmem:s26+$0x80] =	vst v63  }
0x4d: {  	v0 =	vmul.f32 v16, v15;
	v1 =	vmul.f32 v12, v2;
	v2 =	vld [tilespmem:s26+$0x14D0];
	[tilespmem:s26+$0x30] =	vst v7  }
0x4e: {  	v7 =	vld [tilespmem:s26+$0x14C0];
	[tilespmem:s26+$0x90] =	vst v11  }
0x4f: {  	[tilespmem:s26+$0x50] =	vst v0;
	v0 =	vld [tilespmem:s26+$0xC0]  }
0x50: {  	s11 =	simm.s32 $0xC00;
	s12 =	simm.s32 $0x0;
	s7 =	simm.s32 $0xD00;
	v5 =	vmul.f32 v5, v4;
	v4 =	vmul.f32 v60, v59;
	[tilespmem:s26+$0x40] =	vst v1;
	v1 =	vld [tilespmem:s26+$0x14E0]  }
.LBB2_2:
0x51: {  	v11 =	vld [tilespmem:s7+$0x1400];
	s12 =	sadd.s32 $0x2, s12;
	[tilespmem:s11+$0xB0] =	vst v10  }
0x52: {  	v10 =	vld [tilespmem:s7+$0x14F0];
	p1 =	slt.u32 s12, $0x26;
	[tilespmem:s11+$0x20] =	vst v3  }
0x53: {  	v3 =	vld [tilespmem:s7+$0xF0];
	[tilespmem:s11+$0x10] =	vst v5;
	v2 =	vmul.f32 v2, v6  }
0x54: {  	v5 =	vld [tilespmem:s7+$0x10];
	[tilespmem:s11+$0x0] =	vst v8;
	v0 =	vmul.f32 v7, v0  }
0x55: {  	v6 =	vld [tilespmem:s7+$0x1410];
	[tilespmem:s11+$0xA0] =	vst v4;
	v1 =	vmul.f32 v1, v9  }
0x56: {  	v7 =	vld [tilespmem:s7+$0xB0];
	[tilespmem:s11+$0xD0] =	vst v2  }
0x57: {  	v2 =	vld [tilespmem:s7+$0x20];
	[tilespmem:s11+$0xE0] =	vst v1  }
0x58: {  	v8 =	vld [tilespmem:s7+$0x0];
	v1 =	vmul.f32 v10, v3;
	[tilespmem:s11+$0xC0] =	vst v0;
	s11 =	smov.u32 s7  }
0x59: {  	v3 =	vld [tilespmem:s7+$0x1420]  }
0x5a: {  	v0 =	vld [tilespmem:s7+$0x30];
	[tilespmem:s7+$0xF0] =	vst v1  }
0x5b: {  	v1 =	vld [tilespmem:s7+$0x1430]  }
0x5c: {  	v4 =	vld [tilespmem:s7+$0x40]  }
0x5d: {  	v9 =	vld [tilespmem:s7+$0x1440]  }
0x5e: {  	v10 =	vld [tilespmem:s7+$0x70]  }
0x5f: {  	v12 =	vld [tilespmem:s7+$0x1470]  }
0x60: {  	v13 =	vld [tilespmem:s7+$0x50]  }
0x61: {  	v14 =	vld [tilespmem:s7+$0x1450]  }
0x62: {  	v15 =	vld [tilespmem:s7+$0x60]  }
0x63: {  	v16 =	vld [tilespmem:s7+$0x1460]  }
0x64: {  	v10 =	vmul.f32 v12, v10;
	v12 =	vld [tilespmem:s7+$0x80]  }
0x65: {  	v17 =	vld [tilespmem:s7+$0x1480]  }
0x66: {  	v13 =	vmul.f32 v14, v13;
	[tilespmem:s7+$0x70] =	vst v10;
	v10 =	vld [tilespmem:s7+$0x90]  }
0x67: {  	v14 =	vld [tilespmem:s7+$0x1490]  }
0x68: {  	v4 =	vmul.f32 v9, v4;
	[tilespmem:s7+$0x50] =	vst v13;
	v9 =	vmul.f32 v16, v15;
	v13 =	vld [tilespmem:s7+$0xA0]  }
0x69: {  	v15 =	vld [tilespmem:s7+$0x14A0]  }
0x6a: {  	v16 =	vmul.f32 v1, v0;
	[tilespmem:s7+$0x40] =	vst v4;
	v1 =	vmul.f32 v17, v12;
	v12 =	vld [tilespmem:s7+$0x14B0]  }
0x6b: {  	[tilespmem:s7+$0x60] =	vst v9;
	v0 =	vld [tilespmem:s7+$0xC0]  }
.Ltmp0:
0x6c: {  	v3 =	vmul.f32 v3, v2;
	[tilespmem:s7+$0x80] =	vst v1;
	v9 =	vmul.f32 v14, v10;
	v2 =	vld [tilespmem:s7+$0x14D0];
	(pc) =	sbr.rel @p1 .LBB2_2-.Ltmp0, $4  }
0x6d: {  	v1 =	vld [tilespmem:s7+$0x14E0]  }
0x6e: {  	v5 =	vmul.f32 v6, v5;
	[tilespmem:s7+$0x30] =	vst v16;
	v4 =	vmul.f32 v15, v13;
	v6 =	vld [tilespmem:s7+$0xD0]  }
0x6f: {  	v8 =	vmul.f32 v11, v8;
	v10 =	vmul.f32 v12, v7;
	v7 =	vld [tilespmem:s7+$0x14C0]  }
0x70: {  	s7 =	sadd.s32 $0x100, s7;
	[tilespmem:s11+$0x90] =	vst v9;
	v9 =	vld [tilespmem:s11+$0xE0]  }
0x71: {  	[tilespmem:s11+$0xB0] =	vst v10  }
0x72: {  	[tilespmem:s11+$0x20] =	vst v3  }
0x73: {  	[tilespmem:s11+$0x10] =	vst v5  }
0x74: {  	[tilespmem:s11+$0x0] =	vst v8;
	v2 =	vmul.f32 v2, v6  }
0x75: {  	[tilespmem:s11+$0xA0] =	vst v4;
	v0 =	vmul.f32 v7, v0  }
0x76: {  	v1 =	vmul.f32 v1, v9;
	[tilespmem:s11+$0xD0] =	vst v2  }
0x77: {  	[tilespmem:s11+$0xC0] =	vst v0  }
0x78: {  	s7 =	rddreg [dreg:$0x9];
	[tilespmem:s11+$0xE0] =	vst v1  }
0x79: {  	[hbm4b:s7+s5] =	stream.linear.scatter [tilespmem:s26], [sflag:$0x5], $0x1400, $0x38;
	[tilespmem:$0x1E480] =	vst v63  }
0x7a: {  	_ =	swait.ge [sflag:s28], $0x2800  }
0x7b: {  	[sflag:s28] =	ssyncset.done $0x0  }
0x7c: {  	s19 =	simm.s32 $0x180;
	s11 =	simm.s32 $0x3400;
	[sflag:s28] =	ssyncadd.s32 $0xFFFFD800  }
0x7d: {  	[tilespmem:s30], [sflag:$0x4] =	stream.indirect.gather [hbm4b:s1+s20], $0x80, s19, s20, $0xb8;
	[tilespmem:$0x1E480] =	vst v63  }
0x7e: {  	v8 =	vld [tilespmem:s11+$0x1400]  }
0x7f: {  	v0 =	vld [tilespmem:s11+$0x14F0]  }
0x80: {  	v1 =	vld [tilespmem:s11+$0xF0]  }
0x81: {  	v4 =	vld [tilespmem:s11+$0x10]  }
0x82: {  	v5 =	vld [tilespmem:s11+$0x1410]  }
0x83: {  	v9 =	vld [tilespmem:s11+$0xB0]  }
0x84: {  	v3 =	vld [tilespmem:s11+$0x20]  }
0x85: {  	v10 =	vld [tilespmem:s11+$0x0]  }
0x86: {  	v6 =	vld [tilespmem:s11+$0x1420]  }
0x87: {  	v7 =	vld [tilespmem:s11+$0x30]  }
0x88: {  	v11 =	vld [tilespmem:s11+$0x1430]  }
0x89: {  	v2 =	vld [tilespmem:s11+$0x40]  }
0x8a: {  	v12 =	vld [tilespmem:s11+$0x70]  }
0x8b: {  	v13 =	vld [tilespmem:s11+$0x1470]  }
0x8c: {  	v14 =	vld [tilespmem:s11+$0x1440]  }
0x8d: {  	v15 =	vld [tilespmem:s11+$0x50]  }
0x8e: {  	v16 =	vld [tilespmem:s11+$0x1450]  }
0x8f: {  	v17 =	vld [tilespmem:s11+$0x60]  }
0x90: {  	v18 =	vld [tilespmem:s11+$0x1460]  }
0x91: {  	v60 =	vld [tilespmem:s11+$0x80]  }
0x92: {  	v19 =	vld [tilespmem:s11+$0x1480]  }
0x93: {  	v61 =	vld [tilespmem:s11+$0x90]  }
0x94: {  	v63 =	vld [tilespmem:s11+$0x14B0];
	v12 =	vmul.f32 v13, v12  }
0x95: {  	v20 =	vld [tilespmem:s11+$0x1490];
	v0 =	vmul.f32 v0, v1  }
0x96: {  	v21 =	vld [tilespmem:s11+$0xA0];
	v1 =	vmul.f32 v16, v15;
	[tilespmem:s11+$0x70] =	vst v12  }
0x97: {  	v62 =	vld [tilespmem:s11+$0x14A0];
	v2 =	vmul.f32 v14, v2;
	v13 =	vmul.f32 v19, v60;
	[tilespmem:s11+$0xF0] =	vst v0  }
0x98: {  	v7 =	vmul.f32 v11, v7;
	v3 =	vmul.f32 v6, v3;
	v6 =	vld [tilespmem:s11+$0xD0];
	[tilespmem:s11+$0x50] =	vst v1  }
0x99: {  	v8 =	vmul.f32 v8, v10;
	v10 =	vmul.f32 v63, v9;
	v9 =	vld [tilespmem:s11+$0xE0];
	[tilespmem:s11+$0x40] =	vst v2  }
0x9a: {  	v11 =	vmul.f32 v20, v61;
	v0 =	vld [tilespmem:s11+$0xC0];
	[tilespmem:s11+$0x80] =	vst v13  }
0x9b: {  	v1 =	vmul.f32 v18, v17;
	v2 =	vld [tilespmem:s11+$0x14D0];
	[tilespmem:s11+$0x30] =	vst v7  }
0x9c: {  	v7 =	vld [tilespmem:s11+$0x14C0];
	[tilespmem:s11+$0x90] =	vst v11  }
0x9d: {  	s12 =	simm.s32 $0x0;
	s7 =	simm.s32 $0x3500;
	v5 =	vmul.f32 v5, v4;
	v4 =	vmul.f32 v62, v21;
	[tilespmem:s11+$0x60] =	vst v1;
	v1 =	vld [tilespmem:s11+$0x14E0]  }
.LBB2_4:
0x9e: {  	v11 =	vld [tilespmem:s7+$0x1400];
	s12 =	sadd.s32 $0x2, s12;
	[tilespmem:s11+$0xB0] =	vst v10  }
0x9f: {  	v10 =	vld [tilespmem:s7+$0x14F0];
	p1 =	slt.u32 s12, $0x26;
	[tilespmem:s11+$0x20] =	vst v3  }
0xa0: {  	v3 =	vld [tilespmem:s7+$0xF0];
	[tilespmem:s11+$0x10] =	vst v5;
	v2 =	vmul.f32 v2, v6  }
0xa1: {  	v5 =	vld [tilespmem:s7+$0x10];
	[tilespmem:s11+$0x0] =	vst v8;
	v0 =	vmul.f32 v7, v0  }
0xa2: {  	v6 =	vld [tilespmem:s7+$0x1410];
	[tilespmem:s11+$0xA0] =	vst v4;
	v1 =	vmul.f32 v1, v9  }
0xa3: {  	v7 =	vld [tilespmem:s7+$0xB0];
	[tilespmem:s11+$0xD0] =	vst v2  }
0xa4: {  	v2 =	vld [tilespmem:s7+$0x20];
	[tilespmem:s11+$0xE0] =	vst v1  }
0xa5: {  	v8 =	vld [tilespmem:s7+$0x0];
	v1 =	vmul.f32 v10, v3;
	[tilespmem:s11+$0xC0] =	vst v0;
	s11 =	smov.u32 s7  }
0xa6: {  	v3 =	vld [tilespmem:s7+$0x1420]  }
0xa7: {  	v0 =	vld [tilespmem:s7+$0x30];
	[tilespmem:s7+$0xF0] =	vst v1  }
0xa8: {  	v1 =	vld [tilespmem:s7+$0x1430]  }
0xa9: {  	v4 =	vld [tilespmem:s7+$0x40]  }
0xaa: {  	v9 =	vld [tilespmem:s7+$0x1440]  }
0xab: {  	v10 =	vld [tilespmem:s7+$0x70]  }
0xac: {  	v12 =	vld [tilespmem:s7+$0x1470]  }
0xad: {  	v13 =	vld [tilespmem:s7+$0x50]  }
0xae: {  	v14 =	vld [tilespmem:s7+$0x1450]  }
0xaf: {  	v15 =	vld [tilespmem:s7+$0x60]  }
0xb0: {  	v16 =	vld [tilespmem:s7+$0x1460]  }
0xb1: {  	v10 =	vmul.f32 v12, v10;
	v12 =	vld [tilespmem:s7+$0x80]  }
0xb2: {  	v17 =	vld [tilespmem:s7+$0x1480]  }
0xb3: {  	v13 =	vmul.f32 v14, v13;
	[tilespmem:s7+$0x70] =	vst v10;
	v10 =	vld [tilespmem:s7+$0x90]  }
0xb4: {  	v14 =	vld [tilespmem:s7+$0x1490]  }
0xb5: {  	v4 =	vmul.f32 v9, v4;
	[tilespmem:s7+$0x50] =	vst v13;
	v9 =	vmul.f32 v16, v15;
	v13 =	vld [tilespmem:s7+$0xA0]  }
0xb6: {  	v15 =	vld [tilespmem:s7+$0x14A0]  }
0xb7: {  	v16 =	vmul.f32 v1, v0;
	[tilespmem:s7+$0x40] =	vst v4;
	v1 =	vmul.f32 v17, v12;
	v12 =	vld [tilespmem:s7+$0x14B0]  }
0xb8: {  	[tilespmem:s7+$0x60] =	vst v9;
	v0 =	vld [tilespmem:s7+$0xC0]  }
.Ltmp1:
0xb9: {  	v3 =	vmul.f32 v3, v2;
	[tilespmem:s7+$0x80] =	vst v1;
	v9 =	vmul.f32 v14, v10;
	v2 =	vld [tilespmem:s7+$0x14D0];
	(pc) =	sbr.rel @p1 .LBB2_4-.Ltmp1, $4  }
0xba: {  	v1 =	vld [tilespmem:s7+$0x14E0]  }
0xbb: {  	v5 =	vmul.f32 v6, v5;
	[tilespmem:s7+$0x30] =	vst v16;
	v4 =	vmul.f32 v15, v13;
	v6 =	vld [tilespmem:s7+$0xD0]  }
0xbc: {  	v8 =	vmul.f32 v11, v8;
	v10 =	vmul.f32 v12, v7;
	v7 =	vld [tilespmem:s7+$0x14C0]  }
0xbd: {  	s7 =	sadd.s32 $0x100, s7;
	[tilespmem:s11+$0x90] =	vst v9;
	v9 =	vld [tilespmem:s11+$0xE0]  }
0xbe: {  	[tilespmem:s11+$0xB0] =	vst v10  }
0xbf: {  	[tilespmem:s11+$0x20] =	vst v3  }
0xc0: {  	[tilespmem:s11+$0x10] =	vst v5  }
0xc1: {  	[tilespmem:s11+$0x0] =	vst v8;
	v2 =	vmul.f32 v2, v6  }
0xc2: {  	[tilespmem:s11+$0xA0] =	vst v4;
	v0 =	vmul.f32 v7, v0  }
0xc3: {  	v1 =	vmul.f32 v1, v9;
	[tilespmem:s11+$0xD0] =	vst v2  }
0xc4: {  	[tilespmem:s11+$0xC0] =	vst v0  }
0xc5: {  	s7 =	rddreg [dreg:$0xa];
	[tilespmem:s11+$0xE0] =	vst v1;
	s11 =	simm.s32 $0x0  }
0xc6: {  	[hbm4b:s7+s11] =	stream.linear.scatter [tilespmem:s22], [sflag:$0x6], $0x1400, $0x38;
	[tilespmem:$0x1E480] =	vst v63  }
.LBB2_6:
0xc7: {  	s12 =	sshll.u32 s11, $0x2  }
0xc8: {  	s13 =	sadd.s32 $0x4, s12  }
0xc9: {  	s7 =	smul.u32 $0xFFFFFFCD, s13;
	_ =	sdelay $0x1  }
0xca: {  	s7 =	sand.u32 $0xFC, s7  }
0xcb: {  	s7 =	sshrl.u32 s7, $0x1  }
0xcc: {  	_ =	swait.ge [sflag:s31], $0x2800;
	p1 =	sgt.u32 s7, $0x19  }
0xcd: {  	[sflag:s31] =	ssyncset.done $0x0;
	s7 =	sand.u32 @!p1 $0xFF, s13  }
0xce: {  	[sflag:s31] =	ssyncadd.s32 $0xFFFFD800;
	s7 =	smul.u32 @!p1 $0xCD, s7  }
0xcf: {  	s17 =	sand.u32 $0xFF, s13;
	_ =	swait.ge [sflag:s0], $0x1400  }
0xd0: {  	s17 =	smul.u32 $0xCD, s17;
	[sflag:s0] =	ssyncset.done $0x0;
	s16 =	sshrl.u32 @!p1 s7, $0xB  }
0xd1: {  	[sflag:s0] =	ssyncadd.s32 $0xFFFFEC00;
	s7 =	sand.u32 @!p1 $0xF800, s7;
	s16 =	sand.u32 @!p1 $0x1, s16  }
0xd2: {  	s19 =	sshrl.u32 s17, $0xC;
	s7 =	sadd.s32 @!p1 s8, s7;
	p2 =	seq.s32 @!p1 s16, $0x1  }
0xd3: {  	s16 =	simm.s32 @!p1 $0x500;
	s7 =	sshrl.u32 @!p1 s7, $0x3;
	p2 =	por !p2, p1  }
0xd4: {  	s18 =	simm.s32 @!p1 $0x0;
	s7 =	sadd.s32 @!p1 s2, s7;
	s16 =	simm.s32 @p2 $0x0  }
0xd5: {  	[tilespmem:s16], [sflag:$0x9] =	stream.linear.gather @!p1 [hbm4b:s7+s18], $0x500, $0x38;
	[tilespmem:$0x1E480] =	vst v63  }
0xd6: {  	s7 =	smul.u32 $0x14, s19  }
0xd7: {  	s16 =	simm.s32 @!p1 $0x9  }
0xd8: {  	_ =	swait.ge @!p1 [sflag:s16], $0x500;
	s7 =	ssub.s32 s13, s7  }
0xd9: {  	[sflag:s16] =	ssyncset.done @!p1 $0x0;
	s7 =	sand.u32 $0xFF, s7  }
0xda: {  	[sflag:s16] =	ssyncadd.s32 @!p1 $0xFFFFFB00;
	s16 =	simm.s32 $0x5C00;
	s7 =	sshll.u32 s7, $0x7  }
0xdb: {  	[tilespmem:s26], [sflag:$0x1] =	stream.indirect.gather [spmem:s4], $0x80, s7, s20, $0xb8;
	[tilespmem:$0x1E480] =	vst v63  }
0xdc: {  	v8 =	vld [tilespmem:s16+$0x1400]  }
0xdd: {  	v0 =	vld [tilespmem:s16+$0x14F0]  }
0xde: {  	v1 =	vld [tilespmem:s16+$0xF0]  }
0xdf: {  	v3 =	vld [tilespmem:s16+$0x10]  }
0xe0: {  	v5 =	vld [tilespmem:s16+$0x1410]  }
0xe1: {  	v9 =	vld [tilespmem:s16+$0xB0]  }
0xe2: {  	v4 =	vld [tilespmem:s16+$0x20]  }
0xe3: {  	v10 =	vld [tilespmem:s16+$0x0]  }
0xe4: {  	v6 =	vld [tilespmem:s16+$0x1420]  }
0xe5: {  	v7 =	vld [tilespmem:s16+$0x30]  }
0xe6: {  	v11 =	vld [tilespmem:s16+$0x1430]  }
0xe7: {  	v2 =	vld [tilespmem:s16+$0x40]  }
0xe8: {  	v12 =	vld [tilespmem:s16+$0x70]  }
0xe9: {  	v13 =	vld [tilespmem:s16+$0x1470]  }
0xea: {  	v14 =	vld [tilespmem:s16+$0x1440]  }
0xeb: {  	v15 =	vld [tilespmem:s16+$0x50]  }
0xec: {  	v16 =	vld [tilespmem:s16+$0x1450]  }
0xed: {  	v17 =	vld [tilespmem:s16+$0x60]  }
0xee: {  	v18 =	vld [tilespmem:s16+$0x1460]  }
0xef: {  	v60 =	vld [tilespmem:s16+$0x80]  }
0xf0: {  	v19 =	vld [tilespmem:s16+$0x1480]  }
0xf1: {  	v61 =	vld [tilespmem:s16+$0x90]  }
0xf2: {  	v20 =	vld [tilespmem:s16+$0x1490];
	v12 =	vmul.f32 v13, v12  }
0xf3: {  	v63 =	vld [tilespmem:s16+$0x14B0];
	v0 =	vmul.f32 v0, v1  }
0xf4: {  	v21 =	vld [tilespmem:s16+$0xA0];
	v1 =	vmul.f32 v16, v15;
	[tilespmem:s16+$0x70] =	vst v12  }
0xf5: {  	v62 =	vld [tilespmem:s16+$0x14A0];
	v2 =	vmul.f32 v14, v2;
	v13 =	vmul.f32 v19, v60;
	[tilespmem:s16+$0xF0] =	vst v0  }
0xf6: {  	v11 =	vmul.f32 v11, v7;
	v4 =	vmul.f32 v6, v4;
	v7 =	vld [tilespmem:s16+$0xD0];
	[tilespmem:s16+$0x50] =	vst v1  }
0xf7: {  	v6 =	vmul.f32 v5, v3;
	v5 =	vld [tilespmem:s16+$0x14C0];
	v8 =	vmul.f32 v8, v10;
	[tilespmem:s16+$0x40] =	vst v2  }
0xf8: {  	v10 =	vmul.f32 v63, v9;
	v9 =	vld [tilespmem:s16+$0xE0];
	v1 =	vmul.f32 v18, v17;
	[tilespmem:s16+$0x80] =	vst v13  }
0xf9: {  	v2 =	vld [tilespmem:s16+$0x14D0];
	v12 =	vmul.f32 v20, v61;
	[tilespmem:s16+$0x30] =	vst v11  }
0xfa: {  	v0 =	vld [tilespmem:s16+$0xC0];
	[tilespmem:s16+$0x60] =	vst v1  }
0xfb: {  	s17 =	simm.s32 $0x0;
	s7 =	simm.s32 $0x5D00;
	v3 =	vmul.f32 v62, v21;
	v1 =	vld [tilespmem:s16+$0x14E0];
	[tilespmem:s16+$0x90] =	vst v12  }
.LBB2_7:
0xfc: {  	v11 =	vld [tilespmem:s7+$0x1400];
	s17 =	sadd.s32 $0x2, s17;
	[tilespmem:s16+$0xB0] =	vst v10  }
0xfd: {  	v10 =	vld [tilespmem:s7+$0x14F0];
	p1 =	slt.u32 s17, $0x26;
	[tilespmem:s16+$0x20] =	vst v4  }
0xfe: {  	v4 =	vld [tilespmem:s7+$0xF0];
	[tilespmem:s16+$0x10] =	vst v6;
	v2 =	vmul.f32 v2, v7  }
0xff: {  	v6 =	vld [tilespmem:s7+$0x10];
	[tilespmem:s16+$0x0] =	vst v8;
	v0 =	vmul.f32 v5, v0  }
0x100: {  	v5 =	vld [tilespmem:s7+$0x1410];
	[tilespmem:s16+$0xA0] =	vst v3;
	v1 =	vmul.f32 v1, v9  }
0x101: {  	v9 =	vld [tilespmem:s7+$0xB0];
	[tilespmem:s16+$0xD0] =	vst v2  }
0x102: {  	v2 =	vld [tilespmem:s7+$0x20];
	[tilespmem:s16+$0xE0] =	vst v1  }
0x103: {  	v8 =	vld [tilespmem:s7+$0x0];
	v1 =	vmul.f32 v10, v4;
	[tilespmem:s16+$0xC0] =	vst v0;
	s16 =	smov.u32 s7  }
0x104: {  	v3 =	vld [tilespmem:s7+$0x1420]  }
0x105: {  	v0 =	vld [tilespmem:s7+$0x30];
	[tilespmem:s7+$0xF0] =	vst v1  }
0x106: {  	v1 =	vld [tilespmem:s7+$0x1430]  }
0x107: {  	v4 =	vld [tilespmem:s7+$0x40]  }
0x108: {  	v7 =	vld [tilespmem:s7+$0x1440]  }
0x109: {  	v10 =	vld [tilespmem:s7+$0x70]  }
0x10a: {  	v12 =	vld [tilespmem:s7+$0x1470]  }
0x10b: {  	v13 =	vld [tilespmem:s7+$0x50]  }
0x10c: {  	v14 =	vld [tilespmem:s7+$0x1450]  }
0x10d: {  	v15 =	vld [tilespmem:s7+$0x60]  }
0x10e: {  	v16 =	vld [tilespmem:s7+$0x1460]  }
0x10f: {  	v10 =	vmul.f32 v12, v10;
	v12 =	vld [tilespmem:s7+$0x80]  }
0x110: {  	v17 =	vld [tilespmem:s7+$0x1480]  }
0x111: {  	v13 =	vmul.f32 v14, v13;
	[tilespmem:s7+$0x70] =	vst v10;
	v10 =	vld [tilespmem:s7+$0x90]  }
0x112: {  	v14 =	vld [tilespmem:s7+$0x1490]  }
0x113: {  	v4 =	vmul.f32 v7, v4;
	[tilespmem:s7+$0x50] =	vst v13;
	v7 =	vmul.f32 v16, v15;
	v13 =	vld [tilespmem:s7+$0xA0]  }
0x114: {  	v15 =	vld [tilespmem:s7+$0x14A0]  }
0x115: {  	v16 =	vmul.f32 v1, v0;
	[tilespmem:s7+$0x40] =	vst v4;
	v1 =	vmul.f32 v17, v12;
	v12 =	vld [tilespmem:s7+$0x14B0]  }
0x116: {  	[tilespmem:s7+$0x60] =	vst v7;
	v0 =	vld [tilespmem:s7+$0xC0]  }
.Ltmp2:
0x117: {  	v4 =	vmul.f32 v3, v2;
	[tilespmem:s7+$0x80] =	vst v1;
	v14 =	vmul.f32 v14, v10;
	v2 =	vld [tilespmem:s7+$0x14D0];
	(pc) =	sbr.rel @p1 .LBB2_7-.Ltmp2, $4  }
0x118: {  	v1 =	vld [tilespmem:s7+$0x14E0]  }
0x119: {  	v6 =	vmul.f32 v5, v6;
	[tilespmem:s7+$0x30] =	vst v16;
	v3 =	vmul.f32 v15, v13;
	v7 =	vld [tilespmem:s7+$0xD0]  }
0x11a: {  	v8 =	vmul.f32 v11, v8;
	v10 =	vmul.f32 v12, v9;
	v5 =	vld [tilespmem:s7+$0x14C0]  }
0x11b: {  	s7 =	sadd.s32 $0x100, s7;
	[tilespmem:s16+$0x90] =	vst v14;
	v9 =	vld [tilespmem:s16+$0xE0]  }
0x11c: {  	[tilespmem:s16+$0xB0] =	vst v10  }
0x11d: {  	[tilespmem:s16+$0x20] =	vst v4  }
0x11e: {  	[tilespmem:s16+$0x10] =	vst v6  }
0x11f: {  	[tilespmem:s16+$0x0] =	vst v8;
	s17 =	smul.u32 $0xA0, s11;
	v2 =	vmul.f32 v2, v7  }
0x120: {  	[tilespmem:s16+$0xA0] =	vst v3;
	v0 =	vmul.f32 v5, v0  }
0x121: {  	s7 =	sadd.s32 s17, s14;
	v1 =	vmul.f32 v1, v9;
	[tilespmem:s16+$0xD0] =	vst v2  }
0x122: {  	s7 =	sshll.u32 s7, $0x4;
	[tilespmem:s16+$0xC0] =	vst v0  }
0x123: {  	s7 =	sadd.s32 s3, s7;
	[tilespmem:s16+$0xE0] =	vst v1;
	s16 =	sadd.s32 $0x5, s12  }
0x124: {  	[hbm4b:s7+s5] =	stream.linear.scatter [tilespmem:s25], [sflag:$0x7], $0x1400, $0x38;
	[tilespmem:$0x1E480] =	vst v63  }
0x125: {  	s19 =	smulhi.u32 $0x66666667, s16  }
0x126: {  	_ =	swait.ge [sflag:s21], $0x2800  }
0x127: {  	[sflag:s21] =	ssyncset.done $0x0;
	s7 =	sshrl.u32 s19, $0x3  }
0x128: {  	[sflag:s21] =	ssyncadd.s32 $0xFFFFD800;
	s7 =	smul.u32 $0x14, s7  }
0x129: {  	_ =	swait.ge [sflag:s24], $0x1400  }
0x12a: {  	[sflag:s24] =	ssyncset.done $0x0;
	s7 =	ssub.s32 s16, s7  }
0x12b: {  	s19 =	simm.s32 $0x8400;
	[sflag:s24] =	ssyncadd.s32 $0xFFFFEC00;
	s7 =	sshll.u32 s7, $0x7  }
0x12c: {  	[tilespmem:s22], [sflag:$0x2] =	stream.indirect.gather [spmem:s4], $0x80, s7, s20, $0xb8;
	[tilespmem:$0x1E480] =	vst v63  }
0x12d: {  	v8 =	vld [tilespmem:s19+$0x1400]  }
0x12e: {  	v0 =	vld [tilespmem:s19+$0x14F0]  }
0x12f: {  	v1 =	vld [tilespmem:s19+$0xF0]  }
0x130: {  	v4 =	vld [tilespmem:s19+$0x10]  }
0x131: {  	v5 =	vld [tilespmem:s19+$0x1410]  }
0x132: {  	v9 =	vld [tilespmem:s19+$0xB0]  }
0x133: {  	v3 =	vld [tilespmem:s19+$0x20]  }
0x134: {  	v10 =	vld [tilespmem:s19+$0x0]  }
0x135: {  	v6 =	vld [tilespmem:s19+$0x1420]  }
0x136: {  	v7 =	vld [tilespmem:s19+$0x30]  }
0x137: {  	v11 =	vld [tilespmem:s19+$0x1430]  }
0x138: {  	v2 =	vld [tilespmem:s19+$0x40]  }
0x139: {  	v12 =	vld [tilespmem:s19+$0x70]  }
0x13a: {  	v13 =	vld [tilespmem:s19+$0x1470]  }
0x13b: {  	v14 =	vld [tilespmem:s19+$0x1440]  }
0x13c: {  	v15 =	vld [tilespmem:s19+$0x50]  }
0x13d: {  	v16 =	vld [tilespmem:s19+$0x1450]  }
0x13e: {  	v17 =	vld [tilespmem:s19+$0x60]  }
0x13f: {  	v18 =	vld [tilespmem:s19+$0x1460]  }
0x140: {  	v60 =	vld [tilespmem:s19+$0x80]  }
0x141: {  	v19 =	vld [tilespmem:s19+$0x1480]  }
0x142: {  	v61 =	vld [tilespmem:s19+$0x90]  }
0x143: {  	v63 =	vld [tilespmem:s19+$0x14B0];
	v12 =	vmul.f32 v13, v12  }
0x144: {  	v20 =	vld [tilespmem:s19+$0x1490];
	v0 =	vmul.f32 v0, v1  }
0x145: {  	v21 =	vld [tilespmem:s19+$0xA0];
	v1 =	vmul.f32 v16, v15;
	[tilespmem:s19+$0x70] =	vst v12  }
0x146: {  	v62 =	vld [tilespmem:s19+$0x14A0];
	v2 =	vmul.f32 v14, v2;
	v13 =	vmul.f32 v19, v60;
	[tilespmem:s19+$0xF0] =	vst v0  }
0x147: {  	v7 =	vmul.f32 v11, v7;
	v3 =	vmul.f32 v6, v3;
	v6 =	vld [tilespmem:s19+$0xD0];
	[tilespmem:s19+$0x50] =	vst v1  }
0x148: {  	v8 =	vmul.f32 v8, v10;
	v10 =	vmul.f32 v63, v9;
	v9 =	vld [tilespmem:s19+$0xE0];
	[tilespmem:s19+$0x40] =	vst v2  }
0x149: {  	v11 =	vmul.f32 v20, v61;
	v0 =	vld [tilespmem:s19+$0xC0];
	[tilespmem:s19+$0x80] =	vst v13  }
0x14a: {  	v1 =	vmul.f32 v18, v17;
	v2 =	vld [tilespmem:s19+$0x14D0];
	[tilespmem:s19+$0x30] =	vst v7  }
0x14b: {  	v7 =	vld [tilespmem:s19+$0x14C0];
	[tilespmem:s19+$0x90] =	vst v11  }
0x14c: {  	s18 =	simm.s32 $0x8500;
	s7 =	simm.s32 $0x0;
	v5 =	vmul.f32 v5, v4;
	v4 =	vmul.f32 v62, v21;
	[tilespmem:s19+$0x60] =	vst v1;
	v1 =	vld [tilespmem:s19+$0x14E0]  }
.LBB2_9:
0x14d: {  	v11 =	vld [tilespmem:s18+$0x1400];
	s7 =	sadd.s32 $0x2, s7;
	[tilespmem:s19+$0xB0] =	vst v10  }
0x14e: {  	v10 =	vld [tilespmem:s18+$0x14F0];
	p1 =	slt.u32 s7, $0x26;
	[tilespmem:s19+$0x20] =	vst v3  }
0x14f: {  	v3 =	vld [tilespmem:s18+$0xF0];
	[tilespmem:s19+$0x10] =	vst v5;
	v2 =	vmul.f32 v2, v6  }
0x150: {  	v5 =	vld [tilespmem:s18+$0x10];
	[tilespmem:s19+$0x0] =	vst v8;
	v0 =	vmul.f32 v7, v0  }
0x151: {  	v6 =	vld [tilespmem:s18+$0x1410];
	[tilespmem:s19+$0xA0] =	vst v4;
	v1 =	vmul.f32 v1, v9  }
0x152: {  	v7 =	vld [tilespmem:s18+$0xB0];
	[tilespmem:s19+$0xD0] =	vst v2  }
0x153: {  	v2 =	vld [tilespmem:s18+$0x20];
	[tilespmem:s19+$0xE0] =	vst v1  }
0x154: {  	v8 =	vld [tilespmem:s18+$0x0];
	v1 =	vmul.f32 v10, v3;
	[tilespmem:s19+$0xC0] =	vst v0;
	s19 =	smov.u32 s18  }
0x155: {  	v3 =	vld [tilespmem:s18+$0x1420]  }
0x156: {  	v0 =	vld [tilespmem:s18+$0x30];
	[tilespmem:s18+$0xF0] =	vst v1  }
0x157: {  	v1 =	vld [tilespmem:s18+$0x1430]  }
0x158: {  	v4 =	vld [tilespmem:s18+$0x40]  }
0x159: {  	v9 =	vld [tilespmem:s18+$0x1440]  }
0x15a: {  	v10 =	vld [tilespmem:s18+$0x70]  }
0x15b: {  	v12 =	vld [tilespmem:s18+$0x1470]  }
0x15c: {  	v13 =	vld [tilespmem:s18+$0x50]  }
0x15d: {  	v14 =	vld [tilespmem:s18+$0x1450]  }
0x15e: {  	v15 =	vld [tilespmem:s18+$0x60]  }
0x15f: {  	v16 =	vld [tilespmem:s18+$0x1460]  }
0x160: {  	v10 =	vmul.f32 v12, v10;
	v12 =	vld [tilespmem:s18+$0x80]  }
0x161: {  	v17 =	vld [tilespmem:s18+$0x1480]  }
0x162: {  	v13 =	vmul.f32 v14, v13;
	[tilespmem:s18+$0x70] =	vst v10;
	v10 =	vld [tilespmem:s18+$0x90]  }
0x163: {  	v14 =	vld [tilespmem:s18+$0x1490]  }
0x164: {  	v4 =	vmul.f32 v9, v4;
	[tilespmem:s18+$0x50] =	vst v13;
	v9 =	vmul.f32 v16, v15;
	v13 =	vld [tilespmem:s18+$0xA0]  }
0x165: {  	v15 =	vld [tilespmem:s18+$0x14A0]  }
0x166: {  	v16 =	vmul.f32 v1, v0;
	[tilespmem:s18+$0x40] =	vst v4;
	v1 =	vmul.f32 v17, v12;
	v12 =	vld [tilespmem:s18+$0x14B0]  }
0x167: {  	[tilespmem:s18+$0x60] =	vst v9;
	v0 =	vld [tilespmem:s18+$0xC0]  }
.Ltmp3:
0x168: {  	v3 =	vmul.f32 v3, v2;
	[tilespmem:s18+$0x80] =	vst v1;
	v9 =	vmul.f32 v14, v10;
	v2 =	vld [tilespmem:s18+$0x14D0];
	(pc) =	sbr.rel @p1 .LBB2_9-.Ltmp3, $4  }
0x169: {  	v1 =	vld [tilespmem:s18+$0x14E0]  }
0x16a: {  	v5 =	vmul.f32 v6, v5;
	[tilespmem:s18+$0x30] =	vst v16;
	v4 =	vmul.f32 v15, v13;
	v6 =	vld [tilespmem:s18+$0xD0]  }
0x16b: {  	v8 =	vmul.f32 v11, v8;
	v10 =	vmul.f32 v12, v7;
	v7 =	vld [tilespmem:s18+$0x14C0]  }
0x16c: {  	s18 =	sadd.s32 $0x100, s18;
	[tilespmem:s19+$0x90] =	vst v9;
	v9 =	vld [tilespmem:s19+$0xE0]  }
0x16d: {  	[tilespmem:s19+$0xB0] =	vst v10  }
0x16e: {  	[tilespmem:s19+$0x20] =	vst v3  }
0x16f: {  	[tilespmem:s19+$0x10] =	vst v5  }
0x170: {  	[tilespmem:s19+$0x0] =	vst v8;
	v2 =	vmul.f32 v2, v6  }
0x171: {  	[tilespmem:s19+$0xA0] =	vst v4;
	v0 =	vmul.f32 v7, v0  }
0x172: {  	s7 =	sadd.s32 s17, s15;
	v1 =	vmul.f32 v1, v9;
	[tilespmem:s19+$0xD0] =	vst v2  }
0x173: {  	s17 =	sadd.s32 $0x6, s12;
	p1 =	seq.s32 s11, $0x3D;
	s7 =	sshll.u32 s7, $0x4;
	[tilespmem:s19+$0xC0] =	vst v0  }
0x174: {  	s18 =	smul.u32 @!p1 $0xCCCCCCCD, s17;
	s7 =	sadd.s32 s3, s7;
	[tilespmem:s19+$0xE0] =	vst v1  }
0x175: {  	[hbm4b:s7+s5] =	stream.linear.scatter [tilespmem:s30], [sflag:$0x8], $0x1400, $0x38;
	[tilespmem:$0x1E480] =	vst v63  }
0x176: {  	s7 =	sshll.u32 @!p1 s18, $0x1F;
	s18 =	sshrl.u32 @!p1 s18, $0x1  }
0x177: {  	s7 =	sor.u32 @!p1 s7, s18  }
0x178: {  	p3 =	sgt.u32 @!p1 s7, $0x19999999  }
0x179: {  	p2 =	por p3, p1  }
0x17a: {  	_ =	swait.ge [sflag:s23], $0x2800;
	s7 =	smulhi.u32 @!p2 $0x66666667, s17  }
0x17b: {  	[sflag:s23] =	ssyncset.done $0x0  }
0x17c: {  	[sflag:s23] =	ssyncadd.s32 $0xFFFFD800;
	s7 =	sshrl.u32 @!p2 s7, $0x2  }
0x17d: {  	s9 =	smulhi.u32 @!p1 $0x66666667, s17;
	_ =	swait.ge [sflag:s29], $0x1400;
	s18 =	sand.u32 @!p2 $0x1, s7  }
0x17e: {  	s19 =	simm.s32 @!p2 $0x0;
	s7 =	sshll.u32 @!p2 s7, $0xB;
	p4 =	seq.s32 @!p2 s18, $0x1  }
0x17f: {  	[sflag:s29] =	ssyncset.done $0x0;
	s7 =	sadd.s32 @!p2 s8, s7;
	p3 =	por @!p1 !p4, p3  }
0x180: {  	s18 =	simm.s32 @!p2 $0x500;
	s7 =	sshrl.u32 @!p2 s7, $0x3;
	p3 =	por !p3, p1  }
0x181: {  	[sflag:s29] =	ssyncadd.s32 $0xFFFFEC00;
	s7 =	sadd.s32 @!p2 s2, s7;
	s18 =	simm.s32 @!p3 $0x0  }
0x182: {  	[tilespmem:s18], [sflag:$0x9] =	stream.linear.gather @!p2 [hbm4b:s7+s19], $0x500, $0x38;
	[tilespmem:$0x1E480] =	vst v63  }
0x183: {  	s9 =	sshrl.u32 @!p1 s9, $0x3;
	s7 =	simm.s32 @!p2 $0x9  }
0x184: {  	s9 =	smul.u32 @!p1 $0x14, s9;
	_ =	swait.ge @!p2 [sflag:s7], $0x500  }
0x185: {  	[sflag:s7] =	ssyncset.done @!p2 $0x0  }
0x186: {  	[sflag:s7] =	ssyncadd.s32 @!p2 $0xFFFFFB00;
	s7 =	ssub.s32 @!p1 s17, s9  }
0x187: {  	s9 =	simm.s32 @!p1 $0x50;
	s17 =	simm.s32 @!p1 $0x5C00;
	s7 =	sshll.u32 @!p1 s7, $0x7  }
0x188: {  	[tilespmem:s17], [sflag:$0x3] =	stream.indirect.gather @!p1 [spmem:s4], $0x80, s7, s9, $0xb8;
	[tilespmem:$0x1E480] =	vst v63  }
0x189: {  	s17 =	simm.s32 $0xC00  }
0x18a: {  	v8 =	vld [tilespmem:s17+$0x1400]  }
0x18b: {  	v0 =	vld [tilespmem:s17+$0x14F0]  }
0x18c: {  	v1 =	vld [tilespmem:s17+$0xF0]  }
0x18d: {  	v3 =	vld [tilespmem:s17+$0x10]  }
0x18e: {  	v5 =	vld [tilespmem:s17+$0x1410]  }
0x18f: {  	v9 =	vld [tilespmem:s17+$0xB0]  }
0x190: {  	v4 =	vld [tilespmem:s17+$0x20]  }
0x191: {  	v10 =	vld [tilespmem:s17+$0x0]  }
0x192: {  	v6 =	vld [tilespmem:s17+$0x1420]  }
0x193: {  	v7 =	vld [tilespmem:s17+$0x30]  }
0x194: {  	v11 =	vld [tilespmem:s17+$0x1430]  }
0x195: {  	v2 =	vld [tilespmem:s17+$0x40]  }
0x196: {  	v12 =	vld [tilespmem:s17+$0x70]  }
0x197: {  	v13 =	vld [tilespmem:s17+$0x1470]  }
0x198: {  	v14 =	vld [tilespmem:s17+$0x1440]  }
0x199: {  	v15 =	vld [tilespmem:s17+$0x50]  }
0x19a: {  	v16 =	vld [tilespmem:s17+$0x1450]  }
0x19b: {  	v17 =	vld [tilespmem:s17+$0x60]  }
0x19c: {  	v18 =	vld [tilespmem:s17+$0x1460]  }
0x19d: {  	v60 =	vld [tilespmem:s17+$0x80]  }
0x19e: {  	v19 =	vld [tilespmem:s17+$0x1480]  }
0x19f: {  	v61 =	vld [tilespmem:s17+$0x90]  }
0x1a0: {  	v20 =	vld [tilespmem:s17+$0x1490];
	v12 =	vmul.f32 v13, v12  }
0x1a1: {  	v63 =	vld [tilespmem:s17+$0x14B0];
	v0 =	vmul.f32 v0, v1  }
0x1a2: {  	v21 =	vld [tilespmem:s17+$0xA0];
	v1 =	vmul.f32 v16, v15;
	[tilespmem:s17+$0x70] =	vst v12  }
0x1a3: {  	v62 =	vld [tilespmem:s17+$0x14A0];
	v2 =	vmul.f32 v14, v2;
	v13 =	vmul.f32 v19, v60;
	[tilespmem:s17+$0xF0] =	vst v0  }
0x1a4: {  	v11 =	vmul.f32 v11, v7;
	v4 =	vmul.f32 v6, v4;
	v7 =	vld [tilespmem:s17+$0xD0];
	[tilespmem:s17+$0x50] =	vst v1  }
0x1a5: {  	v6 =	vmul.f32 v5, v3;
	v5 =	vld [tilespmem:s17+$0x14C0];
	v8 =	vmul.f32 v8, v10;
	[tilespmem:s17+$0x40] =	vst v2  }
0x1a6: {  	v10 =	vmul.f32 v63, v9;
	v9 =	vld [tilespmem:s17+$0xE0];
	v1 =	vmul.f32 v18, v17;
	[tilespmem:s17+$0x80] =	vst v13  }
0x1a7: {  	v2 =	vld [tilespmem:s17+$0x14D0];
	v12 =	vmul.f32 v20, v61;
	[tilespmem:s17+$0x30] =	vst v11  }
0x1a8: {  	v0 =	vld [tilespmem:s17+$0xC0];
	[tilespmem:s17+$0x60] =	vst v1  }
0x1a9: {  	s18 =	simm.s32 $0xD00;
	s7 =	simm.s32 $0x0;
	v3 =	vmul.f32 v62, v21;
	v1 =	vld [tilespmem:s17+$0x14E0];
	[tilespmem:s17+$0x90] =	vst v12  }
.LBB2_11:
0x1aa: {  	v11 =	vld [tilespmem:s18+$0x1400];
	s7 =	sadd.s32 $0x2, s7;
	[tilespmem:s17+$0xB0] =	vst v10  }
0x1ab: {  	v10 =	vld [tilespmem:s18+$0x14F0];
	p2 =	slt.u32 s7, $0x26;
	[tilespmem:s17+$0x20] =	vst v4  }
0x1ac: {  	v4 =	vld [tilespmem:s18+$0xF0];
	[tilespmem:s17+$0x10] =	vst v6;
	v2 =	vmul.f32 v2, v7  }
0x1ad: {  	v6 =	vld [tilespmem:s18+$0x10];
	[tilespmem:s17+$0x0] =	vst v8;
	v0 =	vmul.f32 v5, v0  }
0x1ae: {  	v5 =	vld [tilespmem:s18+$0x1410];
	[tilespmem:s17+$0xA0] =	vst v3;
	v1 =	vmul.f32 v1, v9  }
0x1af: {  	v9 =	vld [tilespmem:s18+$0xB0];
	[tilespmem:s17+$0xD0] =	vst v2  }
0x1b0: {  	v2 =	vld [tilespmem:s18+$0x20];
	[tilespmem:s17+$0xE0] =	vst v1  }
0x1b1: {  	v8 =	vld [tilespmem:s18+$0x0];
	v1 =	vmul.f32 v10, v4;
	[tilespmem:s17+$0xC0] =	vst v0;
	s17 =	smov.u32 s18  }
0x1b2: {  	v3 =	vld [tilespmem:s18+$0x1420]  }
0x1b3: {  	v0 =	vld [tilespmem:s18+$0x30];
	[tilespmem:s18+$0xF0] =	vst v1  }
0x1b4: {  	v1 =	vld [tilespmem:s18+$0x1430]  }
0x1b5: {  	v4 =	vld [tilespmem:s18+$0x40]  }
0x1b6: {  	v7 =	vld [tilespmem:s18+$0x1440]  }
0x1b7: {  	v10 =	vld [tilespmem:s18+$0x70]  }
0x1b8: {  	v12 =	vld [tilespmem:s18+$0x1470]  }
0x1b9: {  	v13 =	vld [tilespmem:s18+$0x50]  }
0x1ba: {  	v14 =	vld [tilespmem:s18+$0x1450]  }
0x1bb: {  	v15 =	vld [tilespmem:s18+$0x60]  }
0x1bc: {  	v16 =	vld [tilespmem:s18+$0x1460]  }
0x1bd: {  	v10 =	vmul.f32 v12, v10;
	v12 =	vld [tilespmem:s18+$0x80]  }
0x1be: {  	v17 =	vld [tilespmem:s18+$0x1480]  }
0x1bf: {  	v13 =	vmul.f32 v14, v13;
	[tilespmem:s18+$0x70] =	vst v10;
	v10 =	vld [tilespmem:s18+$0x90]  }
0x1c0: {  	v14 =	vld [tilespmem:s18+$0x1490]  }
0x1c1: {  	v4 =	vmul.f32 v7, v4;
	[tilespmem:s18+$0x50] =	vst v13;
	v7 =	vmul.f32 v16, v15;
	v13 =	vld [tilespmem:s18+$0xA0]  }
0x1c2: {  	v15 =	vld [tilespmem:s18+$0x14A0]  }
0x1c3: {  	v16 =	vmul.f32 v1, v0;
	[tilespmem:s18+$0x40] =	vst v4;
	v1 =	vmul.f32 v17, v12;
	v12 =	vld [tilespmem:s18+$0x14B0]  }
0x1c4: {  	[tilespmem:s18+$0x60] =	vst v7;
	v0 =	vld [tilespmem:s18+$0xC0]  }
.Ltmp4:
0x1c5: {  	v4 =	vmul.f32 v3, v2;
	[tilespmem:s18+$0x80] =	vst v1;
	v14 =	vmul.f32 v14, v10;
	v2 =	vld [tilespmem:s18+$0x14D0];
	(pc) =	sbr.rel @p2 .LBB2_11-.Ltmp4, $4  }
0x1c6: {  	v1 =	vld [tilespmem:s18+$0x14E0]  }
0x1c7: {  	v6 =	vmul.f32 v5, v6;
	[tilespmem:s18+$0x30] =	vst v16;
	v3 =	vmul.f32 v15, v13;
	v7 =	vld [tilespmem:s18+$0xD0]  }
0x1c8: {  	v8 =	vmul.f32 v11, v8;
	v10 =	vmul.f32 v12, v9;
	v5 =	vld [tilespmem:s18+$0x14C0]  }
0x1c9: {  	s18 =	sadd.s32 $0x100, s18;
	[tilespmem:s17+$0x90] =	vst v14;
	v9 =	vld [tilespmem:s17+$0xE0]  }
0x1ca: {  	[tilespmem:s17+$0xB0] =	vst v10  }
0x1cb: {  	[tilespmem:s17+$0x20] =	vst v4  }
0x1cc: {  	[tilespmem:s17+$0x10] =	vst v6  }
0x1cd: {  	[tilespmem:s17+$0x0] =	vst v8;
	s7 =	smul.u32 $0x28, s13;
	v2 =	vmul.f32 v2, v7  }
0x1ce: {  	[tilespmem:s17+$0xA0] =	vst v3;
	v0 =	vmul.f32 v5, v0  }
0x1cf: {  	s7 =	sadd.s32 s10, s7;
	v1 =	vmul.f32 v1, v9;
	[tilespmem:s17+$0xD0] =	vst v2  }
0x1d0: {  	s7 =	sshll.u32 s7, $0x4;
	[tilespmem:s17+$0xC0] =	vst v0  }
0x1d1: {  	s7 =	sadd.s32 s3, s7;
	[tilespmem:s17+$0xE0] =	vst v1  }
0x1d2: {  	[hbm4b:s7+s5] =	stream.linear.scatter [tilespmem:s26], [sflag:$0x5], $0x1400, $0x38;
	[tilespmem:$0x1E480] =	vst v63  }
0x1d3: {  	s7 =	sadd.s32 @!p1 $0x7, s12  }
0x1d4: {  	s9 =	smulhi.u32 @!p1 $0x66666667, s7  }
0x1d5: {  	_ =	swait.ge [sflag:s28], $0x2800  }
0x1d6: {  	[sflag:s28] =	ssyncset.done $0x0;
	s9 =	sshrl.u32 @!p1 s9, $0x3  }
0x1d7: {  	[sflag:s28] =	ssyncadd.s32 $0xFFFFD800;
	s9 =	smul.u32 @!p1 $0x14, s9  }
0x1d8: {  	_ =	swait.ge [sflag:s6], $0x1400  }
0x1d9: {  	s12 =	simm.s32 @!p1 $0x8400;
	[sflag:s6] =	ssyncset.done $0x0;
	s7 =	ssub.s32 @!p1 s7, s9  }
0x1da: {  	[sflag:s6] =	ssyncadd.s32 $0xFFFFEC00;
	s9 =	simm.s32 @!p1 $0x50;
	s7 =	sshll.u32 @!p1 s7, $0x7  }
0x1db: {  	[tilespmem:s12], [sflag:$0x4] =	stream.indirect.gather @!p1 [hbm4b:s1+s9], $0x80, s7, s9, $0xb8;
	[tilespmem:$0x1E480] =	vst v63  }
0x1dc: {  	s12 =	simm.s32 $0x3400  }
0x1dd: {  	v8 =	vld [tilespmem:s12+$0x1400]  }
0x1de: {  	v0 =	vld [tilespmem:s12+$0x14F0]  }
0x1df: {  	v1 =	vld [tilespmem:s12+$0xF0]  }
0x1e0: {  	v3 =	vld [tilespmem:s12+$0x10]  }
0x1e1: {  	v5 =	vld [tilespmem:s12+$0x1410]  }
0x1e2: {  	v9 =	vld [tilespmem:s12+$0xB0]  }
0x1e3: {  	v4 =	vld [tilespmem:s12+$0x20]  }
0x1e4: {  	v10 =	vld [tilespmem:s12+$0x0]  }
0x1e5: {  	v6 =	vld [tilespmem:s12+$0x1420]  }
0x1e6: {  	v7 =	vld [tilespmem:s12+$0x30]  }
0x1e7: {  	v11 =	vld [tilespmem:s12+$0x1430]  }
0x1e8: {  	v2 =	vld [tilespmem:s12+$0x40]  }
0x1e9: {  	v12 =	vld [tilespmem:s12+$0x70]  }
0x1ea: {  	v13 =	vld [tilespmem:s12+$0x1470]  }
0x1eb: {  	v14 =	vld [tilespmem:s12+$0x1440]  }
0x1ec: {  	v15 =	vld [tilespmem:s12+$0x50]  }
0x1ed: {  	v16 =	vld [tilespmem:s12+$0x1450]  }
0x1ee: {  	v17 =	vld [tilespmem:s12+$0x60]  }
0x1ef: {  	v18 =	vld [tilespmem:s12+$0x1460]  }
0x1f0: {  	v60 =	vld [tilespmem:s12+$0x80]  }
0x1f1: {  	v19 =	vld [tilespmem:s12+$0x1480]  }
0x1f2: {  	v61 =	vld [tilespmem:s12+$0x90]  }
0x1f3: {  	v20 =	vld [tilespmem:s12+$0x1490];
	v12 =	vmul.f32 v13, v12  }
0x1f4: {  	v63 =	vld [tilespmem:s12+$0x14B0];
	v0 =	vmul.f32 v0, v1  }
0x1f5: {  	v21 =	vld [tilespmem:s12+$0xA0];
	v1 =	vmul.f32 v16, v15;
	[tilespmem:s12+$0x70] =	vst v12  }
0x1f6: {  	v62 =	vld [tilespmem:s12+$0x14A0];
	v2 =	vmul.f32 v14, v2;
	v13 =	vmul.f32 v19, v60;
	[tilespmem:s12+$0xF0] =	vst v0  }
0x1f7: {  	v11 =	vmul.f32 v11, v7;
	v4 =	vmul.f32 v6, v4;
	v7 =	vld [tilespmem:s12+$0xD0];
	[tilespmem:s12+$0x50] =	vst v1  }
0x1f8: {  	v6 =	vmul.f32 v5, v3;
	v5 =	vld [tilespmem:s12+$0x14C0];
	v8 =	vmul.f32 v8, v10;
	[tilespmem:s12+$0x40] =	vst v2  }
0x1f9: {  	v10 =	vmul.f32 v63, v9;
	v9 =	vld [tilespmem:s12+$0xE0];
	v1 =	vmul.f32 v18, v17;
	[tilespmem:s12+$0x80] =	vst v13  }
0x1fa: {  	v2 =	vld [tilespmem:s12+$0x14D0];
	v12 =	vmul.f32 v20, v61;
	[tilespmem:s12+$0x30] =	vst v11  }
0x1fb: {  	v0 =	vld [tilespmem:s12+$0xC0];
	[tilespmem:s12+$0x60] =	vst v1  }
0x1fc: {  	s13 =	simm.s32 $0x3500;
	s7 =	simm.s32 $0x0;
	v3 =	vmul.f32 v62, v21;
	v1 =	vld [tilespmem:s12+$0x14E0];
	[tilespmem:s12+$0x90] =	vst v12  }
.LBB2_13:
0x1fd: {  	v11 =	vld [tilespmem:s13+$0x1400];
	s7 =	sadd.s32 $0x2, s7;
	[tilespmem:s12+$0xB0] =	vst v10  }
0x1fe: {  	v10 =	vld [tilespmem:s13+$0x14F0];
	p1 =	slt.u32 s7, $0x26;
	[tilespmem:s12+$0x20] =	vst v4  }
0x1ff: {  	v4 =	vld [tilespmem:s13+$0xF0];
	[tilespmem:s12+$0x10] =	vst v6;
	v2 =	vmul.f32 v2, v7  }
0x200: {  	v6 =	vld [tilespmem:s13+$0x10];
	[tilespmem:s12+$0x0] =	vst v8;
	v0 =	vmul.f32 v5, v0  }
0x201: {  	v5 =	vld [tilespmem:s13+$0x1410];
	[tilespmem:s12+$0xA0] =	vst v3;
	v1 =	vmul.f32 v1, v9  }
0x202: {  	v9 =	vld [tilespmem:s13+$0xB0];
	[tilespmem:s12+$0xD0] =	vst v2  }
0x203: {  	v2 =	vld [tilespmem:s13+$0x20];
	[tilespmem:s12+$0xE0] =	vst v1  }
0x204: {  	v8 =	vld [tilespmem:s13+$0x0];
	v1 =	vmul.f32 v10, v4;
	[tilespmem:s12+$0xC0] =	vst v0;
	s12 =	smov.u32 s13  }
0x205: {  	v3 =	vld [tilespmem:s13+$0x1420]  }
0x206: {  	v0 =	vld [tilespmem:s13+$0x30];
	[tilespmem:s13+$0xF0] =	vst v1  }
0x207: {  	v1 =	vld [tilespmem:s13+$0x1430]  }
0x208: {  	v4 =	vld [tilespmem:s13+$0x40]  }
0x209: {  	v7 =	vld [tilespmem:s13+$0x1440]  }
0x20a: {  	v10 =	vld [tilespmem:s13+$0x70]  }
0x20b: {  	v12 =	vld [tilespmem:s13+$0x1470]  }
0x20c: {  	v13 =	vld [tilespmem:s13+$0x50]  }
0x20d: {  	v14 =	vld [tilespmem:s13+$0x1450]  }
0x20e: {  	v15 =	vld [tilespmem:s13+$0x60]  }
0x20f: {  	v16 =	vld [tilespmem:s13+$0x1460]  }
0x210: {  	v10 =	vmul.f32 v12, v10;
	v12 =	vld [tilespmem:s13+$0x80]  }
0x211: {  	v17 =	vld [tilespmem:s13+$0x1480]  }
0x212: {  	v13 =	vmul.f32 v14, v13;
	[tilespmem:s13+$0x70] =	vst v10;
	v10 =	vld [tilespmem:s13+$0x90]  }
0x213: {  	v14 =	vld [tilespmem:s13+$0x1490]  }
0x214: {  	v4 =	vmul.f32 v7, v4;
	[tilespmem:s13+$0x50] =	vst v13;
	v7 =	vmul.f32 v16, v15;
	v13 =	vld [tilespmem:s13+$0xA0]  }
0x215: {  	v15 =	vld [tilespmem:s13+$0x14A0]  }
0x216: {  	v16 =	vmul.f32 v1, v0;
	[tilespmem:s13+$0x40] =	vst v4;
	v1 =	vmul.f32 v17, v12;
	v12 =	vld [tilespmem:s13+$0x14B0]  }
0x217: {  	[tilespmem:s13+$0x60] =	vst v7;
	v0 =	vld [tilespmem:s13+$0xC0]  }
.Ltmp5:
0x218: {  	v4 =	vmul.f32 v3, v2;
	[tilespmem:s13+$0x80] =	vst v1;
	v14 =	vmul.f32 v14, v10;
	v2 =	vld [tilespmem:s13+$0x14D0];
	(pc) =	sbr.rel @p1 .LBB2_13-.Ltmp5, $4  }
0x219: {  	v1 =	vld [tilespmem:s13+$0x14E0]  }
0x21a: {  	v6 =	vmul.f32 v5, v6;
	[tilespmem:s13+$0x30] =	vst v16;
	v3 =	vmul.f32 v15, v13;
	v7 =	vld [tilespmem:s13+$0xD0]  }
0x21b: {  	v8 =	vmul.f32 v11, v8;
	v10 =	vmul.f32 v12, v9;
	v5 =	vld [tilespmem:s13+$0x14C0]  }
0x21c: {  	s13 =	sadd.s32 $0x100, s13;
	[tilespmem:s12+$0x90] =	vst v14;
	v9 =	vld [tilespmem:s12+$0xE0]  }
0x21d: {  	[tilespmem:s12+$0xB0] =	vst v10  }
0x21e: {  	[tilespmem:s12+$0x20] =	vst v4  }
0x21f: {  	[tilespmem:s12+$0x10] =	vst v6;
	s11 =	sadd.s32 $0x1, s11  }
0x220: {  	[tilespmem:s12+$0x0] =	vst v8;
	s7 =	smul.u32 $0x28, s16;
	p1 =	sne.s32 s11, $0x3E;
	v2 =	vmul.f32 v2, v7  }
.Ltmp6:
0x221: {  	[tilespmem:s12+$0xA0] =	vst v3;
	v0 =	vmul.f32 v5, v0;
	(pc) =	sbr.rel @p1 .LBB2_6-.Ltmp6, $4  }
0x222: {  	s7 =	sadd.s32 s10, s7;
	v1 =	vmul.f32 v1, v9;
	[tilespmem:s12+$0xD0] =	vst v2  }
0x223: {  	s7 =	sshll.u32 s7, $0x4;
	[tilespmem:s12+$0xC0] =	vst v0  }
0x224: {  	s7 =	sadd.s32 s3, s7;
	[tilespmem:s12+$0xE0] =	vst v1  }
0x225: {  	[hbm4b:s7+s5] =	stream.linear.scatter [tilespmem:s22], [sflag:$0x6], $0x1400, $0x38;
	[tilespmem:$0x1E480] =	vst v63  }
0x226: {  	_ =	swait.ge [sflag:s0], $0x1400  }
0x227: {  	[sflag:s0] =	ssyncset.done $0x0  }
0x228: {  	[sflag:s0] =	ssyncadd.s32 $0xFFFFEC00  }
0x229: {  	_ =	swait.ge [sflag:s24], $0x1400  }
0x22a: {  	s9 =	rddreg [dreg:$0xe]  }
0x22b: {  	s7 =	rddreg [dreg:$0xb];
	s9 =	sadd.s32 $0x1, s9  }
0x22c: {  	p1 =	sne.s32 s9, s7  }
.Ltmp7:
0x22d: {  	_ = 	snop;
	(pc) =	sbr.rel @p1 .LBB2_1-.Ltmp7, $3  }
0x22e: {  	_ =	sdelay $0x1  }
0x22f: {  	[sflag:s24] =	ssyncset.done $0x0  }
0x230: {  	[sflag:s24] =	ssyncadd.s32 $0xFFFFEC00  }
0x231: {  	_ =	sfence.sel $0x180000  }
0x232: {  	[bflag:$0x0] =	sbarrier.arrive $0xFFFF  }
0x233: {  	_ =	strace $0x90000047  }
0x234: {  	[bflag:$0x2] =	sbarrier.arrive $0xFFFF  }
0x235: {  	s0 =	rddreg [dreg:$0x4]  }
0x236: {  	s0 =	sadd.s32 @!p0 $0x100000, s0  }
0x237: {  	[sflag:s0] =	ssyncadd.tile.s32 @!p0 $0x1;
	_ =	shalt  }
.Lfunc_end2:
_tile_overlayer_lowered:
.L_overlay_start_2:
0x238: {  	(tag) =	ssettag $0x2  }
0x239: {  	s0 =	rddreg [dreg:$0x0];
	s2 =	stileid.u32  }
0x23a: {  	s1 =	rddreg [dreg:$0x1];
	p0 =	sne.s32 s2, $0x0  }
0x23b: {  	s3 =	rddreg [dreg:$0x2];
	[bflag:$0x3] =	sbarrier.arrive $0xFFFF;
	s2 =	simm.s32 @!p0 $0x1C09  }
0x23c: {  	[timem:s3], [sflag:s2] =	dma.local @!p0 [hbm:s0], s1  }
0x23d: {  	s0 =	simm.s32 @!p0 $0x9  }
0x23e: {  	_ =	swait.ge @!p0 [sflag:s0], s1  }
0x23f: {  	s1 =	ssub.s32 @!p0 $0x0, s1;
	[sflag:s0] =	ssyncset.done @!p0 $0x0  }
0x240: {  	[sflag:s0] =	ssyncadd.s32 @!p0 s1  }
0x241: {  	[bflag:$0x3] =	sbarrier.arrive $0xFFFF  }
0x242: {  	_ =	shalt  }

</sc_bundles>
